<compile_context>
chip_gen: v7x
topology: tpu7x:2x2x1
jax: 0.10.2.dev20260603
libtpu: 0.0.44.dev20260713+nightly
codegen_flags: <defaults>
</compile_context>

<pallas_src>
import functools

import jax
import jax.numpy as jnp
import numpy as np
from jax import lax
from jax.experimental import pallas as pl
from jax.experimental.pallas import tpu as pltpu
from jax.experimental.pallas import tpu_sc as plsc

N_S = 16
SH_DIM = 9
DIST_EMB = 32
MAX_RADIUS = 10.0

_CHUNK = 128
_NC = 2
_NS = 16
_NW = _NC * _NS


def _make_geom_consts(off_s, w_s, off_d, w_d):
    qa_s = np.zeros((w_s, 16), np.float32)
    qb_s = np.zeros((w_s, 16), np.float32)
    qa_d = np.zeros((w_d, 16), np.float32)
    qb_d = np.zeros((w_d, 16), np.float32)
    for q, off in ((qa_s, off_s), (qa_d, off_d)):
        for lane, comp in ((0, 0), (1, 1), (2, 2), (3, 0), (4, 1), (5, 2),
                           (6, 0), (7, 0), (8, 1)):
            q[off + comp, lane] = 1.0
    for q, off in ((qb_s, off_s), (qb_d, off_d)):
        for lane, comp in ((3, 0), (4, 1), (5, 2), (6, 1), (7, 2), (8, 2)):
            q[off + comp, lane] = 1.0
    cb = np.zeros((16,), np.float32)
    cb[0:3] = 1.0
    g16 = np.zeros((16, 16), np.float32)
    g16[3:6, :] = 1.0
    g32 = np.zeros((16, DIST_EMB), np.float32)
    g32[3:6, :] = 1.0
    s3 = np.sqrt(3.0)
    s15 = np.sqrt(15.0)
    s5 = np.sqrt(5.0)
    H = np.zeros((16, 16), np.float32)
    h0 = np.zeros((16,), np.float32)
    h0[0] = 1.0
    H[0, 1] = s3
    H[1, 2] = s3
    H[2, 3] = s3
    H[6, 4] = s15
    H[8, 5] = s15
    H[5, 6] = 1.5 * s5
    h0[6] = -0.5 * s5
    H[7, 7] = s15
    H[3, 8] = 0.5 * s15
    H[4, 8] = -0.5 * s15
    return (jnp.asarray(qa_s), jnp.asarray(qb_s), jnp.asarray(qa_d),
            jnp.asarray(qb_d), jnp.asarray(cb), jnp.asarray(g16),
            jnp.asarray(g32), jnp.asarray(H), jnp.asarray(h0))


def _geom(gs, gd, qas, qbs, qad, qbd, cb, g16, g32, H, h0):
    if gs.shape[1] == gd.shape[1]:
        ev = gd - gs
        am = jnp.dot(ev, qad, preferred_element_type=jnp.float32)
        bm = jnp.dot(ev, qbd, preferred_element_type=jnp.float32) + cb
    else:
        am = (jnp.dot(gd, qad, preferred_element_type=jnp.float32)
              - jnp.dot(gs, qas, preferred_element_type=jnp.float32))
        bm = (jnp.dot(gd, qbd, preferred_element_type=jnp.float32)
              - jnp.dot(gs, qbs, preferred_element_type=jnp.float32)) + cb
    m = am * bm
    v32 = jnp.dot(m, g32, preferred_element_type=jnp.float32) + 1e-12
    d32 = jnp.sqrt(v32)
    inv = 1.0 / d32[:, 0:16]
    lane = lax.broadcasted_iota(jnp.int32, (1, 16), 1)
    um = m * jnp.where(lane < 3, inv, inv * inv)
    sh16 = jnp.dot(um, H, preferred_element_type=jnp.float32) + h0
    return d32, sh16


def _edge_mlp(dist, eeW1, eeb1, eeW2, eeb2):
    mu = lax.broadcasted_iota(jnp.int32, (1, DIST_EMB), 1).astype(jnp.float32) * (
        MAX_RADIUS / (DIST_EMB - 1))
    coeff = -0.5 / (MAX_RADIUS / (DIST_EMB - 1)) ** 2
    dmu = dist - mu
    sm = jnp.exp(coeff * dmu * dmu)
    e = jnp.maximum(
        jnp.dot(sm, eeW1, preferred_element_type=jnp.float32) + eeb1, 0.0)
    return jnp.dot(e, eeW2, preferred_element_type=jnp.float32) + eeb2


def _weight_mlp(e, hd, hs16, fA, fB, fC, fb1, fW2, fb2):
    t = jnp.maximum(
        jnp.dot(e, fA, preferred_element_type=jnp.float32)
        + jnp.dot(hd, fB, preferred_element_type=jnp.float32)
        + jnp.dot(hs16, fC, preferred_element_type=jnp.float32)
        + fb1, 0.0)
    return jnp.dot(t, fW2, preferred_element_type=jnp.float32) + fb2



def _node_mlp_body(x_ref, p_ref, w1_ref, b1_ref, w2_ref, b2_ref, o_ref):
    h = jnp.maximum(
        jnp.dot(x_ref[...], w1_ref[...], preferred_element_type=jnp.float32)
        + b1_ref[...], 0.0)
    h = jnp.dot(h, w2_ref[...], preferred_element_type=jnp.float32) + b2_ref[...]
    blk = h.shape[0]
    pad = jnp.zeros((blk, 32 - N_S - 3), jnp.float32)
    o_ref[...] = jnp.concatenate([h, p_ref[...], pad], axis=1)


def _node_mlp(x, pos, w1, b1, w2, b2):
    n, fi = x.shape
    blk = 2000
    return pl.pallas_call(
        _node_mlp_body,
        grid=(n // blk,),
        in_specs=[
            pl.BlockSpec((blk, fi), lambda i: (i, 0)),
            pl.BlockSpec((blk, 3), lambda i: (i, 0)),
            pl.BlockSpec((fi, N_S), lambda i: (0, 0)),
            pl.BlockSpec((N_S,), lambda i: (0,)),
            pl.BlockSpec((N_S, N_S), lambda i: (0, 0)),
            pl.BlockSpec((N_S,), lambda i: (0,)),
        ],
        out_specs=pl.BlockSpec((blk, 32), lambda i: (i, 0)),
        out_shape=jax.ShapeDtypeStruct((n, 32), jnp.float32),
    )(x, pos, w1, b1, w2, b2)


def _edge0_body(gs_ref, gd_ref, eeW1_ref, eeb1_ref, eeW2_ref, eeb2_ref,
                fA_ref, fB_ref, fC_ref, fb1_ref, fW2_ref, fb2_ref, tpW_ref,
                qas_ref, qbs_ref, qad_ref, qbd_ref, cb_ref, g16_ref, g32_ref,
                H_ref, h0_ref, tp_ref):
    gs = gs_ref[...]
    gd = gd_ref[...]
    blk = gs.shape[0]
    hs = gs[:, 0:N_S]
    hd = gd[:, 0:N_S]
    dist, sh16 = _geom(gs, gd, qas_ref[...], qbs_ref[...], qad_ref[...],
                       qbd_ref[...], cb_ref[...], g16_ref[...], g32_ref[...],
                       H_ref[...], h0_ref[...])
    e = _edge_mlp(dist, eeW1_ref[...], eeb1_ref[...], eeW2_ref[...],
                  eeb2_ref[...])
    w = _weight_mlp(e, hd, hs, fA_ref[...], fB_ref[...], fC_ref[...],
                    fb1_ref[...], fW2_ref[...], fb2_ref[...])
    acc = sh16[:, 0:1] * jnp.dot(hs, tpW_ref[0],
                                 preferred_element_type=jnp.float32)
    for k in range(1, SH_DIM):
        acc = acc + sh16[:, k:k + 1] * jnp.dot(
            hs, tpW_ref[k], preferred_element_type=jnp.float32)
    ones_col = jnp.where(
        lax.broadcasted_iota(jnp.int32, (blk, 16), 1) == 0, 1.0, 0.0)
    tp_ref[...] = jnp.concatenate([acc * w, ones_col], axis=1)


def _edge0(gs, gd, eeW1, eeb1, eeW2, eeb2, fA, fB, fC, fb1, fW2, fb2, tpW,
           geom_consts):
    e_total = gs.shape[0]
    blk = 4000
    d_out = tpW.shape[2]
    full = lambda a: pl.BlockSpec(a.shape, lambda i: (0,) * a.ndim)
    return pl.pallas_call(
        _edge0_body,
        grid=(e_total // blk,),
        in_specs=[
            pl.BlockSpec((blk, 32), lambda i: (i, 0)),
            pl.BlockSpec((blk, 32), lambda i: (i, 0)),
            full(eeW1), full(eeb1), full(eeW2), full(eeb2),
            full(fA), full(fB), full(fC), full(fb1), full(fW2), full(fb2),
            full(tpW),
        ] + [full(c) for c in geom_consts],
        out_specs=pl.BlockSpec((blk, d_out + 16), lambda i: (i, 0)),
        out_shape=jax.ShapeDtypeStruct((e_total, d_out + 16), jnp.float32),
    )(gs, gd, eeW1, eeb1, eeW2, eeb2, fA, fB, fC, fb1, fW2, fb2, tpW,
      *geom_consts)


def _update_body(p0_ref, p1_ref, t0_ref, h1e_ref, h1d_ref, rec_ref):
    s = p0_ref[0] + p1_ref[0]
    cnt = s[:, 64:65]
    rec = 1.0 / jnp.maximum(cnt, 1.0)
    out64 = s[:, 0:64] * rec
    blk = out64.shape[0]
    t0 = t0_ref[...]
    h16 = t0[:, 0:N_S]
    p3 = t0[:, N_S:N_S + 3]
    h1 = jnp.concatenate(
        [h16, jnp.zeros((blk, 64 - N_S), jnp.float32)], axis=1) + out64
    zpad = jnp.zeros((blk, 13), jnp.float32)
    h1e_ref[...] = jnp.concatenate([h1, p3, zpad], axis=1)
    h1d_ref[...] = jnp.concatenate([h1[:, 0:N_S], p3, zpad], axis=1)
    rec_ref[...] = rec


def _update(acc0, t0):
    n = t0.shape[0]
    blk = 2000
    return pl.pallas_call(
        _update_body,
        grid=(n // blk,),
        in_specs=[
            pl.BlockSpec((1, blk, 80), lambda i: (0, i, 0)),
            pl.BlockSpec((1, blk, 80), lambda i: (1, i, 0)),
            pl.BlockSpec((blk, 32), lambda i: (i, 0)),
        ],
        out_specs=[
            pl.BlockSpec((blk, 80), lambda i: (i, 0)),
            pl.BlockSpec((blk, 32), lambda i: (i, 0)),
            pl.BlockSpec((blk, 1), lambda i: (i, 0)),
        ],
        out_shape=[
            jax.ShapeDtypeStruct((n, 80), jnp.float32),
            jax.ShapeDtypeStruct((n, 32), jnp.float32),
            jax.ShapeDtypeStruct((n, 1), jnp.float32),
        ],
    )(acc0.reshape(2, n, 80), acc0.reshape(2, n, 80), t0)


def _edge1_body(hs_ref, hd_ref, eeW1_ref, eeb1_ref, eeW2_ref, eeb2_ref,
                fA_ref, fB_ref, fC_ref, fb1_ref, fW2_ref, fb2_ref, tpW_ref,
                qas_ref, qbs_ref, qad_ref, qbd_ref, cb_ref, g16_ref, g32_ref,
                H_ref, h0_ref, o_ref):
    hs80 = hs_ref[...]
    hd32 = hd_ref[...]
    hs = hs80[:, 0:64]
    hd = hd32[:, 0:N_S]
    dist, sh16 = _geom(hs80, hd32, qas_ref[...], qbs_ref[...], qad_ref[...],
                       qbd_ref[...], cb_ref[...], g16_ref[...], g32_ref[...],
                       H_ref[...], h0_ref[...])
    e = _edge_mlp(dist, eeW1_ref[...], eeb1_ref[...], eeW2_ref[...],
                  eeb2_ref[...])
    w = _weight_mlp(e, hd, hs[:, 0:N_S], fA_ref[...], fB_ref[...], fC_ref[...],
                    fb1_ref[...], fW2_ref[...], fb2_ref[...])
    acc = sh16[:, 0:1] * jnp.dot(hs, tpW_ref[0],
                                 preferred_element_type=jnp.float32)
    for k in range(1, SH_DIM):
        acc = acc + sh16[:, k:k + 1] * jnp.dot(
            hs, tpW_ref[k], preferred_element_type=jnp.float32)
    o_ref[...] = acc * w


def _edge1(hs, hd, eeW1, eeb1, eeW2, eeb2, fA, fB, fC, fb1, fW2, fb2, tpW,
           geom_consts):
    e_total = hs.shape[0]
    blk = 4000
    full = lambda a: pl.BlockSpec(a.shape, lambda i: (0,) * a.ndim)
    return pl.pallas_call(
        _edge1_body,
        grid=(e_total // blk,),
        in_specs=[
            pl.BlockSpec((blk, 80), lambda i: (i, 0)),
            pl.BlockSpec((blk, 32), lambda i: (i, 0)),
            full(eeW1), full(eeb1), full(eeW2), full(eeb2),
            full(fA), full(fB), full(fC), full(fb1), full(fW2), full(fb2),
            full(tpW),
        ] + [full(c) for c in geom_consts],
        out_specs=pl.BlockSpec((blk, N_S), lambda i: (i, 0)),
        out_shape=jax.ShapeDtypeStruct((e_total, N_S), jnp.float32),
    )(hs, hd, eeW1, eeb1, eeW2, eeb2, fA, fB, fC, fb1, fW2, fb2, tpW,
      *geom_consts)


def _final_body(p0_ref, p1_ref, h1d_ref, rec_ref, w1_ref, b1_ref, w2_ref,
                b2_ref, w3_ref, b3_ref, o_ref):
    s16 = (p0_ref[0] + p1_ref[0]) * rec_ref[...]
    hn = h1d_ref[...][:, 0:N_S] + s16
    t = jnp.maximum(
        jnp.dot(hn, w1_ref[...], preferred_element_type=jnp.float32)
        + b1_ref[...], 0.0)
    t = jnp.maximum(
        jnp.dot(t, w2_ref[...], preferred_element_type=jnp.float32)
        + b2_ref[...], 0.0)
    o_ref[...] = jnp.dot(
        t, w3_ref[...], preferred_element_type=jnp.float32) + b3_ref[...]


def _final(acc1, h1d, rec, w1, b1, w2, b2, w3, b3):
    n = h1d.shape[0]
    blk = 2000
    full = lambda a: pl.BlockSpec(a.shape, lambda i: (0,) * a.ndim)
    return pl.pallas_call(
        _final_body,
        grid=(n // blk,),
        in_specs=[
            pl.BlockSpec((1, blk, N_S), lambda i: (0, i, 0)),
            pl.BlockSpec((1, blk, N_S), lambda i: (1, i, 0)),
            pl.BlockSpec((blk, 32), lambda i: (i, 0)),
            pl.BlockSpec((blk, 1), lambda i: (i, 0)),
            full(w1), full(b1), full(w2), full(b2), full(w3), full(b3),
        ],
        out_specs=pl.BlockSpec((blk, 1), lambda i: (i, 0)),
        out_shape=jax.ShapeDtypeStruct((n, 1), jnp.float32),
    )(acc1.reshape(2, n, N_S), acc1.reshape(2, n, N_S), h1d, rec,
      w1, b1, w2, b2, w3, b3)



def _sc_gather2(ta, ia, tb, ib):
    e_total = ia.shape[0]
    da = ta.shape[1]
    db = tb.shape[1]
    nchunk = e_total // _CHUNK
    per_w = (nchunk + _NW - 1) // _NW
    mesh = plsc.VectorSubcoreMesh(core_axis_name="c", subcore_axis_name="s")

    @functools.partial(
        pl.kernel,
        out_type=(
            jax.ShapeDtypeStruct((e_total, da), jnp.float32),
            jax.ShapeDtypeStruct((e_total, db), jnp.float32),
        ),
        mesh=mesh,
        scratch_types=[
            pltpu.VMEM((_CHUNK,), jnp.int32),
            pltpu.VMEM((_CHUNK, da), jnp.float32),
            pltpu.VMEM((_CHUNK,), jnp.int32),
            pltpu.VMEM((_CHUNK, db), jnp.float32),
        ],
        compiler_params=pltpu.CompilerParams(use_tc_tiling_on_sc=False),
    )
    def k(ta_hbm, ia_hbm, tb_hbm, ib_hbm, oa_hbm, ob_hbm,
          ia_v, ra_v, ib_v, rb_v):
        w = lax.axis_index("s") * _NC + lax.axis_index("c")

        def body(j, carry):
            cid = w * per_w + j

            @pl.when(cid < nchunk)
            def _():
                off = cid * _CHUNK
                pltpu.sync_copy(ia_hbm.at[pl.ds(off, _CHUNK)], ia_v)
                pltpu.sync_copy(ta_hbm.at[ia_v], ra_v)
                pltpu.sync_copy(ra_v, oa_hbm.at[pl.ds(off, _CHUNK)])
                pltpu.sync_copy(ib_hbm.at[pl.ds(off, _CHUNK)], ib_v)
                pltpu.sync_copy(tb_hbm.at[ib_v], rb_v)
                pltpu.sync_copy(rb_v, ob_hbm.at[pl.ds(off, _CHUNK)])

            return carry

        lax.fori_loop(0, per_w, body, 0)

    return k(ta, ia, tb, ib)


def _sc_scatter(rows, idx, n_nodes, zrows):
    e_total, d = rows.shape
    nchunk = e_total // _CHUNK
    per_w = (nchunk + _NW - 1) // _NW
    stripe = n_nodes // _NS
    mesh = plsc.VectorSubcoreMesh(core_axis_name="c", subcore_axis_name="s")

    @functools.partial(
        pl.kernel,
        out_type=jax.ShapeDtypeStruct((2 * n_nodes, d), jnp.float32),
        mesh=mesh,
        scratch_types=[
            pltpu.VMEM((_CHUNK,), jnp.int32),
            pltpu.VMEM((_CHUNK, d), jnp.float32),
            pltpu.VMEM((stripe, d), jnp.float32),
            pltpu.VMEM_SHARED((n_nodes, d), jnp.float32),
        ],
        compiler_params=pltpu.CompilerParams(use_tc_tiling_on_sc=False),
    )
    def k(rows_hbm, idx_hbm, z_hbm, out_hbm, idx_v, rv, zb, acc):
        c = lax.axis_index("c")
        s = lax.axis_index("s")
        w = s * _NC + c
        pltpu.sync_copy(z_hbm, zb)
        pltpu.sync_copy(zb, acc.at[pl.ds(s * stripe, stripe)])
        plsc.subcore_barrier()

        def body(j, carry):
            cid = w * per_w + j

            @pl.when(cid < nchunk)
            def _():
                off = cid * _CHUNK
                pltpu.sync_copy(idx_hbm.at[pl.ds(off, _CHUNK)], idx_v)
                pltpu.sync_copy(rows_hbm.at[pl.ds(off, _CHUNK)], rv)
                pltpu.sync_copy(rv, acc.at[idx_v], add=True)

            return carry

        lax.fori_loop(0, per_w, body, 0)
        plsc.subcore_barrier()
        pltpu.sync_copy(acc.at[pl.ds(s * stripe, stripe)], zb)
        pltpu.sync_copy(zb, out_hbm.at[pl.ds(c * n_nodes + s * stripe, stripe)])

    return k(rows, idx, zrows)



def kernel(x, pos, edge_index, ne_W1, ne_b1, ne_W2, ne_b2, ee_W1, ee_b1,
           ee_W2, ee_b2, fc0_W1, fc0_b1, fc0_W2, fc0_b2, tp0_W, fc1_W1,
           fc1_b1, fc1_W2, fc1_b2, tp1_W, sp_W1, sp_b1, sp_W2, sp_b2,
           sp_W3, sp_b3):
    n = x.shape[0]
    src = edge_index[0]
    dst = edge_index[1]

    d0 = tp0_W.shape[1]
    tp0_Wk = tp0_W.reshape(N_S, SH_DIM, d0).transpose(1, 0, 2)
    tp1_Wk = tp1_W.reshape(64, SH_DIM, -1)[:, :, :N_S].transpose(1, 0, 2)
    f0A = fc0_W1[0:N_S]
    f0B = fc0_W1[N_S:2 * N_S]
    f0C = fc0_W1[2 * N_S:3 * N_S]
    f1A = fc1_W1[0:N_S]
    f1B = fc1_W1[N_S:2 * N_S]
    f1C = fc1_W1[2 * N_S:3 * N_S]
    fc1_W2_16 = fc1_W2[:, :N_S]
    fc1_b2_16 = fc1_b2[:N_S]

    gc0 = _make_geom_consts(N_S, 32, N_S, 32)
    gc1 = _make_geom_consts(64, 80, N_S, 32)

    t0 = _node_mlp(x, pos, ne_W1, ne_b1, ne_W2, ne_b2)
    gs, gd = _sc_gather2(t0, src, t0, dst)
    tp0e = _edge0(gs, gd, ee_W1, ee_b1, ee_W2, ee_b2,
                  f0A, f0B, f0C, fc0_b1, fc0_W2, fc0_b2, tp0_Wk, gc0)
    z80 = jnp.zeros((n // _NS, 80), jnp.float32)
    acc0 = _sc_scatter(tp0e, dst, n, z80)
    h1e, h1d, rec = _update(acc0, t0)
    hs, hd = _sc_gather2(h1e, src, h1d, dst)
    tp1e = _edge1(hs, hd, ee_W1, ee_b1, ee_W2, ee_b2,
                  f1A, f1B, f1C, fc1_b1, fc1_W2_16, fc1_b2_16, tp1_Wk, gc1)
    z16 = jnp.zeros((n // _NS, N_S), jnp.float32)
    acc1 = _sc_scatter(tp1e, dst, n, z16)
    return _final(acc1, h1d, rec, sp_W1, sp_b1, sp_W2, sp_b2, sp_W3, sp_b3)

# --- scband reference (transcript-rebuilt; emitter-appended) ---
"""Pipeline reference for scband-equi-react-74225624809869 (READ-ONLY COPY).

The authoritative reference and input builder live on the scoring server;
editing this copy changes nothing except your own understanding.
"""

import jax, jax.numpy as jnp
import numpy as np

N_NODES = 10000
NODE_FDIM = 128
N_EDGES = 160000
N_S = 16
SH_DIM = 9
DIST_EMB = 32
MAX_RADIUS = 10.0
IN_DIMS = [16, 64]
OUT_DIMS = [64, 112]
EDGE_FDIM_MP = 3 * N_S  # 48


def _lin(key, fi, fo):
    k1, k2 = jax.random.split(key)
    lim = 1.0 / np.sqrt(fi)
    W = jax.random.uniform(k1, (fi, fo), minval=-lim, maxval=lim, dtype=jnp.float32)
    b = jax.random.uniform(k2, (fo,), minval=-lim, maxval=lim, dtype=jnp.float32)
    return W, b


def setup_inputs(seed: int = 0) -> dict:
    key = jax.random.key(seed)
    ks = jax.random.split(key, 24)
    inp = {}
    inp['x'] = jax.random.normal(ks[0], (N_NODES, NODE_FDIM), dtype=jnp.float32)
    inp['pos'] = jax.random.normal(ks[1], (N_NODES, 3), dtype=jnp.float32) * 3.0
    inp['edge_index'] = jax.random.randint(ks[2], (2, N_EDGES), 0, N_NODES, dtype=jnp.int32)
    inp['ne_W1'], inp['ne_b1'] = _lin(ks[3], NODE_FDIM, N_S)
    inp['ne_W2'], inp['ne_b2'] = _lin(ks[4], N_S, N_S)
    inp['ee_W1'], inp['ee_b1'] = _lin(ks[5], DIST_EMB, N_S)
    inp['ee_W2'], inp['ee_b2'] = _lin(ks[6], N_S, N_S)
    inp['fc0_W1'], inp['fc0_b1'] = _lin(ks[7], EDGE_FDIM_MP, EDGE_FDIM_MP)
    inp['fc0_W2'], inp['fc0_b2'] = _lin(ks[8], EDGE_FDIM_MP, OUT_DIMS[0])
    inp['tp0_W'] = jax.random.normal(ks[9], (IN_DIMS[0] * SH_DIM, OUT_DIMS[0]), dtype=jnp.float32) / np.sqrt(IN_DIMS[0] * SH_DIM)
    inp['fc1_W1'], inp['fc1_b1'] = _lin(ks[10], EDGE_FDIM_MP, EDGE_FDIM_MP)
    inp['fc1_W2'], inp['fc1_b2'] = _lin(ks[11], EDGE_FDIM_MP, OUT_DIMS[1])
    inp['tp1_W'] = jax.random.normal(ks[12], (IN_DIMS[1] * SH_DIM, OUT_DIMS[1]), dtype=jnp.float32) / np.sqrt(IN_DIMS[1] * SH_DIM)
    inp['sp_W1'], inp['sp_b1'] = _lin(ks[13], N_S, 2 * N_S)
    inp['sp_W2'], inp['sp_b2'] = _lin(ks[14], 2 * N_S, N_S)
    inp['sp_W3'], inp['sp_b3'] = _lin(ks[15], N_S, 1)
    return inp


def _gaussian_smearing(dist):
    mu = jnp.linspace(0.0, MAX_RADIUS, DIST_EMB)
    coeff = -0.5 / (MAX_RADIUS / (DIST_EMB - 1)) ** 2
    d = dist[:, None] - mu[None, :]
    return jnp.exp(coeff * d * d)


def _sph_harm(vec):
    n = jnp.sqrt(jnp.sum(vec * vec, axis=-1, keepdims=True) + 1e-12)
    u = vec / n
    x, y, z = u[:, 0], u[:, 1], u[:, 2]
    s3 = np.sqrt(3.0); s15 = np.sqrt(15.0); s5 = np.sqrt(5.0)
    return jnp.stack([
        jnp.ones_like(x),
        s3 * x, s3 * y, s3 * z,
        s15 * x * y, s15 * y * z, 0.5 * s5 * (3.0 * z * z - 1.0),
        s15 * x * z, 0.5 * s15 * (x * x - y * y),
    ], axis=-1)


def _forward(x, pos, ne_W1, ne_b1, ne_W2, ne_b2, ee_W1, ee_b1, ee_W2, ee_b2,
             fc0_W1, fc0_b1, fc0_W2, fc0_b2, tp0_W,
             fc1_W1, fc1_b1, fc1_W2, fc1_b2, tp1_W,
             sp_W1, sp_b1, sp_W2, sp_b2, sp_W3, sp_b3, edge_index):
    src = edge_index[0]
    dst = edge_index[1]
    edge_vec = pos[dst] - pos[src]
    dist = jnp.sqrt(jnp.sum(edge_vec * edge_vec, axis=-1) + 1e-12)
    edge_attr = _gaussian_smearing(dist)
    edge_sh = _sph_harm(edge_vec)
    # node embedding MLP
    h = jnp.maximum(x @ ne_W1 + ne_b1, 0.0) @ ne_W2 + ne_b2
    # edge embedding MLP
    e = jnp.maximum(edge_attr @ ee_W1 + ee_b1, 0.0) @ ee_W2 + ee_b2
    fcs = [(fc0_W1, fc0_b1, fc0_W2, fc0_b2, tp0_W), (fc1_W1, fc1_b1, fc1_W2, fc1_b2, tp1_W)]
    n_nodes = x.shape[0]
    for i in range(2):
        fW1, fb1, fW2, fb2, tpW = fcs[i]
        ea = jnp.concatenate([e, h[dst, :N_S], h[src, :N_S]], axis=-1)
        w = jnp.maximum(ea @ fW1 + fb1, 0.0) @ fW2 + fb2  # per-edge TP weights [E, out]
        hs = h[src]
        outer = (hs[:, :, None] * edge_sh[:, None, :]).reshape(hs.shape[0], -1)
        tp_out = (outer @ tpW) * w  # weighted tensor-product messages [E, out]
        sums = jax.ops.segment_sum(tp_out, dst, num_segments=n_nodes)
        cnt = jax.ops.segment_sum(jnp.ones((tp_out.shape[0],), dtype=tp_out.dtype), dst, num_segments=n_nodes)
        out = sums / jnp.clip(cnt, 1.0)[:, None]  # scatter-mean aggr
        h = jnp.pad(h, ((0, 0), (0, out.shape[-1] - h.shape[-1]))) + out
    hn = h[:, :N_S]  # n_s_full = n_s for n_conv_layers < 3
    s = jnp.maximum(hn @ sp_W1 + sp_b1, 0.0)
    s = jnp.maximum(s @ sp_W2 + sp_b2, 0.0)
    scores = s @ sp_W3 + sp_b3
    return scores


def reference(x, pos, edge_index, ne_W1, ne_b1, ne_W2, ne_b2,
              ee_W1, ee_b1, ee_W2, ee_b2,
              fc0_W1, fc0_b1, fc0_W2, fc0_b2, tp0_W,
              fc1_W1, fc1_b1, fc1_W2, fc1_b2, tp1_W,
              sp_W1, sp_b1, sp_W2, sp_b2, sp_W3, sp_b3):
    return _forward(
        x, pos, ne_W1, ne_b1, ne_W2, ne_b2,
        ee_W1, ee_b1, ee_W2, ee_b2,
        fc0_W1, fc0_b1, fc0_W2, fc0_b2, tp0_W,
        fc1_W1, fc1_b1, fc1_W2, fc1_b2, tp1_W,
        sp_W1, sp_b1, sp_W2, sp_b2, sp_W3, sp_b3,
        edge_index)

if __name__ == "__main__":
    import jax
    _d = setup_inputs()
    print(jax.jit(kernel)(*tuple(_d.values())))

</pallas_src>

<mosaic_0001>
#map = affine_map<(d0, d1) -> (0, 0)>
#map1 = affine_map<(d0, d1) -> (0)>
module attributes {stable_mosaic.version = 14 : i64} {
  func.func @k(%arg0: i32, %arg1: i32, %arg2: memref<10000x32xf32, #tpu.memory_space<hbm>>, %arg3: memref<160000xi32, #tpu.memory_space<hbm>>, %arg4: memref<10000x32xf32, #tpu.memory_space<hbm>>, %arg5: memref<160000xi32, #tpu.memory_space<hbm>>, %arg6: memref<160000x32xf32, #tpu.memory_space<hbm>>, %arg7: memref<160000x32xf32, #tpu.memory_space<hbm>>, %arg8: memref<128xi32, #tpu.memory_space<vmem>>, %arg9: memref<128x32xf32, #tpu.memory_space<vmem>>, %arg10: memref<128xi32, #tpu.memory_space<vmem>>, %arg11: memref<128x32xf32, #tpu.memory_space<vmem>>) attributes {dimension_semantics = [#tpu.dimension_semantics<core_parallel>, #tpu.dimension_semantics<subcore_parallel>], iteration_bounds = array<i64: 2, 16>, scalar_prefetch = 0 : i64, scratch_operands = 4 : i64, tpu.core_type = #tpu.core_type<sc_vector_subcore>, window_params = [{transform_indices = #map}, {transform_indices = #map1}, {transform_indices = #map}, {transform_indices = #map1}, {transform_indices = #map}, {transform_indices = #map}]} {
    %mul3A = arith.constant 2 : i32
    %mul3A_0 = arith.muli %arg1, %mul3A : i32
    %add3A = arith.addi %mul3A_0, %arg0 : i32
    %scan3A = arith.constant 0 : i32
    %scan3A_1 = arith.constant 0 : i32
    %scan3A_2 = arith.constant 40 : i32
    %scan3A_3 = arith.addi %scan3A_1, %scan3A_2 : i32
    %scan3A_4 = arith.constant 1 : i32
    scf.for %scan3A_6 = %scan3A_1 to %scan3A_3 step %scan3A_4  : i32 {
      %mul3A_7 = arith.constant 40 : i32
      %mul3A_8 = arith.muli %add3A, %mul3A_7 : i32
      %add3A_9 = arith.addi %mul3A_8, %scan3A_6 : i32
      %lt3A = arith.constant 1250 : i32
      %lt3A_10 = arith.cmpi slt, %add3A_9, %lt3A : i32
      %convert_element_type3A = arith.extui %lt3A_10 : i1 to i32
      %cond3A = arith.constant 0 : i32
      %cond3A_11 = arith.cmpi ne, %convert_element_type3A, %cond3A : i32
      scf.if %cond3A_11 {
        %mul3A_12 = arith.constant 128 : i32
        %mul3A_13 = arith.muli %add3A_9, %mul3A_12 : i32
        "tpu.region"() ({
          %run_scoped3A = tpu.sem_alloc : memref<!tpu.dma_semaphore, #tpu.memory_space<semaphore_mem>>
          %dma_start3A = tpu.memref_slice %arg3[%mul3A_13] : memref<160000xi32, #tpu.memory_space<hbm>> -> memref<128xi32, #tpu.memory_space<hbm>>
          %dma_start3A_14 = tpu.memref_slice %arg3[%mul3A_13] : memref<160000xi32, #tpu.memory_space<hbm>> -> memref<128xi32, #tpu.memory_space<hbm>>
          tpu.enqueue_dma source(%dma_start3A_14 : memref<128xi32, #tpu.memory_space<hbm>>) target(%arg8 : memref<128xi32, #tpu.memory_space<vmem>>) target_semaphore(%run_scoped3A : memref<!tpu.dma_semaphore, #tpu.memory_space<semaphore_mem>>)
          %dma_wait3A = tpu.memref_slice %arg3[%mul3A_13] : memref<160000xi32, #tpu.memory_space<hbm>> -> memref<128xi32, #tpu.memory_space<hbm>>
          %dma_wait3A_15 = tpu.memref_slice %arg3[%mul3A_13] : memref<160000xi32, #tpu.memory_space<hbm>> -> memref<128xi32, #tpu.memory_space<hbm>>
          tpu.wait_dma2 semaphore(%run_scoped3A : memref<!tpu.dma_semaphore, #tpu.memory_space<semaphore_mem>>) src(%dma_wait3A_15 : memref<128xi32, #tpu.memory_space<hbm>>) dst(%arg8 : memref<128xi32, #tpu.memory_space<vmem>>)
          tpu.yield
        }) : () -> ()
        "tpu.region"() ({
          %run_scoped3A = tpu.sem_alloc : memref<!tpu.dma_semaphore, #tpu.memory_space<semaphore_mem>>
          %dma_start3A = arith.constant 0 : i32
          %dma_start3A_14 = arith.constant 0 : i32
          %dma_start3A_15 = tpu.memref_slice %arg2[%dma_start3A, %dma_start3A_14] : memref<10000x32xf32, #tpu.memory_space<hbm>> -> memref<10000x32xf32, #tpu.memory_space<hbm>>
          tpu.enqueue_indirect_dma source(%dma_start3A_15 : memref<10000x32xf32, #tpu.memory_space<hbm>>) target(%arg9 : memref<128x32xf32, #tpu.memory_space<vmem>>) offsets(%arg8 : memref<128xi32, #tpu.memory_space<vmem>>) semaphore(%run_scoped3A : memref<!tpu.dma_semaphore, #tpu.memory_space<semaphore_mem>>)
          %dma_wait3A = arith.constant 0 : i32
          %dma_wait3A_16 = arith.constant 0 : i32
          %dma_wait3A_17 = tpu.memref_slice %arg2[%dma_wait3A, %dma_wait3A_16] : memref<10000x32xf32, #tpu.memory_space<hbm>> -> memref<10000x32xf32, #tpu.memory_space<hbm>>
          tpu.wait_indirect_dma semaphore(%run_scoped3A : memref<!tpu.dma_semaphore, #tpu.memory_space<semaphore_mem>>) src(%dma_wait3A_17 : memref<10000x32xf32, #tpu.memory_space<hbm>>) dst(%arg9 : memref<128x32xf32, #tpu.memory_space<vmem>>)
          tpu.yield
        }) : () -> ()
        "tpu.region"() ({
          %run_scoped3A = tpu.sem_alloc : memref<!tpu.dma_semaphore, #tpu.memory_space<semaphore_mem>>
          %dma_start3A = arith.constant 0 : i32
          %dma_start3A_14 = tpu.memref_slice %arg6[%mul3A_13, %dma_start3A] : memref<160000x32xf32, #tpu.memory_space<hbm>> -> memref<128x32xf32, #tpu.memory_space<hbm>>
          %dma_start3A_15 = arith.constant 0 : i32
          %dma_start3A_16 = tpu.memref_slice %arg6[%mul3A_13, %dma_start3A_15] : memref<160000x32xf32, #tpu.memory_space<hbm>> -> memref<128x32xf32, #tpu.memory_space<hbm>>
          tpu.enqueue_dma source(%arg9 : memref<128x32xf32, #tpu.memory_space<vmem>>) target(%dma_start3A_16 : memref<128x32xf32, #tpu.memory_space<hbm>>) target_semaphore(%run_scoped3A : memref<!tpu.dma_semaphore, #tpu.memory_space<semaphore_mem>>)
          %dma_wait3A = arith.constant 0 : i32
          %dma_wait3A_17 = tpu.memref_slice %arg6[%mul3A_13, %dma_wait3A] : memref<160000x32xf32, #tpu.memory_space<hbm>> -> memref<128x32xf32, #tpu.memory_space<hbm>>
          %dma_wait3A_18 = arith.constant 0 : i32
          %dma_wait3A_19 = tpu.memref_slice %arg6[%mul3A_13, %dma_wait3A_18] : memref<160000x32xf32, #tpu.memory_space<hbm>> -> memref<128x32xf32, #tpu.memory_space<hbm>>
          tpu.wait_dma2 semaphore(%run_scoped3A : memref<!tpu.dma_semaphore, #tpu.memory_space<semaphore_mem>>) src(%arg9 : memref<128x32xf32, #tpu.memory_space<vmem>>) dst(%dma_wait3A_19 : memref<128x32xf32, #tpu.memory_space<hbm>>)
          tpu.yield
        }) : () -> ()
        "tpu.region"() ({
          %run_scoped3A = tpu.sem_alloc : memref<!tpu.dma_semaphore, #tpu.memory_space<semaphore_mem>>
          %dma_start3A = tpu.memref_slice %arg5[%mul3A_13] : memref<160000xi32, #tpu.memory_space<hbm>> -> memref<128xi32, #tpu.memory_space<hbm>>
          %dma_start3A_14 = tpu.memref_slice %arg5[%mul3A_13] : memref<160000xi32, #tpu.memory_space<hbm>> -> memref<128xi32, #tpu.memory_space<hbm>>
          tpu.enqueue_dma source(%dma_start3A_14 : memref<128xi32, #tpu.memory_space<hbm>>) target(%arg10 : memref<128xi32, #tpu.memory_space<vmem>>) target_semaphore(%run_scoped3A : memref<!tpu.dma_semaphore, #tpu.memory_space<semaphore_mem>>)
          %dma_wait3A = tpu.memref_slice %arg5[%mul3A_13] : memref<160000xi32, #tpu.memory_space<hbm>> -> memref<128xi32, #tpu.memory_space<hbm>>
          %dma_wait3A_15 = tpu.memref_slice %arg5[%mul3A_13] : memref<160000xi32, #tpu.memory_space<hbm>> -> memref<128xi32, #tpu.memory_space<hbm>>
          tpu.wait_dma2 semaphore(%run_scoped3A : memref<!tpu.dma_semaphore, #tpu.memory_space<semaphore_mem>>) src(%dma_wait3A_15 : memref<128xi32, #tpu.memory_space<hbm>>) dst(%arg10 : memref<128xi32, #tpu.memory_space<vmem>>)
          tpu.yield
        }) : () -> ()
        "tpu.region"() ({
          %run_scoped3A = tpu.sem_alloc : memref<!tpu.dma_semaphore, #tpu.memory_space<semaphore_mem>>
          %dma_start3A = arith.constant 0 : i32
          %dma_start3A_14 = arith.constant 0 : i32
          %dma_start3A_15 = tpu.memref_slice %arg4[%dma_start3A, %dma_start3A_14] : memref<10000x32xf32, #tpu.memory_space<hbm>> -> memref<10000x32xf32, #tpu.memory_space<hbm>>
          tpu.enqueue_indirect_dma source(%dma_start3A_15 : memref<10000x32xf32, #tpu.memory_space<hbm>>) target(%arg11 : memref<128x32xf32, #tpu.memory_space<vmem>>) offsets(%arg10 : memref<128xi32, #tpu.memory_space<vmem>>) semaphore(%run_scoped3A : memref<!tpu.dma_semaphore, #tpu.memory_space<semaphore_mem>>)
          %dma_wait3A = arith.constant 0 : i32
          %dma_wait3A_16 = arith.constant 0 : i32
          %dma_wait3A_17 = tpu.memref_slice %arg4[%dma_wait3A, %dma_wait3A_16] : memref<10000x32xf32, #tpu.memory_space<hbm>> -> memref<10000x32xf32, #tpu.memory_space<hbm>>
          tpu.wait_indirect_dma semaphore(%run_scoped3A : memref<!tpu.dma_semaphore, #tpu.memory_space<semaphore_mem>>) src(%dma_wait3A_17 : memref<10000x32xf32, #tpu.memory_space<hbm>>) dst(%arg11 : memref<128x32xf32, #tpu.memory_space<vmem>>)
          tpu.yield
        }) : () -> ()
        "tpu.region"() ({
          %run_scoped3A = tpu.sem_alloc : memref<!tpu.dma_semaphore, #tpu.memory_space<semaphore_mem>>
          %dma_start3A = arith.constant 0 : i32
          %dma_start3A_14 = tpu.memref_slice %arg7[%mul3A_13, %dma_start3A] : memref<160000x32xf32, #tpu.memory_space<hbm>> -> memref<128x32xf32, #tpu.memory_space<hbm>>
          %dma_start3A_15 = arith.constant 0 : i32
          %dma_start3A_16 = tpu.memref_slice %arg7[%mul3A_13, %dma_start3A_15] : memref<160000x32xf32, #tpu.memory_space<hbm>> -> memref<128x32xf32, #tpu.memory_space<hbm>>
          tpu.enqueue_dma source(%arg11 : memref<128x32xf32, #tpu.memory_space<vmem>>) target(%dma_start3A_16 : memref<128x32xf32, #tpu.memory_space<hbm>>) target_semaphore(%run_scoped3A : memref<!tpu.dma_semaphore, #tpu.memory_space<semaphore_mem>>)
          %dma_wait3A = arith.constant 0 : i32
          %dma_wait3A_17 = tpu.memref_slice %arg7[%mul3A_13, %dma_wait3A] : memref<160000x32xf32, #tpu.memory_space<hbm>> -> memref<128x32xf32, #tpu.memory_space<hbm>>
          %dma_wait3A_18 = arith.constant 0 : i32
          %dma_wait3A_19 = tpu.memref_slice %arg7[%mul3A_13, %dma_wait3A_18] : memref<160000x32xf32, #tpu.memory_space<hbm>> -> memref<128x32xf32, #tpu.memory_space<hbm>>
          tpu.wait_dma2 semaphore(%run_scoped3A : memref<!tpu.dma_semaphore, #tpu.memory_space<semaphore_mem>>) src(%arg11 : memref<128x32xf32, #tpu.memory_space<vmem>>) dst(%dma_wait3A_19 : memref<128x32xf32, #tpu.memory_space<hbm>>)
          tpu.yield
        }) : () -> ()
      } else {
      }
    }
    %scan3A_5 = arith.constant 40 : i32
    return
  }
}

#map = affine_map<(d0, d1) -> (0, 0)>
#map1 = affine_map<(d0, d1) -> (0)>
module attributes {stable_mosaic.version = 14 : i64} {
  func.func @k(%arg0: i32, %arg1: i32, %arg2: memref<160000x80xf32, #tpu.memory_space<hbm>>, %arg3: memref<160000xi32, #tpu.memory_space<hbm>>, %arg4: memref<625x80xf32, #tpu.memory_space<hbm>>, %arg5: memref<20000x80xf32, #tpu.memory_space<hbm>>, %arg6: memref<128xi32, #tpu.memory_space<vmem>>, %arg7: memref<128x80xf32, #tpu.memory_space<vmem>>, %arg8: memref<625x80xf32, #tpu.memory_space<vmem>>, %arg9: memref<10000x80xf32, #tpu.memory_space<vmem_shared>>) attributes {dimension_semantics = [#tpu.dimension_semantics<core_parallel>, #tpu.dimension_semantics<subcore_parallel>], iteration_bounds = array<i64: 2, 16>, scalar_prefetch = 0 : i64, scratch_operands = 4 : i64, tpu.core_type = #tpu.core_type<sc_vector_subcore>, window_params = [{transform_indices = #map}, {transform_indices = #map1}, {transform_indices = #map}, {transform_indices = #map}]} {
    %mul3A = arith.constant 2 : i32
    %mul3A_0 = arith.muli %arg1, %mul3A : i32
    %add3A = arith.addi %mul3A_0, %arg0 : i32
    "tpu.region"() ({
      %run_scoped3A = tpu.sem_alloc : memref<!tpu.dma_semaphore, #tpu.memory_space<semaphore_mem>>
      tpu.enqueue_dma source(%arg4 : memref<625x80xf32, #tpu.memory_space<hbm>>) target(%arg8 : memref<625x80xf32, #tpu.memory_space<vmem>>) target_semaphore(%run_scoped3A : memref<!tpu.dma_semaphore, #tpu.memory_space<semaphore_mem>>)
      tpu.wait_dma2 semaphore(%run_scoped3A : memref<!tpu.dma_semaphore, #tpu.memory_space<semaphore_mem>>) src(%arg4 : memref<625x80xf32, #tpu.memory_space<hbm>>) dst(%arg8 : memref<625x80xf32, #tpu.memory_space<vmem>>)
      tpu.yield
    }) : () -> ()
    %mul3A_1 = arith.constant 625 : i32
    %mul3A_2 = arith.muli %arg1, %mul3A_1 : i32
    "tpu.region"() ({
      %run_scoped3A = tpu.sem_alloc : memref<!tpu.dma_semaphore, #tpu.memory_space<semaphore_mem>>
      %dma_start3A = arith.constant 0 : i32
      %dma_start3A_16 = tpu.memref_slice %arg9[%mul3A_2, %dma_start3A] : memref<10000x80xf32, #tpu.memory_space<vmem_shared>> -> memref<625x80xf32, #tpu.memory_space<vmem_shared>>
      %dma_start3A_17 = arith.constant 0 : i32
      %dma_start3A_18 = tpu.memref_slice %arg9[%mul3A_2, %dma_start3A_17] : memref<10000x80xf32, #tpu.memory_space<vmem_shared>> -> memref<625x80xf32, #tpu.memory_space<vmem_shared>>
      tpu.enqueue_dma source(%arg8 : memref<625x80xf32, #tpu.memory_space<vmem>>) target(%dma_start3A_18 : memref<625x80xf32, #tpu.memory_space<vmem_shared>>) target_semaphore(%run_scoped3A : memref<!tpu.dma_semaphore, #tpu.memory_space<semaphore_mem>>)
      %dma_wait3A = arith.constant 0 : i32
      %dma_wait3A_19 = tpu.memref_slice %arg9[%mul3A_2, %dma_wait3A] : memref<10000x80xf32, #tpu.memory_space<vmem_shared>> -> memref<625x80xf32, #tpu.memory_space<vmem_shared>>
      %dma_wait3A_20 = arith.constant 0 : i32
      %dma_wait3A_21 = tpu.memref_slice %arg9[%mul3A_2, %dma_wait3A_20] : memref<10000x80xf32, #tpu.memory_space<vmem_shared>> -> memref<625x80xf32, #tpu.memory_space<vmem_shared>>
      tpu.wait_dma2 semaphore(%run_scoped3A : memref<!tpu.dma_semaphore, #tpu.memory_space<semaphore_mem>>) src(%arg8 : memref<625x80xf32, #tpu.memory_space<vmem>>) dst(%dma_wait3A_21 : memref<625x80xf32, #tpu.memory_space<vmem_shared>>)
      tpu.yield
    }) : () -> ()
    %barrier3A = arith.constant 0 : index
    tpu.barrier barrier_id(%barrier3A)
    %scan3A = arith.constant 0 : i32
    %scan3A_3 = arith.constant 0 : i32
    %scan3A_4 = arith.constant 40 : i32
    %scan3A_5 = arith.addi %scan3A_3, %scan3A_4 : i32
    %scan3A_6 = arith.constant 1 : i32
    scf.for %scan3A_16 = %scan3A_3 to %scan3A_5 step %scan3A_6  : i32 {
      %mul3A_17 = arith.constant 40 : i32
      %mul3A_18 = arith.muli %add3A, %mul3A_17 : i32
      %add3A_19 = arith.addi %mul3A_18, %scan3A_16 : i32
      %lt3A = arith.constant 1250 : i32
      %lt3A_20 = arith.cmpi slt, %add3A_19, %lt3A : i32
      %convert_element_type3A = arith.extui %lt3A_20 : i1 to i32
      %cond3A = arith.constant 0 : i32
      %cond3A_21 = arith.cmpi ne, %convert_element_type3A, %cond3A : i32
      scf.if %cond3A_21 {
        %mul3A_22 = arith.constant 128 : i32
        %mul3A_23 = arith.muli %add3A_19, %mul3A_22 : i32
        "tpu.region"() ({
          %run_scoped3A = tpu.sem_alloc : memref<!tpu.dma_semaphore, #tpu.memory_space<semaphore_mem>>
          %dma_start3A = tpu.memref_slice %arg3[%mul3A_23] : memref<160000xi32, #tpu.memory_space<hbm>> -> memref<128xi32, #tpu.memory_space<hbm>>
          %dma_start3A_24 = tpu.memref_slice %arg3[%mul3A_23] : memref<160000xi32, #tpu.memory_space<hbm>> -> memref<128xi32, #tpu.memory_space<hbm>>
          tpu.enqueue_dma source(%dma_start3A_24 : memref<128xi32, #tpu.memory_space<hbm>>) target(%arg6 : memref<128xi32, #tpu.memory_space<vmem>>) target_semaphore(%run_scoped3A : memref<!tpu.dma_semaphore, #tpu.memory_space<semaphore_mem>>)
          %dma_wait3A = tpu.memref_slice %arg3[%mul3A_23] : memref<160000xi32, #tpu.memory_space<hbm>> -> memref<128xi32, #tpu.memory_space<hbm>>
          %dma_wait3A_25 = tpu.memref_slice %arg3[%mul3A_23] : memref<160000xi32, #tpu.memory_space<hbm>> -> memref<128xi32, #tpu.memory_space<hbm>>
          tpu.wait_dma2 semaphore(%run_scoped3A : memref<!tpu.dma_semaphore, #tpu.memory_space<semaphore_mem>>) src(%dma_wait3A_25 : memref<128xi32, #tpu.memory_space<hbm>>) dst(%arg6 : memref<128xi32, #tpu.memory_space<vmem>>)
          tpu.yield
        }) : () -> ()
        "tpu.region"() ({
          %run_scoped3A = tpu.sem_alloc : memref<!tpu.dma_semaphore, #tpu.memory_space<semaphore_mem>>
          %dma_start3A = arith.constant 0 : i32
          %dma_start3A_24 = tpu.memref_slice %arg2[%mul3A_23, %dma_start3A] : memref<160000x80xf32, #tpu.memory_space<hbm>> -> memref<128x80xf32, #tpu.memory_space<hbm>>
          %dma_start3A_25 = arith.constant 0 : i32
          %dma_start3A_26 = tpu.memref_slice %arg2[%mul3A_23, %dma_start3A_25] : memref<160000x80xf32, #tpu.memory_space<hbm>> -> memref<128x80xf32, #tpu.memory_space<hbm>>
          tpu.enqueue_dma source(%dma_start3A_26 : memref<128x80xf32, #tpu.memory_space<hbm>>) target(%arg7 : memref<128x80xf32, #tpu.memory_space<vmem>>) target_semaphore(%run_scoped3A : memref<!tpu.dma_semaphore, #tpu.memory_space<semaphore_mem>>)
          %dma_wait3A = arith.constant 0 : i32
          %dma_wait3A_27 = tpu.memref_slice %arg2[%mul3A_23, %dma_wait3A] : memref<160000x80xf32, #tpu.memory_space<hbm>> -> memref<128x80xf32, #tpu.memory_space<hbm>>
          %dma_wait3A_28 = arith.constant 0 : i32
          %dma_wait3A_29 = tpu.memref_slice %arg2[%mul3A_23, %dma_wait3A_28] : memref<160000x80xf32, #tpu.memory_space<hbm>> -> memref<128x80xf32, #tpu.memory_space<hbm>>
          tpu.wait_dma2 semaphore(%run_scoped3A : memref<!tpu.dma_semaphore, #tpu.memory_space<semaphore_mem>>) src(%dma_wait3A_29 : memref<128x80xf32, #tpu.memory_space<hbm>>) dst(%arg7 : memref<128x80xf32, #tpu.memory_space<vmem>>)
          tpu.yield
        }) : () -> ()
        "tpu.region"() ({
          %run_scoped3A = tpu.sem_alloc : memref<!tpu.dma_semaphore, #tpu.memory_space<semaphore_mem>>
          %dma_start3A = arith.constant 0 : i32
          %dma_start3A_24 = arith.constant 0 : i32
          %dma_start3A_25 = tpu.memref_slice %arg9[%dma_start3A, %dma_start3A_24] : memref<10000x80xf32, #tpu.memory_space<vmem_shared>> -> memref<10000x80xf32, #tpu.memory_space<vmem_shared>>
          tpu.enqueue_indirect_dma source(%arg7 : memref<128x80xf32, #tpu.memory_space<vmem>>) target(%dma_start3A_25 : memref<10000x80xf32, #tpu.memory_space<vmem_shared>>) offsets(%arg6 : memref<128xi32, #tpu.memory_space<vmem>>) semaphore(%run_scoped3A : memref<!tpu.dma_semaphore, #tpu.memory_space<semaphore_mem>>) {add = true}
          %dma_wait3A = arith.constant 0 : i32
          %dma_wait3A_26 = arith.constant 0 : i32
          %dma_wait3A_27 = tpu.memref_slice %arg9[%dma_wait3A, %dma_wait3A_26] : memref<10000x80xf32, #tpu.memory_space<vmem_shared>> -> memref<10000x80xf32, #tpu.memory_space<vmem_shared>>
          tpu.wait_indirect_dma semaphore(%run_scoped3A : memref<!tpu.dma_semaphore, #tpu.memory_space<semaphore_mem>>) src(%arg7 : memref<128x80xf32, #tpu.memory_space<vmem>>) dst(%dma_wait3A_27 : memref<10000x80xf32, #tpu.memory_space<vmem_shared>>)
          tpu.yield
        }) : () -> ()
      } else {
      }
    }
    %scan3A_7 = arith.constant 40 : i32
    %barrier3A_8 = arith.constant 0 : index
    tpu.barrier barrier_id(%barrier3A_8)
    %mul3A_9 = arith.constant 625 : i32
    %mul3A_10 = arith.muli %arg1, %mul3A_9 : i32
    "tpu.region"() ({
      %run_scoped3A = tpu.sem_alloc : memref<!tpu.dma_semaphore, #tpu.memory_space<semaphore_mem>>
      %dma_start3A = arith.constant 0 : i32
      %dma_start3A_16 = tpu.memref_slice %arg9[%mul3A_10, %dma_start3A] : memref<10000x80xf32, #tpu.memory_space<vmem_shared>> -> memref<625x80xf32, #tpu.memory_space<vmem_shared>>
      %dma_start3A_17 = arith.constant 0 : i32
      %dma_start3A_18 = tpu.memref_slice %arg9[%mul3A_10, %dma_start3A_17] : memref<10000x80xf32, #tpu.memory_space<vmem_shared>> -> memref<625x80xf32, #tpu.memory_space<vmem_shared>>
      tpu.enqueue_dma source(%dma_start3A_18 : memref<625x80xf32, #tpu.memory_space<vmem_shared>>) target(%arg8 : memref<625x80xf32, #tpu.memory_space<vmem>>) target_semaphore(%run_scoped3A : memref<!tpu.dma_semaphore, #tpu.memory_space<semaphore_mem>>)
      %dma_wait3A = arith.constant 0 : i32
      %dma_wait3A_19 = tpu.memref_slice %arg9[%mul3A_10, %dma_wait3A] : memref<10000x80xf32, #tpu.memory_space<vmem_shared>> -> memref<625x80xf32, #tpu.memory_space<vmem_shared>>
      %dma_wait3A_20 = arith.constant 0 : i32
      %dma_wait3A_21 = tpu.memref_slice %arg9[%mul3A_10, %dma_wait3A_20] : memref<10000x80xf32, #tpu.memory_space<vmem_shared>> -> memref<625x80xf32, #tpu.memory_space<vmem_shared>>
      tpu.wait_dma2 semaphore(%run_scoped3A : memref<!tpu.dma_semaphore, #tpu.memory_space<semaphore_mem>>) src(%dma_wait3A_21 : memref<625x80xf32, #tpu.memory_space<vmem_shared>>) dst(%arg8 : memref<625x80xf32, #tpu.memory_space<vmem>>)
      tpu.yield
    }) : () -> ()
    %mul3A_11 = arith.constant 10000 : i32
    %mul3A_12 = arith.muli %arg0, %mul3A_11 : i32
    %mul3A_13 = arith.constant 625 : i32
    %mul3A_14 = arith.muli %arg1, %mul3A_13 : i32
    %add3A_15 = arith.addi %mul3A_12, %mul3A_14 : i32
    "tpu.region"() ({
      %run_scoped3A = tpu.sem_alloc : memref<!tpu.dma_semaphore, #tpu.memory_space<semaphore_mem>>
      %dma_start3A = arith.constant 0 : i32
      %dma_start3A_16 = tpu.memref_slice %arg5[%add3A_15, %dma_start3A] : memref<20000x80xf32, #tpu.memory_space<hbm>> -> memref<625x80xf32, #tpu.memory_space<hbm>>
      %dma_start3A_17 = arith.constant 0 : i32
      %dma_start3A_18 = tpu.memref_slice %arg5[%add3A_15, %dma_start3A_17] : memref<20000x80xf32, #tpu.memory_space<hbm>> -> memref<625x80xf32, #tpu.memory_space<hbm>>
      tpu.enqueue_dma source(%arg8 : memref<625x80xf32, #tpu.memory_space<vmem>>) target(%dma_start3A_18 : memref<625x80xf32, #tpu.memory_space<hbm>>) target_semaphore(%run_scoped3A : memref<!tpu.dma_semaphore, #tpu.memory_space<semaphore_mem>>)
      %dma_wait3A = arith.constant 0 : i32
      %dma_wait3A_19 = tpu.memref_slice %arg5[%add3A_15, %dma_wait3A] : memref<20000x80xf32, #tpu.memory_space<hbm>> -> memref<625x80xf32, #tpu.memory_space<hbm>>
      %dma_wait3A_20 = arith.constant 0 : i32
      %dma_wait3A_21 = tpu.memref_slice %arg5[%add3A_15, %dma_wait3A_20] : memref<20000x80xf32, #tpu.memory_space<hbm>> -> memref<625x80xf32, #tpu.memory_space<hbm>>
      tpu.wait_dma2 semaphore(%run_scoped3A : memref<!tpu.dma_semaphore, #tpu.memory_space<semaphore_mem>>) src(%arg8 : memref<625x80xf32, #tpu.memory_space<vmem>>) dst(%dma_wait3A_21 : memref<625x80xf32, #tpu.memory_space<hbm>>)
      tpu.yield
    }) : () -> ()
    return
  }
}

#map = affine_map<(d0, d1) -> (0, 0)>
#map1 = affine_map<(d0, d1) -> (0)>
module attributes {stable_mosaic.version = 14 : i64} {
  func.func @k(%arg0: i32, %arg1: i32, %arg2: memref<10000x80xf32, #tpu.memory_space<hbm>>, %arg3: memref<160000xi32, #tpu.memory_space<hbm>>, %arg4: memref<10000x32xf32, #tpu.memory_space<hbm>>, %arg5: memref<160000xi32, #tpu.memory_space<hbm>>, %arg6: memref<160000x80xf32, #tpu.memory_space<hbm>>, %arg7: memref<160000x32xf32, #tpu.memory_space<hbm>>, %arg8: memref<128xi32, #tpu.memory_space<vmem>>, %arg9: memref<128x80xf32, #tpu.memory_space<vmem>>, %arg10: memref<128xi32, #tpu.memory_space<vmem>>, %arg11: memref<128x32xf32, #tpu.memory_space<vmem>>) attributes {dimension_semantics = [#tpu.dimension_semantics<core_parallel>, #tpu.dimension_semantics<subcore_parallel>], iteration_bounds = array<i64: 2, 16>, scalar_prefetch = 0 : i64, scratch_operands = 4 : i64, tpu.core_type = #tpu.core_type<sc_vector_subcore>, window_params = [{transform_indices = #map}, {transform_indices = #map1}, {transform_indices = #map}, {transform_indices = #map1}, {transform_indices = #map}, {transform_indices = #map}]} {
    %mul3A = arith.constant 2 : i32
    %mul3A_0 = arith.muli %arg1, %mul3A : i32
    %add3A = arith.addi %mul3A_0, %arg0 : i32
    %scan3A = arith.constant 0 : i32
    %scan3A_1 = arith.constant 0 : i32
    %scan3A_2 = arith.constant 40 : i32
    %scan3A_3 = arith.addi %scan3A_1, %scan3A_2 : i32
    %scan3A_4 = arith.constant 1 : i32
    scf.for %scan3A_6 = %scan3A_1 to %scan3A_3 step %scan3A_4  : i32 {
      %mul3A_7 = arith.constant 40 : i32
      %mul3A_8 = arith.muli %add3A, %mul3A_7 : i32
      %add3A_9 = arith.addi %mul3A_8, %scan3A_6 : i32
      %lt3A = arith.constant 1250 : i32
      %lt3A_10 = arith.cmpi slt, %add3A_9, %lt3A : i32
      %convert_element_type3A = arith.extui %lt3A_10 : i1 to i32
      %cond3A = arith.constant 0 : i32
      %cond3A_11 = arith.cmpi ne, %convert_element_type3A, %cond3A : i32
      scf.if %cond3A_11 {
        %mul3A_12 = arith.constant 128 : i32
        %mul3A_13 = arith.muli %add3A_9, %mul3A_12 : i32
        "tpu.region"() ({
          %run_scoped3A = tpu.sem_alloc : memref<!tpu.dma_semaphore, #tpu.memory_space<semaphore_mem>>
          %dma_start3A = tpu.memref_slice %arg3[%mul3A_13] : memref<160000xi32, #tpu.memory_space<hbm>> -> memref<128xi32, #tpu.memory_space<hbm>>
          %dma_start3A_14 = tpu.memref_slice %arg3[%mul3A_13] : memref<160000xi32, #tpu.memory_space<hbm>> -> memref<128xi32, #tpu.memory_space<hbm>>
          tpu.enqueue_dma source(%dma_start3A_14 : memref<128xi32, #tpu.memory_space<hbm>>) target(%arg8 : memref<128xi32, #tpu.memory_space<vmem>>) target_semaphore(%run_scoped3A : memref<!tpu.dma_semaphore, #tpu.memory_space<semaphore_mem>>)
          %dma_wait3A = tpu.memref_slice %arg3[%mul3A_13] : memref<160000xi32, #tpu.memory_space<hbm>> -> memref<128xi32, #tpu.memory_space<hbm>>
          %dma_wait3A_15 = tpu.memref_slice %arg3[%mul3A_13] : memref<160000xi32, #tpu.memory_space<hbm>> -> memref<128xi32, #tpu.memory_space<hbm>>
          tpu.wait_dma2 semaphore(%run_scoped3A : memref<!tpu.dma_semaphore, #tpu.memory_space<semaphore_mem>>) src(%dma_wait3A_15 : memref<128xi32, #tpu.memory_space<hbm>>) dst(%arg8 : memref<128xi32, #tpu.memory_space<vmem>>)
          tpu.yield
        }) : () -> ()
        "tpu.region"() ({
          %run_scoped3A = tpu.sem_alloc : memref<!tpu.dma_semaphore, #tpu.memory_space<semaphore_mem>>
          %dma_start3A = arith.constant 0 : i32
          %dma_start3A_14 = arith.constant 0 : i32
          %dma_start3A_15 = tpu.memref_slice %arg2[%dma_start3A, %dma_start3A_14] : memref<10000x80xf32, #tpu.memory_space<hbm>> -> memref<10000x80xf32, #tpu.memory_space<hbm>>
          tpu.enqueue_indirect_dma source(%dma_start3A_15 : memref<10000x80xf32, #tpu.memory_space<hbm>>) target(%arg9 : memref<128x80xf32, #tpu.memory_space<vmem>>) offsets(%arg8 : memref<128xi32, #tpu.memory_space<vmem>>) semaphore(%run_scoped3A : memref<!tpu.dma_semaphore, #tpu.memory_space<semaphore_mem>>)
          %dma_wait3A = arith.constant 0 : i32
          %dma_wait3A_16 = arith.constant 0 : i32
          %dma_wait3A_17 = tpu.memref_slice %arg2[%dma_wait3A, %dma_wait3A_16] : memref<10000x80xf32, #tpu.memory_space<hbm>> -> memref<10000x80xf32, #tpu.memory_space<hbm>>
          tpu.wait_indirect_dma semaphore(%run_scoped3A : memref<!tpu.dma_semaphore, #tpu.memory_space<semaphore_mem>>) src(%dma_wait3A_17 : memref<10000x80xf32, #tpu.memory_space<hbm>>) dst(%arg9 : memref<128x80xf32, #tpu.memory_space<vmem>>)
          tpu.yield
        }) : () -> ()
        "tpu.region"() ({
          %run_scoped3A = tpu.sem_alloc : memref<!tpu.dma_semaphore, #tpu.memory_space<semaphore_mem>>
          %dma_start3A = arith.constant 0 : i32
          %dma_start3A_14 = tpu.memref_slice %arg6[%mul3A_13, %dma_start3A] : memref<160000x80xf32, #tpu.memory_space<hbm>> -> memref<128x80xf32, #tpu.memory_space<hbm>>
          %dma_start3A_15 = arith.constant 0 : i32
          %dma_start3A_16 = tpu.memref_slice %arg6[%mul3A_13, %dma_start3A_15] : memref<160000x80xf32, #tpu.memory_space<hbm>> -> memref<128x80xf32, #tpu.memory_space<hbm>>
          tpu.enqueue_dma source(%arg9 : memref<128x80xf32, #tpu.memory_space<vmem>>) target(%dma_start3A_16 : memref<128x80xf32, #tpu.memory_space<hbm>>) target_semaphore(%run_scoped3A : memref<!tpu.dma_semaphore, #tpu.memory_space<semaphore_mem>>)
          %dma_wait3A = arith.constant 0 : i32
          %dma_wait3A_17 = tpu.memref_slice %arg6[%mul3A_13, %dma_wait3A] : memref<160000x80xf32, #tpu.memory_space<hbm>> -> memref<128x80xf32, #tpu.memory_space<hbm>>
          %dma_wait3A_18 = arith.constant 0 : i32
          %dma_wait3A_19 = tpu.memref_slice %arg6[%mul3A_13, %dma_wait3A_18] : memref<160000x80xf32, #tpu.memory_space<hbm>> -> memref<128x80xf32, #tpu.memory_space<hbm>>
          tpu.wait_dma2 semaphore(%run_scoped3A : memref<!tpu.dma_semaphore, #tpu.memory_space<semaphore_mem>>) src(%arg9 : memref<128x80xf32, #tpu.memory_space<vmem>>) dst(%dma_wait3A_19 : memref<128x80xf32, #tpu.memory_space<hbm>>)
          tpu.yield
        }) : () -> ()
        "tpu.region"() ({
          %run_scoped3A = tpu.sem_alloc : memref<!tpu.dma_semaphore, #tpu.memory_space<semaphore_mem>>
          %dma_start3A = tpu.memref_slice %arg5[%mul3A_13] : memref<160000xi32, #tpu.memory_space<hbm>> -> memref<128xi32, #tpu.memory_space<hbm>>
          %dma_start3A_14 = tpu.memref_slice %arg5[%mul3A_13] : memref<160000xi32, #tpu.memory_space<hbm>> -> memref<128xi32, #tpu.memory_space<hbm>>
          tpu.enqueue_dma source(%dma_start3A_14 : memref<128xi32, #tpu.memory_space<hbm>>) target(%arg10 : memref<128xi32, #tpu.memory_space<vmem>>) target_semaphore(%run_scoped3A : memref<!tpu.dma_semaphore, #tpu.memory_space<semaphore_mem>>)
          %dma_wait3A = tpu.memref_slice %arg5[%mul3A_13] : memref<160000xi32, #tpu.memory_space<hbm>> -> memref<128xi32, #tpu.memory_space<hbm>>
          %dma_wait3A_15 = tpu.memref_slice %arg5[%mul3A_13] : memref<160000xi32, #tpu.memory_space<hbm>> -> memref<128xi32, #tpu.memory_space<hbm>>
          tpu.wait_dma2 semaphore(%run_scoped3A : memref<!tpu.dma_semaphore, #tpu.memory_space<semaphore_mem>>) src(%dma_wait3A_15 : memref<128xi32, #tpu.memory_space<hbm>>) dst(%arg10 : memref<128xi32, #tpu.memory_space<vmem>>)
          tpu.yield
        }) : () -> ()
        "tpu.region"() ({
          %run_scoped3A = tpu.sem_alloc : memref<!tpu.dma_semaphore, #tpu.memory_space<semaphore_mem>>
          %dma_start3A = arith.constant 0 : i32
          %dma_start3A_14 = arith.constant 0 : i32
          %dma_start3A_15 = tpu.memref_slice %arg4[%dma_start3A, %dma_start3A_14] : memref<10000x32xf32, #tpu.memory_space<hbm>> -> memref<10000x32xf32, #tpu.memory_space<hbm>>
          tpu.enqueue_indirect_dma source(%dma_start3A_15 : memref<10000x32xf32, #tpu.memory_space<hbm>>) target(%arg11 : memref<128x32xf32, #tpu.memory_space<vmem>>) offsets(%arg10 : memref<128xi32, #tpu.memory_space<vmem>>) semaphore(%run_scoped3A : memref<!tpu.dma_semaphore, #tpu.memory_space<semaphore_mem>>)
          %dma_wait3A = arith.constant 0 : i32
          %dma_wait3A_16 = arith.constant 0 : i32
          %dma_wait3A_17 = tpu.memref_slice %arg4[%dma_wait3A, %dma_wait3A_16] : memref<10000x32xf32, #tpu.memory_space<hbm>> -> memref<10000x32xf32, #tpu.memory_space<hbm>>
          tpu.wait_indirect_dma semaphore(%run_scoped3A : memref<!tpu.dma_semaphore, #tpu.memory_space<semaphore_mem>>) src(%dma_wait3A_17 : memref<10000x32xf32, #tpu.memory_space<hbm>>) dst(%arg11 : memref<128x32xf32, #tpu.memory_space<vmem>>)
          tpu.yield
        }) : () -> ()
        "tpu.region"() ({
          %run_scoped3A = tpu.sem_alloc : memref<!tpu.dma_semaphore, #tpu.memory_space<semaphore_mem>>
          %dma_start3A = arith.constant 0 : i32
          %dma_start3A_14 = tpu.memref_slice %arg7[%mul3A_13, %dma_start3A] : memref<160000x32xf32, #tpu.memory_space<hbm>> -> memref<128x32xf32, #tpu.memory_space<hbm>>
          %dma_start3A_15 = arith.constant 0 : i32
          %dma_start3A_16 = tpu.memref_slice %arg7[%mul3A_13, %dma_start3A_15] : memref<160000x32xf32, #tpu.memory_space<hbm>> -> memref<128x32xf32, #tpu.memory_space<hbm>>
          tpu.enqueue_dma source(%arg11 : memref<128x32xf32, #tpu.memory_space<vmem>>) target(%dma_start3A_16 : memref<128x32xf32, #tpu.memory_space<hbm>>) target_semaphore(%run_scoped3A : memref<!tpu.dma_semaphore, #tpu.memory_space<semaphore_mem>>)
          %dma_wait3A = arith.constant 0 : i32
          %dma_wait3A_17 = tpu.memref_slice %arg7[%mul3A_13, %dma_wait3A] : memref<160000x32xf32, #tpu.memory_space<hbm>> -> memref<128x32xf32, #tpu.memory_space<hbm>>
          %dma_wait3A_18 = arith.constant 0 : i32
          %dma_wait3A_19 = tpu.memref_slice %arg7[%mul3A_13, %dma_wait3A_18] : memref<160000x32xf32, #tpu.memory_space<hbm>> -> memref<128x32xf32, #tpu.memory_space<hbm>>
          tpu.wait_dma2 semaphore(%run_scoped3A : memref<!tpu.dma_semaphore, #tpu.memory_space<semaphore_mem>>) src(%arg11 : memref<128x32xf32, #tpu.memory_space<vmem>>) dst(%dma_wait3A_19 : memref<128x32xf32, #tpu.memory_space<hbm>>)
          tpu.yield
        }) : () -> ()
      } else {
      }
    }
    %scan3A_5 = arith.constant 40 : i32
    return
  }
}

#map = affine_map<(d0, d1) -> (0, 0)>
#map1 = affine_map<(d0, d1) -> (0)>
module attributes {stable_mosaic.version = 14 : i64} {
  func.func @k(%arg0: i32, %arg1: i32, %arg2: memref<160000x16xf32, #tpu.memory_space<hbm>>, %arg3: memref<160000xi32, #tpu.memory_space<hbm>>, %arg4: memref<625x16xf32, #tpu.memory_space<hbm>>, %arg5: memref<20000x16xf32, #tpu.memory_space<hbm>>, %arg6: memref<128xi32, #tpu.memory_space<vmem>>, %arg7: memref<128x16xf32, #tpu.memory_space<vmem>>, %arg8: memref<625x16xf32, #tpu.memory_space<vmem>>, %arg9: memref<10000x16xf32, #tpu.memory_space<vmem_shared>>) attributes {dimension_semantics = [#tpu.dimension_semantics<core_parallel>, #tpu.dimension_semantics<subcore_parallel>], iteration_bounds = array<i64: 2, 16>, scalar_prefetch = 0 : i64, scratch_operands = 4 : i64, tpu.core_type = #tpu.core_type<sc_vector_subcore>, window_params = [{transform_indices = #map}, {transform_indices = #map1}, {transform_indices = #map}, {transform_indices = #map}]} {
    %mul3A = arith.constant 2 : i32
    %mul3A_0 = arith.muli %arg1, %mul3A : i32
    %add3A = arith.addi %mul3A_0, %arg0 : i32
    "tpu.region"() ({
      %run_scoped3A = tpu.sem_alloc : memref<!tpu.dma_semaphore, #tpu.memory_space<semaphore_mem>>
      tpu.enqueue_dma source(%arg4 : memref<625x16xf32, #tpu.memory_space<hbm>>) target(%arg8 : memref<625x16xf32, #tpu.memory_space<vmem>>) target_semaphore(%run_scoped3A : memref<!tpu.dma_semaphore, #tpu.memory_space<semaphore_mem>>)
      tpu.wait_dma2 semaphore(%run_scoped3A : memref<!tpu.dma_semaphore, #tpu.memory_space<semaphore_mem>>) src(%arg4 : memref<625x16xf32, #tpu.memory_space<hbm>>) dst(%arg8 : memref<625x16xf32, #tpu.memory_space<vmem>>)
      tpu.yield
    }) : () -> ()
    %mul3A_1 = arith.constant 625 : i32
    %mul3A_2 = arith.muli %arg1, %mul3A_1 : i32
    "tpu.region"() ({
      %run_scoped3A = tpu.sem_alloc : memref<!tpu.dma_semaphore, #tpu.memory_space<semaphore_mem>>
      %dma_start3A = arith.constant 0 : i32
      %dma_start3A_16 = tpu.memref_slice %arg9[%mul3A_2, %dma_start3A] : memref<10000x16xf32, #tpu.memory_space<vmem_shared>> -> memref<625x16xf32, #tpu.memory_space<vmem_shared>>
      %dma_start3A_17 = arith.constant 0 : i32
      %dma_start3A_18 = tpu.memref_slice %arg9[%mul3A_2, %dma_start3A_17] : memref<10000x16xf32, #tpu.memory_space<vmem_shared>> -> memref<625x16xf32, #tpu.memory_space<vmem_shared>>
      tpu.enqueue_dma source(%arg8 : memref<625x16xf32, #tpu.memory_space<vmem>>) target(%dma_start3A_18 : memref<625x16xf32, #tpu.memory_space<vmem_shared>>) target_semaphore(%run_scoped3A : memref<!tpu.dma_semaphore, #tpu.memory_space<semaphore_mem>>)
      %dma_wait3A = arith.constant 0 : i32
      %dma_wait3A_19 = tpu.memref_slice %arg9[%mul3A_2, %dma_wait3A] : memref<10000x16xf32, #tpu.memory_space<vmem_shared>> -> memref<625x16xf32, #tpu.memory_space<vmem_shared>>
      %dma_wait3A_20 = arith.constant 0 : i32
      %dma_wait3A_21 = tpu.memref_slice %arg9[%mul3A_2, %dma_wait3A_20] : memref<10000x16xf32, #tpu.memory_space<vmem_shared>> -> memref<625x16xf32, #tpu.memory_space<vmem_shared>>
      tpu.wait_dma2 semaphore(%run_scoped3A : memref<!tpu.dma_semaphore, #tpu.memory_space<semaphore_mem>>) src(%arg8 : memref<625x16xf32, #tpu.memory_space<vmem>>) dst(%dma_wait3A_21 : memref<625x16xf32, #tpu.memory_space<vmem_shared>>)
      tpu.yield
    }) : () -> ()
    %barrier3A = arith.constant 0 : index
    tpu.barrier barrier_id(%barrier3A)
    %scan3A = arith.constant 0 : i32
    %scan3A_3 = arith.constant 0 : i32
    %scan3A_4 = arith.constant 40 : i32
    %scan3A_5 = arith.addi %scan3A_3, %scan3A_4 : i32
    %scan3A_6 = arith.constant 1 : i32
    scf.for %scan3A_16 = %scan3A_3 to %scan3A_5 step %scan3A_6  : i32 {
      %mul3A_17 = arith.constant 40 : i32
      %mul3A_18 = arith.muli %add3A, %mul3A_17 : i32
      %add3A_19 = arith.addi %mul3A_18, %scan3A_16 : i32
      %lt3A = arith.constant 1250 : i32
      %lt3A_20 = arith.cmpi slt, %add3A_19, %lt3A : i32
      %convert_element_type3A = arith.extui %lt3A_20 : i1 to i32
      %cond3A = arith.constant 0 : i32
      %cond3A_21 = arith.cmpi ne, %convert_element_type3A, %cond3A : i32
      scf.if %cond3A_21 {
        %mul3A_22 = arith.constant 128 : i32
        %mul3A_23 = arith.muli %add3A_19, %mul3A_22 : i32
        "tpu.region"() ({
          %run_scoped3A = tpu.sem_alloc : memref<!tpu.dma_semaphore, #tpu.memory_space<semaphore_mem>>
          %dma_start3A = tpu.memref_slice %arg3[%mul3A_23] : memref<160000xi32, #tpu.memory_space<hbm>> -> memref<128xi32, #tpu.memory_space<hbm>>
          %dma_start3A_24 = tpu.memref_slice %arg3[%mul3A_23] : memref<160000xi32, #tpu.memory_space<hbm>> -> memref<128xi32, #tpu.memory_space<hbm>>
          tpu.enqueue_dma source(%dma_start3A_24 : memref<128xi32, #tpu.memory_space<hbm>>) target(%arg6 : memref<128xi32, #tpu.memory_space<vmem>>) target_semaphore(%run_scoped3A : memref<!tpu.dma_semaphore, #tpu.memory_space<semaphore_mem>>)
          %dma_wait3A = tpu.memref_slice %arg3[%mul3A_23] : memref<160000xi32, #tpu.memory_space<hbm>> -> memref<128xi32, #tpu.memory_space<hbm>>
          %dma_wait3A_25 = tpu.memref_slice %arg3[%mul3A_23] : memref<160000xi32, #tpu.memory_space<hbm>> -> memref<128xi32, #tpu.memory_space<hbm>>
          tpu.wait_dma2 semaphore(%run_scoped3A : memref<!tpu.dma_semaphore, #tpu.memory_space<semaphore_mem>>) src(%dma_wait3A_25 : memref<128xi32, #tpu.memory_space<hbm>>) dst(%arg6 : memref<128xi32, #tpu.memory_space<vmem>>)
          tpu.yield
        }) : () -> ()
        "tpu.region"() ({
          %run_scoped3A = tpu.sem_alloc : memref<!tpu.dma_semaphore, #tpu.memory_space<semaphore_mem>>
          %dma_start3A = arith.constant 0 : i32
          %dma_start3A_24 = tpu.memref_slice %arg2[%mul3A_23, %dma_start3A] : memref<160000x16xf32, #tpu.memory_space<hbm>> -> memref<128x16xf32, #tpu.memory_space<hbm>>
          %dma_start3A_25 = arith.constant 0 : i32
          %dma_start3A_26 = tpu.memref_slice %arg2[%mul3A_23, %dma_start3A_25] : memref<160000x16xf32, #tpu.memory_space<hbm>> -> memref<128x16xf32, #tpu.memory_space<hbm>>
          tpu.enqueue_dma source(%dma_start3A_26 : memref<128x16xf32, #tpu.memory_space<hbm>>) target(%arg7 : memref<128x16xf32, #tpu.memory_space<vmem>>) target_semaphore(%run_scoped3A : memref<!tpu.dma_semaphore, #tpu.memory_space<semaphore_mem>>)
          %dma_wait3A = arith.constant 0 : i32
          %dma_wait3A_27 = tpu.memref_slice %arg2[%mul3A_23, %dma_wait3A] : memref<160000x16xf32, #tpu.memory_space<hbm>> -> memref<128x16xf32, #tpu.memory_space<hbm>>
          %dma_wait3A_28 = arith.constant 0 : i32
          %dma_wait3A_29 = tpu.memref_slice %arg2[%mul3A_23, %dma_wait3A_28] : memref<160000x16xf32, #tpu.memory_space<hbm>> -> memref<128x16xf32, #tpu.memory_space<hbm>>
          tpu.wait_dma2 semaphore(%run_scoped3A : memref<!tpu.dma_semaphore, #tpu.memory_space<semaphore_mem>>) src(%dma_wait3A_29 : memref<128x16xf32, #tpu.memory_space<hbm>>) dst(%arg7 : memref<128x16xf32, #tpu.memory_space<vmem>>)
          tpu.yield
        }) : () -> ()
        "tpu.region"() ({
          %run_scoped3A = tpu.sem_alloc : memref<!tpu.dma_semaphore, #tpu.memory_space<semaphore_mem>>
          %dma_start3A = arith.constant 0 : i32
          %dma_start3A_24 = arith.constant 0 : i32
          %dma_start3A_25 = tpu.memref_slice %arg9[%dma_start3A, %dma_start3A_24] : memref<10000x16xf32, #tpu.memory_space<vmem_shared>> -> memref<10000x16xf32, #tpu.memory_space<vmem_shared>>
          tpu.enqueue_indirect_dma source(%arg7 : memref<128x16xf32, #tpu.memory_space<vmem>>) target(%dma_start3A_25 : memref<10000x16xf32, #tpu.memory_space<vmem_shared>>) offsets(%arg6 : memref<128xi32, #tpu.memory_space<vmem>>) semaphore(%run_scoped3A : memref<!tpu.dma_semaphore, #tpu.memory_space<semaphore_mem>>) {add = true}
          %dma_wait3A = arith.constant 0 : i32
          %dma_wait3A_26 = arith.constant 0 : i32
          %dma_wait3A_27 = tpu.memref_slice %arg9[%dma_wait3A, %dma_wait3A_26] : memref<10000x16xf32, #tpu.memory_space<vmem_shared>> -> memref<10000x16xf32, #tpu.memory_space<vmem_shared>>
          tpu.wait_indirect_dma semaphore(%run_scoped3A : memref<!tpu.dma_semaphore, #tpu.memory_space<semaphore_mem>>) src(%arg7 : memref<128x16xf32, #tpu.memory_space<vmem>>) dst(%dma_wait3A_27 : memref<10000x16xf32, #tpu.memory_space<vmem_shared>>)
          tpu.yield
        }) : () -> ()
      } else {
      }
    }
    %scan3A_7 = arith.constant 40 : i32
    %barrier3A_8 = arith.constant 0 : index
    tpu.barrier barrier_id(%barrier3A_8)
    %mul3A_9 = arith.constant 625 : i32
    %mul3A_10 = arith.muli %arg1, %mul3A_9 : i32
    "tpu.region"() ({
      %run_scoped3A = tpu.sem_alloc : memref<!tpu.dma_semaphore, #tpu.memory_space<semaphore_mem>>
      %dma_start3A = arith.constant 0 : i32
      %dma_start3A_16 = tpu.memref_slice %arg9[%mul3A_10, %dma_start3A] : memref<10000x16xf32, #tpu.memory_space<vmem_shared>> -> memref<625x16xf32, #tpu.memory_space<vmem_shared>>
      %dma_start3A_17 = arith.constant 0 : i32
      %dma_start3A_18 = tpu.memref_slice %arg9[%mul3A_10, %dma_start3A_17] : memref<10000x16xf32, #tpu.memory_space<vmem_shared>> -> memref<625x16xf32, #tpu.memory_space<vmem_shared>>
      tpu.enqueue_dma source(%dma_start3A_18 : memref<625x16xf32, #tpu.memory_space<vmem_shared>>) target(%arg8 : memref<625x16xf32, #tpu.memory_space<vmem>>) target_semaphore(%run_scoped3A : memref<!tpu.dma_semaphore, #tpu.memory_space<semaphore_mem>>)
      %dma_wait3A = arith.constant 0 : i32
      %dma_wait3A_19 = tpu.memref_slice %arg9[%mul3A_10, %dma_wait3A] : memref<10000x16xf32, #tpu.memory_space<vmem_shared>> -> memref<625x16xf32, #tpu.memory_space<vmem_shared>>
      %dma_wait3A_20 = arith.constant 0 : i32
      %dma_wait3A_21 = tpu.memref_slice %arg9[%mul3A_10, %dma_wait3A_20] : memref<10000x16xf32, #tpu.memory_space<vmem_shared>> -> memref<625x16xf32, #tpu.memory_space<vmem_shared>>
      tpu.wait_dma2 semaphore(%run_scoped3A : memref<!tpu.dma_semaphore, #tpu.memory_space<semaphore_mem>>) src(%dma_wait3A_21 : memref<625x16xf32, #tpu.memory_space<vmem_shared>>) dst(%arg8 : memref<625x16xf32, #tpu.memory_space<vmem>>)
      tpu.yield
    }) : () -> ()
    %mul3A_11 = arith.constant 10000 : i32
    %mul3A_12 = arith.muli %arg0, %mul3A_11 : i32
    %mul3A_13 = arith.constant 625 : i32
    %mul3A_14 = arith.muli %arg1, %mul3A_13 : i32
    %add3A_15 = arith.addi %mul3A_12, %mul3A_14 : i32
    "tpu.region"() ({
      %run_scoped3A = tpu.sem_alloc : memref<!tpu.dma_semaphore, #tpu.memory_space<semaphore_mem>>
      %dma_start3A = arith.constant 0 : i32
      %dma_start3A_16 = tpu.memref_slice %arg5[%add3A_15, %dma_start3A] : memref<20000x16xf32, #tpu.memory_space<hbm>> -> memref<625x16xf32, #tpu.memory_space<hbm>>
      %dma_start3A_17 = arith.constant 0 : i32
      %dma_start3A_18 = tpu.memref_slice %arg5[%add3A_15, %dma_start3A_17] : memref<20000x16xf32, #tpu.memory_space<hbm>> -> memref<625x16xf32, #tpu.memory_space<hbm>>
      tpu.enqueue_dma source(%arg8 : memref<625x16xf32, #tpu.memory_space<vmem>>) target(%dma_start3A_18 : memref<625x16xf32, #tpu.memory_space<hbm>>) target_semaphore(%run_scoped3A : memref<!tpu.dma_semaphore, #tpu.memory_space<semaphore_mem>>)
      %dma_wait3A = arith.constant 0 : i32
      %dma_wait3A_19 = tpu.memref_slice %arg5[%add3A_15, %dma_wait3A] : memref<20000x16xf32, #tpu.memory_space<hbm>> -> memref<625x16xf32, #tpu.memory_space<hbm>>
      %dma_wait3A_20 = arith.constant 0 : i32
      %dma_wait3A_21 = tpu.memref_slice %arg5[%add3A_15, %dma_wait3A_20] : memref<20000x16xf32, #tpu.memory_space<hbm>> -> memref<625x16xf32, #tpu.memory_space<hbm>>
      tpu.wait_dma2 semaphore(%run_scoped3A : memref<!tpu.dma_semaphore, #tpu.memory_space<semaphore_mem>>) src(%arg8 : memref<625x16xf32, #tpu.memory_space<vmem>>) dst(%dma_wait3A_21 : memref<625x16xf32, #tpu.memory_space<hbm>>)
      tpu.yield
    }) : () -> ()
    return
  }
}

module attributes {stable_mosaic.version = 14 : i64} {
  func.func @_node_mlp_body(%arg0: i32, %arg1: memref<2000x128xf32, #tpu.memory_space<vmem>>, %arg2: memref<2000x3xf32, #tpu.memory_space<vmem>>, %arg3: memref<128x16xf32, #tpu.memory_space<vmem>>, %arg4: memref<16xf32, #tpu.memory_space<vmem>>, %arg5: memref<16x16xf32, #tpu.memory_space<vmem>>, %arg6: memref<16xf32, #tpu.memory_space<vmem>>, %arg7: memref<2000x32xf32, #tpu.memory_space<vmem>>) attributes {dimension_semantics = [#tpu.dimension_semantics<arbitrary>], iteration_bounds = array<i64: 5>, scalar_prefetch = 0 : i64, scratch_operands = 0 : i64, tpu.core_type = #tpu.core_type<tc>, window_params = [{transform_indices = @transform_0, window_bounds = array<i64: 2000, 128>}, {transform_indices = @transform_1, window_bounds = array<i64: 2000, 3>}, {pipeline_mode = #tpu.pipeline_mode<synchronous>, transform_indices = @transform_2, window_bounds = array<i64: 128, 16>}, {pipeline_mode = #tpu.pipeline_mode<synchronous>, transform_indices = @transform_3, window_bounds = array<i64: 16>}, {pipeline_mode = #tpu.pipeline_mode<synchronous>, transform_indices = @transform_4, window_bounds = array<i64: 16, 16>}, {pipeline_mode = #tpu.pipeline_mode<synchronous>, transform_indices = @transform_5, window_bounds = array<i64: 16>}, {transform_indices = @transform_6, window_bounds = array<i64: 2000, 32>}]} {
    %get3A = arith.constant 0 : index
    %get3A_0 = arith.constant 0 : index
    %get3A_1 = vector.load %arg1[%get3A, %get3A_0] : memref<2000x128xf32, #tpu.memory_space<vmem>>, vector<2000x128xf32>
    %get3A_2 = arith.constant 0 : index
    %get3A_3 = arith.constant 0 : index
    %get3A_4 = vector.load %arg3[%get3A_2, %get3A_3] : memref<128x16xf32, #tpu.memory_space<vmem>>, vector<128x16xf32>
    %dot_general3A = arith.constant dense<0.000000e+00> : vector<2000x16xf32>
    %dot_general3A_5 = tpu.matmul %get3A_1, %get3A_4, %dot_general3A {dimension_numbers = #tpu.dot_dimension_numbers<[1], [0], [0], [1], [0, 0, 1, 1], [], []>, transpose_lhs_hint = false} : vector<2000x128xf32>, vector<128x16xf32>, vector<2000x16xf32> -> vector<2000x16xf32>
    %get3A_6 = arith.constant 0 : index
    %get3A_7 = vector.load %arg4[%get3A_6] : memref<16xf32, #tpu.memory_space<vmem>>, vector<16xf32>
    %broadcast_in_dim3A = vector.shape_cast %get3A_7 : vector<16xf32> to vector<1x16xf32>
    %add3A = vector.broadcast %broadcast_in_dim3A : vector<1x16xf32> to vector<2000x16xf32>
    %add3A_8 = arith.addf %dot_general3A_5, %add3A : vector<2000x16xf32>
    %max3A = arith.constant 0.000000e+00 : f32
    %max3A_9 = vector.broadcast %max3A : f32 to vector<2000x16xf32>
    %max3A_10 = arith.maximumf %add3A_8, %max3A_9 : vector<2000x16xf32>
    %get3A_11 = arith.constant 0 : index
    %get3A_12 = arith.constant 0 : index
    %get3A_13 = vector.load %arg5[%get3A_11, %get3A_12] : memref<16x16xf32, #tpu.memory_space<vmem>>, vector<16x16xf32>
    %dot_general3A_14 = arith.constant dense<0.000000e+00> : vector<2000x16xf32>
    %dot_general3A_15 = tpu.matmul %max3A_10, %get3A_13, %dot_general3A_14 {dimension_numbers = #tpu.dot_dimension_numbers<[1], [0], [0], [1], [0, 0, 1, 1], [], []>, transpose_lhs_hint = false} : vector<2000x16xf32>, vector<16x16xf32>, vector<2000x16xf32> -> vector<2000x16xf32>
    %get3A_16 = arith.constant 0 : index
    %get3A_17 = vector.load %arg6[%get3A_16] : memref<16xf32, #tpu.memory_space<vmem>>, vector<16xf32>
    %broadcast_in_dim3A_18 = vector.shape_cast %get3A_17 : vector<16xf32> to vector<1x16xf32>
    %add3A_19 = vector.broadcast %broadcast_in_dim3A_18 : vector<1x16xf32> to vector<2000x16xf32>
    %add3A_20 = arith.addf %dot_general3A_15, %add3A_19 : vector<2000x16xf32>
    %broadcast_in_dim3A_21 = arith.constant 0.000000e+00 : f32
    %broadcast_in_dim3A_22 = vector.broadcast %broadcast_in_dim3A_21 : f32 to vector<2000x13xf32>
    %get3A_23 = arith.constant 0 : index
    %get3A_24 = arith.constant 0 : index
    %get3A_25 = vector.load %arg2[%get3A_23, %get3A_24] : memref<2000x3xf32, #tpu.memory_space<vmem>>, vector<2000x3xf32>
    %concatenate3A = tpu.concatenate %add3A_20, %get3A_25, %broadcast_in_dim3A_22 in 1 : vector<2000x16xf32>, vector<2000x3xf32>, vector<2000x13xf32> -> vector<2000x32xf32>
    %swap3A = arith.constant 0 : index
    %swap3A_26 = arith.constant 0 : index
    %swap3A_27 = vector.load %arg7[%swap3A, %swap3A_26] : memref<2000x32xf32, #tpu.memory_space<vmem>>, vector<2000x32xf32>
    tpu.vector_store %arg7[%swap3A, %swap3A_26], %concatenate3A {strides = array<i32>} : memref<2000x32xf32, #tpu.memory_space<vmem>>, vector<2000x32xf32>,
    return
  }
  func.func @transform_0(%arg0: i32) -> (i32, i32) {
    %c0_i32 = arith.constant 0 : i32
    %c0_i32_0 = arith.constant 0 : i32
    return %arg0, %c0_i32 : i32, i32
  }
  func.func @transform_1(%arg0: i32) -> (i32, i32) {
    %c0_i32 = arith.constant 0 : i32
    %c0_i32_0 = arith.constant 0 : i32
    return %arg0, %c0_i32 : i32, i32
  }
  func.func @transform_2(%arg0: i32) -> (i32, i32) {
    %c0_i32 = arith.constant 0 : i32
    %c0_i32_0 = arith.constant 0 : i32
    %c0_i32_1 = arith.constant 0 : i32
    return %c0_i32, %c0_i32_0 : i32, i32
  }
  func.func @transform_3(%arg0: i32) -> i32 {
    %c0_i32 = arith.constant 0 : i32
    %c0_i32_0 = arith.constant 0 : i32
    return %c0_i32 : i32
  }
  func.func @transform_4(%arg0: i32) -> (i32, i32) {
    %c0_i32 = arith.constant 0 : i32
    %c0_i32_0 = arith.constant 0 : i32
    %c0_i32_1 = arith.constant 0 : i32
    return %c0_i32, %c0_i32_0 : i32, i32
  }
  func.func @transform_5(%arg0: i32) -> i32 {
    %c0_i32 = arith.constant 0 : i32
    %c0_i32_0 = arith.constant 0 : i32
    return %c0_i32 : i32
  }
  func.func @transform_6(%arg0: i32) -> (i32, i32) {
    %c0_i32 = arith.constant 0 : i32
    %c0_i32_0 = arith.constant 0 : i32
    return %arg0, %c0_i32 : i32, i32
  }
}

module attributes {stable_mosaic.version = 14 : i64} {
  func.func @_edge0_body(%arg0: i32, %arg1: memref<4000x32xf32, #tpu.memory_space<vmem>>, %arg2: memref<4000x32xf32, #tpu.memory_space<vmem>>, %arg3: memref<32x16xf32, #tpu.memory_space<vmem>>, %arg4: memref<16xf32, #tpu.memory_space<vmem>>, %arg5: memref<16x16xf32, #tpu.memory_space<vmem>>, %arg6: memref<16xf32, #tpu.memory_space<vmem>>, %arg7: memref<16x48xf32, #tpu.memory_space<vmem>>, %arg8: memref<16x48xf32, #tpu.memory_space<vmem>>, %arg9: memref<16x48xf32, #tpu.memory_space<vmem>>, %arg10: memref<48xf32, #tpu.memory_space<vmem>>, %arg11: memref<48x64xf32, #tpu.memory_space<vmem>>, %arg12: memref<64xf32, #tpu.memory_space<vmem>>, %arg13: memref<9x16x64xf32, #tpu.memory_space<vmem>>, %arg14: memref<32x16xf32, #tpu.memory_space<vmem>>, %arg15: memref<32x16xf32, #tpu.memory_space<vmem>>, %arg16: memref<32x16xf32, #tpu.memory_space<vmem>>, %arg17: memref<32x16xf32, #tpu.memory_space<vmem>>, %arg18: memref<16xf32, #tpu.memory_space<vmem>>, %arg19: memref<16x16xf32, #tpu.memory_space<vmem>>, %arg20: memref<16x32xf32, #tpu.memory_space<vmem>>, %arg21: memref<16x16xf32, #tpu.memory_space<vmem>>, %arg22: memref<16xf32, #tpu.memory_space<vmem>>, %arg23: memref<4000x80xf32, #tpu.memory_space<vmem>>) attributes {dimension_semantics = [#tpu.dimension_semantics<arbitrary>], iteration_bounds = array<i64: 40>, scalar_prefetch = 0 : i64, scratch_operands = 0 : i64, tpu.core_type = #tpu.core_type<tc>, window_params = [{transform_indices = @transform_0, window_bounds = array<i64: 4000, 32>}, {transform_indices = @transform_1, window_bounds = array<i64: 4000, 32>}, {pipeline_mode = #tpu.pipeline_mode<synchronous>, transform_indices = @transform_2, window_bounds = array<i64: 32, 16>}, {pipeline_mode = #tpu.pipeline_mode<synchronous>, transform_indices = @transform_3, window_bounds = array<i64: 16>}, {pipeline_mode = #tpu.pipeline_mode<synchronous>, transform_indices = @transform_4, window_bounds = array<i64: 16, 16>}, {pipeline_mode = #tpu.pipeline_mode<synchronous>, transform_indices = @transform_5, window_bounds = array<i64: 16>}, {pipeline_mode = #tpu.pipeline_mode<synchronous>, transform_indices = @transform_6, window_bounds = array<i64: 16, 48>}, {pipeline_mode = #tpu.pipeline_mode<synchronous>, transform_indices = @transform_7, window_bounds = array<i64: 16, 48>}, {pipeline_mode = #tpu.pipeline_mode<synchronous>, transform_indices = @transform_8, window_bounds = array<i64: 16, 48>}, {pipeline_mode = #tpu.pipeline_mode<synchronous>, transform_indices = @transform_9, window_bounds = array<i64: 48>}, {pipeline_mode = #tpu.pipeline_mode<synchronous>, transform_indices = @transform_10, window_bounds = array<i64: 48, 64>}, {pipeline_mode = #tpu.pipeline_mode<synchronous>, transform_indices = @transform_11, window_bounds = array<i64: 64>}, {pipeline_mode = #tpu.pipeline_mode<synchronous>, transform_indices = @transform_12, window_bounds = array<i64: 9, 16, 64>}, {pipeline_mode = #tpu.pipeline_mode<synchronous>, transform_indices = @transform_13, window_bounds = array<i64: 32, 16>}, {pipeline_mode = #tpu.pipeline_mode<synchronous>, transform_indices = @transform_14, window_bounds = array<i64: 32, 16>}, {pipeline_mode = #tpu.pipeline_mode<synchronous>, transform_indices = @transform_15, window_bounds = array<i64: 32, 16>}, {pipeline_mode = #tpu.pipeline_mode<synchronous>, transform_indices = @transform_16, window_bounds = array<i64: 32, 16>}, {pipeline_mode = #tpu.pipeline_mode<synchronous>, transform_indices = @transform_17, window_bounds = array<i64: 16>}, {pipeline_mode = #tpu.pipeline_mode<synchronous>, transform_indices = @transform_18, window_bounds = array<i64: 16, 16>}, {pipeline_mode = #tpu.pipeline_mode<synchronous>, transform_indices = @transform_19, window_bounds = array<i64: 16, 32>}, {pipeline_mode = #tpu.pipeline_mode<synchronous>, transform_indices = @transform_20, window_bounds = array<i64: 16, 16>}, {pipeline_mode = #tpu.pipeline_mode<synchronous>, transform_indices = @transform_21, window_bounds = array<i64: 16>}, {transform_indices = @transform_22, window_bounds = array<i64: 4000, 80>}]} {
    %get3A = arith.constant 0 : index
    %get3A_0 = arith.constant 0 : index
    %get3A_1 = vector.load %arg1[%get3A, %get3A_0] : memref<4000x32xf32, #tpu.memory_space<vmem>>, vector<4000x32xf32>
    %get3A_2 = arith.constant 0 : index
    %get3A_3 = arith.constant 0 : index
    %get3A_4 = vector.load %arg2[%get3A_2, %get3A_3] : memref<4000x32xf32, #tpu.memory_space<vmem>>, vector<4000x32xf32>
    %slice3A = vector.extract_strided_slice %get3A_1 {offsets = [0, 0], sizes = [4000, 16], strides = [1, 1]} : vector<4000x32xf32> to vector<4000x16xf32>
    %slice3A_5 = vector.extract_strided_slice %get3A_4 {offsets = [0, 0], sizes = [4000, 16], strides = [1, 1]} : vector<4000x32xf32> to vector<4000x16xf32>
    %get3A_6 = arith.constant 0 : index
    %get3A_7 = arith.constant 0 : index
    %get3A_8 = vector.load %arg16[%get3A_6, %get3A_7] : memref<32x16xf32, #tpu.memory_space<vmem>>, vector<32x16xf32>
    %get3A_9 = arith.constant 0 : index
    %get3A_10 = arith.constant 0 : index
    %get3A_11 = vector.load %arg17[%get3A_9, %get3A_10] : memref<32x16xf32, #tpu.memory_space<vmem>>, vector<32x16xf32>
    %get3A_12 = arith.constant 0 : index
    %get3A_13 = vector.load %arg18[%get3A_12] : memref<16xf32, #tpu.memory_space<vmem>>, vector<16xf32>
    %get3A_14 = arith.constant 0 : index
    %get3A_15 = arith.constant 0 : index
    %get3A_16 = vector.load %arg20[%get3A_14, %get3A_15] : memref<16x32xf32, #tpu.memory_space<vmem>>, vector<16x32xf32>
    %get3A_17 = arith.constant 0 : index
    %get3A_18 = arith.constant 0 : index
    %get3A_19 = vector.load %arg21[%get3A_17, %get3A_18] : memref<16x16xf32, #tpu.memory_space<vmem>>, vector<16x16xf32>
    %get3A_20 = arith.constant 0 : index
    %get3A_21 = vector.load %arg22[%get3A_20] : memref<16xf32, #tpu.memory_space<vmem>>, vector<16xf32>
    %sub3A = arith.subf %get3A_4, %get3A_1 : vector<4000x32xf32>
    %dot_general3A = arith.constant dense<0.000000e+00> : vector<4000x16xf32>
    %dot_general3A_22 = tpu.matmul %sub3A, %get3A_8, %dot_general3A {dimension_numbers = #tpu.dot_dimension_numbers<[1], [0], [0], [1], [0, 0, 1, 1], [], []>, transpose_lhs_hint = false} : vector<4000x32xf32>, vector<32x16xf32>, vector<4000x16xf32> -> vector<4000x16xf32>
    %dot_general3A_23 = arith.constant dense<0.000000e+00> : vector<4000x16xf32>
    %dot_general3A_24 = tpu.matmul %sub3A, %get3A_11, %dot_general3A_23 {dimension_numbers = #tpu.dot_dimension_numbers<[1], [0], [0], [1], [0, 0, 1, 1], [], []>, transpose_lhs_hint = false} : vector<4000x32xf32>, vector<32x16xf32>, vector<4000x16xf32> -> vector<4000x16xf32>
    %broadcast_in_dim3A = vector.shape_cast %get3A_13 : vector<16xf32> to vector<1x16xf32>
    %add3A = vector.broadcast %broadcast_in_dim3A : vector<1x16xf32> to vector<4000x16xf32>
    %add3A_25 = arith.addf %dot_general3A_24, %add3A : vector<4000x16xf32>
    %mul3A = arith.mulf %dot_general3A_22, %add3A_25 : vector<4000x16xf32>
    %dot_general3A_26 = arith.constant dense<0.000000e+00> : vector<4000x32xf32>
    %dot_general3A_27 = tpu.matmul %mul3A, %get3A_16, %dot_general3A_26 {dimension_numbers = #tpu.dot_dimension_numbers<[1], [0], [0], [1], [0, 0, 1, 1], [], []>, transpose_lhs_hint = false} : vector<4000x16xf32>, vector<16x32xf32>, vector<4000x32xf32> -> vector<4000x32xf32>
    %add3A_28 = arith.constant 9.99999996E-13 : f32
    %add3A_29 = vector.broadcast %add3A_28 : f32 to vector<4000x32xf32>
    %add3A_30 = arith.addf %dot_general3A_27, %add3A_29 : vector<4000x32xf32>
    %sqrt3A = math.sqrt %add3A_30 : vector<4000x32xf32>
    %slice3A_31 = vector.extract_strided_slice %sqrt3A {offsets = [0, 0], sizes = [4000, 16], strides = [1, 1]} : vector<4000x32xf32> to vector<4000x16xf32>
    %div3A = arith.constant 1.000000e+00 : f32
    %div3A_32 = vector.broadcast %div3A : f32 to vector<4000x16xf32>
    %div3A_33 = arith.divf %div3A_32, %slice3A_31 : vector<4000x16xf32>
    %iota3A = tpu.iota {dimensions = array<i32: 1>} : vector<1x16xi32>
    %lt3A = arith.constant 3 : i32
    %lt3A_34 = vector.broadcast %lt3A : i32 to vector<1x16xi32>
    %lt3A_35 = arith.cmpi slt, %iota3A, %lt3A_34 : vector<1x16xi32>
    %mul3A_36 = arith.mulf %div3A_33, %div3A_33 : vector<4000x16xf32>
    %broadcast_in_dim3A_37 = vector.shape_cast %lt3A_35 : vector<1x16xi1> to vector<1x16xi1>
    %broadcast_in_dim3A_38 = vector.broadcast %broadcast_in_dim3A_37 : vector<1x16xi1> to vector<4000x16xi1>
    %select_n3A = arith.select %broadcast_in_dim3A_38, %div3A_33, %mul3A_36 : vector<4000x16xi1>, vector<4000x16xf32>
    %mul3A_39 = arith.mulf %mul3A, %select_n3A : vector<4000x16xf32>
    %dot_general3A_40 = arith.constant dense<0.000000e+00> : vector<4000x16xf32>
    %dot_general3A_41 = tpu.matmul %mul3A_39, %get3A_19, %dot_general3A_40 {dimension_numbers = #tpu.dot_dimension_numbers<[1], [0], [0], [1], [0, 0, 1, 1], [], []>, transpose_lhs_hint = false} : vector<4000x16xf32>, vector<16x16xf32>, vector<4000x16xf32> -> vector<4000x16xf32>
    %broadcast_in_dim3A_42 = vector.shape_cast %get3A_21 : vector<16xf32> to vector<1x16xf32>
    %add3A_43 = vector.broadcast %broadcast_in_dim3A_42 : vector<1x16xf32> to vector<4000x16xf32>
    %add3A_44 = arith.addf %dot_general3A_41, %add3A_43 : vector<4000x16xf32>
    %get3A_45 = arith.constant 0 : index
    %get3A_46 = arith.constant 0 : index
    %get3A_47 = vector.load %arg3[%get3A_45, %get3A_46] : memref<32x16xf32, #tpu.memory_space<vmem>>, vector<32x16xf32>
    %get3A_48 = arith.constant 0 : index
    %get3A_49 = vector.load %arg4[%get3A_48] : memref<16xf32, #tpu.memory_space<vmem>>, vector<16xf32>
    %get3A_50 = arith.constant 0 : index
    %get3A_51 = arith.constant 0 : index
    %get3A_52 = vector.load %arg5[%get3A_50, %get3A_51] : memref<16x16xf32, #tpu.memory_space<vmem>>, vector<16x16xf32>
    %get3A_53 = arith.constant 0 : index
    %get3A_54 = vector.load %arg6[%get3A_53] : memref<16xf32, #tpu.memory_space<vmem>>, vector<16xf32>
    %iota3A_55 = tpu.iota {dimensions = array<i32: 1>} : vector<1x32xi32>
    %convert_element_type3A = arith.sitofp %iota3A_55 : vector<1x32xi32> to vector<1x32xf32>
    %mul3A_56 = arith.constant 0.322580636 : f32
    %mul3A_57 = vector.broadcast %mul3A_56 : f32 to vector<1x32xf32>
    %mul3A_58 = arith.mulf %convert_element_type3A, %mul3A_57 : vector<1x32xf32>
    %sub3A_59 = vector.broadcast %mul3A_58 : vector<1x32xf32> to vector<4000x32xf32>
    %sub3A_60 = arith.subf %sqrt3A, %sub3A_59 : vector<4000x32xf32>
    %mul3A_61 = arith.constant -4.805000e+00 : f32
    %mul3A_62 = vector.broadcast %mul3A_61 : f32 to vector<4000x32xf32>
    %mul3A_63 = arith.mulf %mul3A_62, %sub3A_60 : vector<4000x32xf32>
    %mul3A_64 = arith.mulf %mul3A_63, %sub3A_60 : vector<4000x32xf32>
    %exp3A = math.exp %mul3A_64 : vector<4000x32xf32>
    %dot_general3A_65 = arith.constant dense<0.000000e+00> : vector<4000x16xf32>
    %dot_general3A_66 = tpu.matmul %exp3A, %get3A_47, %dot_general3A_65 {dimension_numbers = #tpu.dot_dimension_numbers<[1], [0], [0], [1], [0, 0, 1, 1], [], []>, transpose_lhs_hint = false} : vector<4000x32xf32>, vector<32x16xf32>, vector<4000x16xf32> -> vector<4000x16xf32>
    %broadcast_in_dim3A_67 = vector.shape_cast %get3A_49 : vector<16xf32> to vector<1x16xf32>
    %add3A_68 = vector.broadcast %broadcast_in_dim3A_67 : vector<1x16xf32> to vector<4000x16xf32>
    %add3A_69 = arith.addf %dot_general3A_66, %add3A_68 : vector<4000x16xf32>
    %max3A = arith.constant 0.000000e+00 : f32
    %max3A_70 = vector.broadcast %max3A : f32 to vector<4000x16xf32>
    %max3A_71 = arith.maximumf %add3A_69, %max3A_70 : vector<4000x16xf32>
    %dot_general3A_72 = arith.constant dense<0.000000e+00> : vector<4000x16xf32>
    %dot_general3A_73 = tpu.matmul %max3A_71, %get3A_52, %dot_general3A_72 {dimension_numbers = #tpu.dot_dimension_numbers<[1], [0], [0], [1], [0, 0, 1, 1], [], []>, transpose_lhs_hint = false} : vector<4000x16xf32>, vector<16x16xf32>, vector<4000x16xf32> -> vector<4000x16xf32>
    %broadcast_in_dim3A_74 = vector.shape_cast %get3A_54 : vector<16xf32> to vector<1x16xf32>
    %add3A_75 = vector.broadcast %broadcast_in_dim3A_74 : vector<1x16xf32> to vector<4000x16xf32>
    %add3A_76 = arith.addf %dot_general3A_73, %add3A_75 : vector<4000x16xf32>
    %get3A_77 = arith.constant 0 : index
    %get3A_78 = arith.constant 0 : index
    %get3A_79 = vector.load %arg7[%get3A_77, %get3A_78] : memref<16x48xf32, #tpu.memory_space<vmem>>, vector<16x48xf32>
    %get3A_80 = arith.constant 0 : index
    %get3A_81 = arith.constant 0 : index
    %get3A_82 = vector.load %arg8[%get3A_80, %get3A_81] : memref<16x48xf32, #tpu.memory_space<vmem>>, vector<16x48xf32>
    %get3A_83 = arith.constant 0 : index
    %get3A_84 = arith.constant 0 : index
    %get3A_85 = vector.load %arg9[%get3A_83, %get3A_84] : memref<16x48xf32, #tpu.memory_space<vmem>>, vector<16x48xf32>
    %get3A_86 = arith.constant 0 : index
    %get3A_87 = vector.load %arg10[%get3A_86] : memref<48xf32, #tpu.memory_space<vmem>>, vector<48xf32>
    %get3A_88 = arith.constant 0 : index
    %get3A_89 = arith.constant 0 : index
    %get3A_90 = vector.load %arg11[%get3A_88, %get3A_89] : memref<48x64xf32, #tpu.memory_space<vmem>>, vector<48x64xf32>
    %get3A_91 = arith.constant 0 : index
    %get3A_92 = vector.load %arg12[%get3A_91] : memref<64xf32, #tpu.memory_space<vmem>>, vector<64xf32>
    %dot_general3A_93 = arith.constant dense<0.000000e+00> : vector<4000x48xf32>
    %dot_general3A_94 = tpu.matmul %add3A_76, %get3A_79, %dot_general3A_93 {dimension_numbers = #tpu.dot_dimension_numbers<[1], [0], [0], [1], [0, 0, 1, 1], [], []>, transpose_lhs_hint = false} : vector<4000x16xf32>, vector<16x48xf32>, vector<4000x48xf32> -> vector<4000x48xf32>
    %dot_general3A_95 = arith.constant dense<0.000000e+00> : vector<4000x48xf32>
    %dot_general3A_96 = tpu.matmul %slice3A_5, %get3A_82, %dot_general3A_95 {dimension_numbers = #tpu.dot_dimension_numbers<[1], [0], [0], [1], [0, 0, 1, 1], [], []>, transpose_lhs_hint = false} : vector<4000x16xf32>, vector<16x48xf32>, vector<4000x48xf32> -> vector<4000x48xf32>
    %add3A_97 = arith.addf %dot_general3A_94, %dot_general3A_96 : vector<4000x48xf32>
    %dot_general3A_98 = arith.constant dense<0.000000e+00> : vector<4000x48xf32>
    %dot_general3A_99 = tpu.matmul %slice3A, %get3A_85, %dot_general3A_98 {dimension_numbers = #tpu.dot_dimension_numbers<[1], [0], [0], [1], [0, 0, 1, 1], [], []>, transpose_lhs_hint = false} : vector<4000x16xf32>, vector<16x48xf32>, vector<4000x48xf32> -> vector<4000x48xf32>
    %add3A_100 = arith.addf %add3A_97, %dot_general3A_99 : vector<4000x48xf32>
    %broadcast_in_dim3A_101 = vector.shape_cast %get3A_87 : vector<48xf32> to vector<1x48xf32>
    %add3A_102 = vector.broadcast %broadcast_in_dim3A_101 : vector<1x48xf32> to vector<4000x48xf32>
    %add3A_103 = arith.addf %add3A_100, %add3A_102 : vector<4000x48xf32>
    %max3A_104 = arith.constant 0.000000e+00 : f32
    %max3A_105 = vector.broadcast %max3A_104 : f32 to vector<4000x48xf32>
    %max3A_106 = arith.maximumf %add3A_103, %max3A_105 : vector<4000x48xf32>
    %dot_general3A_107 = arith.constant dense<0.000000e+00> : vector<4000x64xf32>
    %dot_general3A_108 = tpu.matmul %max3A_106, %get3A_90, %dot_general3A_107 {dimension_numbers = #tpu.dot_dimension_numbers<[1], [0], [0], [1], [0, 0, 1, 1], [], []>, transpose_lhs_hint = false} : vector<4000x48xf32>, vector<48x64xf32>, vector<4000x64xf32> -> vector<4000x64xf32>
    %broadcast_in_dim3A_109 = vector.shape_cast %get3A_92 : vector<64xf32> to vector<1x64xf32>
    %add3A_110 = vector.broadcast %broadcast_in_dim3A_109 : vector<1x64xf32> to vector<4000x64xf32>
    %add3A_111 = arith.addf %dot_general3A_108, %add3A_110 : vector<4000x64xf32>
    %slice3A_112 = vector.extract_strided_slice %add3A_44 {offsets = [0, 0], sizes = [4000, 1], strides = [1, 1]} : vector<4000x16xf32> to vector<4000x1xf32>
    %get3A_113 = arith.constant 0 : index
    %get3A_114 = arith.constant 0 : index
    %get3A_115 = arith.constant 0 : index
    %get3A_116 = vector.load %arg13[%get3A_113, %get3A_114, %get3A_115] : memref<9x16x64xf32, #tpu.memory_space<vmem>>, vector<1x16x64xf32>
    %get3A_117 = vector.shape_cast %get3A_116 : vector<1x16x64xf32> to vector<16x64xf32>
    %dot_general3A_118 = arith.constant dense<0.000000e+00> : vector<4000x64xf32>
    %dot_general3A_119 = tpu.matmul %slice3A, %get3A_117, %dot_general3A_118 {dimension_numbers = #tpu.dot_dimension_numbers<[1], [0], [0], [1], [0, 0, 1, 1], [], []>, transpose_lhs_hint = false} : vector<4000x16xf32>, vector<16x64xf32>, vector<4000x64xf32> -> vector<4000x64xf32>
    %mul3A_120 = vector.broadcast %slice3A_112 : vector<4000x1xf32> to vector<4000x64xf32>
    %mul3A_121 = arith.mulf %mul3A_120, %dot_general3A_119 : vector<4000x64xf32>
    %slice3A_122 = vector.extract_strided_slice %add3A_44 {offsets = [0, 1], sizes = [4000, 1], strides = [1, 1]} : vector<4000x16xf32> to vector<4000x1xf32>
    %get3A_123 = arith.constant 1 : index
    %get3A_124 = arith.constant 0 : index
    %get3A_125 = arith.constant 0 : index
    %get3A_126 = vector.load %arg13[%get3A_123, %get3A_124, %get3A_125] : memref<9x16x64xf32, #tpu.memory_space<vmem>>, vector<1x16x64xf32>
    %get3A_127 = vector.shape_cast %get3A_126 : vector<1x16x64xf32> to vector<16x64xf32>
    %dot_general3A_128 = arith.constant dense<0.000000e+00> : vector<4000x64xf32>
    %dot_general3A_129 = tpu.matmul %slice3A, %get3A_127, %dot_general3A_128 {dimension_numbers = #tpu.dot_dimension_numbers<[1], [0], [0], [1], [0, 0, 1, 1], [], []>, transpose_lhs_hint = false} : vector<4000x16xf32>, vector<16x64xf32>, vector<4000x64xf32> -> vector<4000x64xf32>
    %mul3A_130 = vector.broadcast %slice3A_122 : vector<4000x1xf32> to vector<4000x64xf32>
    %mul3A_131 = arith.mulf %mul3A_130, %dot_general3A_129 : vector<4000x64xf32>
    %add3A_132 = arith.addf %mul3A_121, %mul3A_131 : vector<4000x64xf32>
    %slice3A_133 = vector.extract_strided_slice %add3A_44 {offsets = [0, 2], sizes = [4000, 1], strides = [1, 1]} : vector<4000x16xf32> to vector<4000x1xf32>
    %get3A_134 = arith.constant 2 : index
    %get3A_135 = arith.constant 0 : index
    %get3A_136 = arith.constant 0 : index
    %get3A_137 = vector.load %arg13[%get3A_134, %get3A_135, %get3A_136] : memref<9x16x64xf32, #tpu.memory_space<vmem>>, vector<1x16x64xf32>
    %get3A_138 = vector.shape_cast %get3A_137 : vector<1x16x64xf32> to vector<16x64xf32>
    %dot_general3A_139 = arith.constant dense<0.000000e+00> : vector<4000x64xf32>
    %dot_general3A_140 = tpu.matmul %slice3A, %get3A_138, %dot_general3A_139 {dimension_numbers = #tpu.dot_dimension_numbers<[1], [0], [0], [1], [0, 0, 1, 1], [], []>, transpose_lhs_hint = false} : vector<4000x16xf32>, vector<16x64xf32>, vector<4000x64xf32> -> vector<4000x64xf32>
    %mul3A_141 = vector.broadcast %slice3A_133 : vector<4000x1xf32> to vector<4000x64xf32>
    %mul3A_142 = arith.mulf %mul3A_141, %dot_general3A_140 : vector<4000x64xf32>
    %add3A_143 = arith.addf %add3A_132, %mul3A_142 : vector<4000x64xf32>
    %slice3A_144 = vector.extract_strided_slice %add3A_44 {offsets = [0, 3], sizes = [4000, 1], strides = [1, 1]} : vector<4000x16xf32> to vector<4000x1xf32>
    %get3A_145 = arith.constant 3 : index
    %get3A_146 = arith.constant 0 : index
    %get3A_147 = arith.constant 0 : index
    %get3A_148 = vector.load %arg13[%get3A_145, %get3A_146, %get3A_147] : memref<9x16x64xf32, #tpu.memory_space<vmem>>, vector<1x16x64xf32>
    %get3A_149 = vector.shape_cast %get3A_148 : vector<1x16x64xf32> to vector<16x64xf32>
    %dot_general3A_150 = arith.constant dense<0.000000e+00> : vector<4000x64xf32>
    %dot_general3A_151 = tpu.matmul %slice3A, %get3A_149, %dot_general3A_150 {dimension_numbers = #tpu.dot_dimension_numbers<[1], [0], [0], [1], [0, 0, 1, 1], [], []>, transpose_lhs_hint = false} : vector<4000x16xf32>, vector<16x64xf32>, vector<4000x64xf32> -> vector<4000x64xf32>
    %mul3A_152 = vector.broadcast %slice3A_144 : vector<4000x1xf32> to vector<4000x64xf32>
    %mul3A_153 = arith.mulf %mul3A_152, %dot_general3A_151 : vector<4000x64xf32>
    %add3A_154 = arith.addf %add3A_143, %mul3A_153 : vector<4000x64xf32>
    %slice3A_155 = vector.extract_strided_slice %add3A_44 {offsets = [0, 4], sizes = [4000, 1], strides = [1, 1]} : vector<4000x16xf32> to vector<4000x1xf32>
    %get3A_156 = arith.constant 4 : index
    %get3A_157 = arith.constant 0 : index
    %get3A_158 = arith.constant 0 : index
    %get3A_159 = vector.load %arg13[%get3A_156, %get3A_157, %get3A_158] : memref<9x16x64xf32, #tpu.memory_space<vmem>>, vector<1x16x64xf32>
    %get3A_160 = vector.shape_cast %get3A_159 : vector<1x16x64xf32> to vector<16x64xf32>
    %dot_general3A_161 = arith.constant dense<0.000000e+00> : vector<4000x64xf32>
    %dot_general3A_162 = tpu.matmul %slice3A, %get3A_160, %dot_general3A_161 {dimension_numbers = #tpu.dot_dimension_numbers<[1], [0], [0], [1], [0, 0, 1, 1], [], []>, transpose_lhs_hint = false} : vector<4000x16xf32>, vector<16x64xf32>, vector<4000x64xf32> -> vector<4000x64xf32>
    %mul3A_163 = vector.broadcast %slice3A_155 : vector<4000x1xf32> to vector<4000x64xf32>
    %mul3A_164 = arith.mulf %mul3A_163, %dot_general3A_162 : vector<4000x64xf32>
    %add3A_165 = arith.addf %add3A_154, %mul3A_164 : vector<4000x64xf32>
    %slice3A_166 = vector.extract_strided_slice %add3A_44 {offsets = [0, 5], sizes = [4000, 1], strides = [1, 1]} : vector<4000x16xf32> to vector<4000x1xf32>
    %get3A_167 = arith.constant 5 : index
    %get3A_168 = arith.constant 0 : index
    %get3A_169 = arith.constant 0 : index
    %get3A_170 = vector.load %arg13[%get3A_167, %get3A_168, %get3A_169] : memref<9x16x64xf32, #tpu.memory_space<vmem>>, vector<1x16x64xf32>
    %get3A_171 = vector.shape_cast %get3A_170 : vector<1x16x64xf32> to vector<16x64xf32>
    %dot_general3A_172 = arith.constant dense<0.000000e+00> : vector<4000x64xf32>
    %dot_general3A_173 = tpu.matmul %slice3A, %get3A_171, %dot_general3A_172 {dimension_numbers = #tpu.dot_dimension_numbers<[1], [0], [0], [1], [0, 0, 1, 1], [], []>, transpose_lhs_hint = false} : vector<4000x16xf32>, vector<16x64xf32>, vector<4000x64xf32> -> vector<4000x64xf32>
    %mul3A_174 = vector.broadcast %slice3A_166 : vector<4000x1xf32> to vector<4000x64xf32>
    %mul3A_175 = arith.mulf %mul3A_174, %dot_general3A_173 : vector<4000x64xf32>
    %add3A_176 = arith.addf %add3A_165, %mul3A_175 : vector<4000x64xf32>
    %slice3A_177 = vector.extract_strided_slice %add3A_44 {offsets = [0, 6], sizes = [4000, 1], strides = [1, 1]} : vector<4000x16xf32> to vector<4000x1xf32>
    %get3A_178 = arith.constant 6 : index
    %get3A_179 = arith.constant 0 : index
    %get3A_180 = arith.constant 0 : index
    %get3A_181 = vector.load %arg13[%get3A_178, %get3A_179, %get3A_180] : memref<9x16x64xf32, #tpu.memory_space<vmem>>, vector<1x16x64xf32>
    %get3A_182 = vector.shape_cast %get3A_181 : vector<1x16x64xf32> to vector<16x64xf32>
    %dot_general3A_183 = arith.constant dense<0.000000e+00> : vector<4000x64xf32>
    %dot_general3A_184 = tpu.matmul %slice3A, %get3A_182, %dot_general3A_183 {dimension_numbers = #tpu.dot_dimension_numbers<[1], [0], [0], [1], [0, 0, 1, 1], [], []>, transpose_lhs_hint = false} : vector<4000x16xf32>, vector<16x64xf32>, vector<4000x64xf32> -> vector<4000x64xf32>
    %mul3A_185 = vector.broadcast %slice3A_177 : vector<4000x1xf32> to vector<4000x64xf32>
    %mul3A_186 = arith.mulf %mul3A_185, %dot_general3A_184 : vector<4000x64xf32>
    %add3A_187 = arith.addf %add3A_176, %mul3A_186 : vector<4000x64xf32>
    %slice3A_188 = vector.extract_strided_slice %add3A_44 {offsets = [0, 7], sizes = [4000, 1], strides = [1, 1]} : vector<4000x16xf32> to vector<4000x1xf32>
    %get3A_189 = arith.constant 7 : index
    %get3A_190 = arith.constant 0 : index
    %get3A_191 = arith.constant 0 : index
    %get3A_192 = vector.load %arg13[%get3A_189, %get3A_190, %get3A_191] : memref<9x16x64xf32, #tpu.memory_space<vmem>>, vector<1x16x64xf32>
    %get3A_193 = vector.shape_cast %get3A_192 : vector<1x16x64xf32> to vector<16x64xf32>
    %dot_general3A_194 = arith.constant dense<0.000000e+00> : vector<4000x64xf32>
    %dot_general3A_195 = tpu.matmul %slice3A, %get3A_193, %dot_general3A_194 {dimension_numbers = #tpu.dot_dimension_numbers<[1], [0], [0], [1], [0, 0, 1, 1], [], []>, transpose_lhs_hint = false} : vector<4000x16xf32>, vector<16x64xf32>, vector<4000x64xf32> -> vector<4000x64xf32>
    %mul3A_196 = vector.broadcast %slice3A_188 : vector<4000x1xf32> to vector<4000x64xf32>
    %mul3A_197 = arith.mulf %mul3A_196, %dot_general3A_195 : vector<4000x64xf32>
    %add3A_198 = arith.addf %add3A_187, %mul3A_197 : vector<4000x64xf32>
    %slice3A_199 = vector.extract_strided_slice %add3A_44 {offsets = [0, 8], sizes = [4000, 1], strides = [1, 1]} : vector<4000x16xf32> to vector<4000x1xf32>
    %get3A_200 = arith.constant 8 : index
    %get3A_201 = arith.constant 0 : index
    %get3A_202 = arith.constant 0 : index
    %get3A_203 = vector.load %arg13[%get3A_200, %get3A_201, %get3A_202] : memref<9x16x64xf32, #tpu.memory_space<vmem>>, vector<1x16x64xf32>
    %get3A_204 = vector.shape_cast %get3A_203 : vector<1x16x64xf32> to vector<16x64xf32>
    %dot_general3A_205 = arith.constant dense<0.000000e+00> : vector<4000x64xf32>
    %dot_general3A_206 = tpu.matmul %slice3A, %get3A_204, %dot_general3A_205 {dimension_numbers = #tpu.dot_dimension_numbers<[1], [0], [0], [1], [0, 0, 1, 1], [], []>, transpose_lhs_hint = false} : vector<4000x16xf32>, vector<16x64xf32>, vector<4000x64xf32> -> vector<4000x64xf32>
    %mul3A_207 = vector.broadcast %slice3A_199 : vector<4000x1xf32> to vector<4000x64xf32>
    %mul3A_208 = arith.mulf %mul3A_207, %dot_general3A_206 : vector<4000x64xf32>
    %add3A_209 = arith.addf %add3A_198, %mul3A_208 : vector<4000x64xf32>
    %iota3A_210 = tpu.iota {dimensions = array<i32: 1>} : vector<4000x16xi32>
    %eq3A = arith.constant 0 : i32
    %eq3A_211 = vector.broadcast %eq3A : i32 to vector<4000x16xi32>
    %eq3A_212 = arith.cmpi eq, %iota3A_210, %eq3A_211 : vector<4000x16xi32>
    %jit3A = arith.constant 1.000000e+00 : f32
    %jit3A_213 = arith.constant 0.000000e+00 : f32
    %broadcast_in_dim3A_214 = vector.broadcast %jit3A : f32 to vector<4000x16xf32>
    %broadcast_in_dim3A_215 = vector.broadcast %jit3A_213 : f32 to vector<4000x16xf32>
    %select_n3A_216 = arith.select %eq3A_212, %broadcast_in_dim3A_214, %broadcast_in_dim3A_215 : vector<4000x16xi1>, vector<4000x16xf32>
    %mul3A_217 = arith.mulf %add3A_209, %add3A_111 : vector<4000x64xf32>
    %concatenate3A = tpu.concatenate %mul3A_217, %select_n3A_216 in 1 : vector<4000x64xf32>, vector<4000x16xf32> -> vector<4000x80xf32>
    %swap3A = arith.constant 0 : index
    %swap3A_218 = arith.constant 0 : index
    %swap3A_219 = vector.load %arg23[%swap3A, %swap3A_218] : memref<4000x80xf32, #tpu.memory_space<vmem>>, vector<4000x80xf32>
    tpu.vector_store %arg23[%swap3A, %swap3A_218], %concatenate3A {strides = array<i32>} : memref<4000x80xf32, #tpu.memory_space<vmem>>, vector<4000x80xf32>,
    return
  }
  func.func @transform_0(%arg0: i32) -> (i32, i32) {
    %c0_i32 = arith.constant 0 : i32
    %c0_i32_0 = arith.constant 0 : i32
    return %arg0, %c0_i32 : i32, i32
  }
  func.func @transform_1(%arg0: i32) -> (i32, i32) {
    %c0_i32 = arith.constant 0 : i32
    %c0_i32_0 = arith.constant 0 : i32
    return %arg0, %c0_i32 : i32, i32
  }
  func.func @transform_2(%arg0: i32) -> (i32, i32) {
    %c0_i32 = arith.constant 0 : i32
    %c0_i32_0 = arith.constant 0 : i32
    %c0_i32_1 = arith.constant 0 : i32
    return %c0_i32, %c0_i32_0 : i32, i32
  }
  func.func @transform_3(%arg0: i32) -> i32 {
    %c0_i32 = arith.constant 0 : i32
    %c0_i32_0 = arith.constant 0 : i32
    return %c0_i32 : i32
  }
  func.func @transform_4(%arg0: i32) -> (i32, i32) {
    %c0_i32 = arith.constant 0 : i32
    %c0_i32_0 = arith.constant 0 : i32
    %c0_i32_1 = arith.constant 0 : i32
    return %c0_i32, %c0_i32_0 : i32, i32
  }
  func.func @transform_5(%arg0: i32) -> i32 {
    %c0_i32 = arith.constant 0 : i32
    %c0_i32_0 = arith.constant 0 : i32
    return %c0_i32 : i32
  }
  func.func @transform_6(%arg0: i32) -> (i32, i32) {
    %c0_i32 = arith.constant 0 : i32
    %c0_i32_0 = arith.constant 0 : i32
    %c0_i32_1 = arith.constant 0 : i32
    return %c0_i32, %c0_i32_0 : i32, i32
  }
  func.func @transform_7(%arg0: i32) -> (i32, i32) {
    %c0_i32 = arith.constant 0 : i32
    %c0_i32_0 = arith.constant 0 : i32
    %c0_i32_1 = arith.constant 0 : i32
    return %c0_i32, %c0_i32_0 : i32, i32
  }
  func.func @transform_8(%arg0: i32) -> (i32, i32) {
    %c0_i32 = arith.constant 0 : i32
    %c0_i32_0 = arith.constant 0 : i32
    %c0_i32_1 = arith.constant 0 : i32
    return %c0_i32, %c0_i32_0 : i32, i32
  }
  func.func @transform_9(%arg0: i32) -> i32 {
    %c0_i32 = arith.constant 0 : i32
    %c0_i32_0 = arith.constant 0 : i32
    return %c0_i32 : i32
  }
  func.func @transform_10(%arg0: i32) -> (i32, i32) {
    %c0_i32 = arith.constant 0 : i32
    %c0_i32_0 = arith.constant 0 : i32
    %c0_i32_1 = arith.constant 0 : i32
    return %c0_i32, %c0_i32_0 : i32, i32
  }
  func.func @transform_11(%arg0: i32) -> i32 {
    %c0_i32 = arith.constant 0 : i32
    %c0_i32_0 = arith.constant 0 : i32
    return %c0_i32 : i32
  }
  func.func @transform_12(%arg0: i32) -> (i32, i32, i32) {
    %c0_i32 = arith.constant 0 : i32
    %c0_i32_0 = arith.constant 0 : i32
    %c0_i32_1 = arith.constant 0 : i32
    %c0_i32_2 = arith.constant 0 : i32
    return %c0_i32, %c0_i32_0, %c0_i32_1 : i32, i32, i32
  }
  func.func @transform_13(%arg0: i32) -> (i32, i32) {
    %c0_i32 = arith.constant 0 : i32
    %c0_i32_0 = arith.constant 0 : i32
    %c0_i32_1 = arith.constant 0 : i32
    return %c0_i32, %c0_i32_0 : i32, i32
  }
  func.func @transform_14(%arg0: i32) -> (i32, i32) {
    %c0_i32 = arith.constant 0 : i32
    %c0_i32_0 = arith.constant 0 : i32
    %c0_i32_1 = arith.constant 0 : i32
    return %c0_i32, %c0_i32_0 : i32, i32
  }
  func.func @transform_15(%arg0: i32) -> (i32, i32) {
    %c0_i32 = arith.constant 0 : i32
    %c0_i32_0 = arith.constant 0 : i32
    %c0_i32_1 = arith.constant 0 : i32
    return %c0_i32, %c0_i32_0 : i32, i32
  }
  func.func @transform_16(%arg0: i32) -> (i32, i32) {
    %c0_i32 = arith.constant 0 : i32
    %c0_i32_0 = arith.constant 0 : i32
    %c0_i32_1 = arith.constant 0 : i32
    return %c0_i32, %c0_i32_0 : i32, i32
  }
  func.func @transform_17(%arg0: i32) -> i32 {
    %c0_i32 = arith.constant 0 : i32
    %c0_i32_0 = arith.constant 0 : i32
    return %c0_i32 : i32
  }
  func.func @transform_18(%arg0: i32) -> (i32, i32) {
    %c0_i32 = arith.constant 0 : i32
    %c0_i32_0 = arith.constant 0 : i32
    %c0_i32_1 = arith.constant 0 : i32
    return %c0_i32, %c0_i32_0 : i32, i32
  }
  func.func @transform_19(%arg0: i32) -> (i32, i32) {
    %c0_i32 = arith.constant 0 : i32
    %c0_i32_0 = arith.constant 0 : i32
    %c0_i32_1 = arith.constant 0 : i32
    return %c0_i32, %c0_i32_0 : i32, i32
  }
  func.func @transform_20(%arg0: i32) -> (i32, i32) {
    %c0_i32 = arith.constant 0 : i32
    %c0_i32_0 = arith.constant 0 : i32
    %c0_i32_1 = arith.constant 0 : i32
    return %c0_i32, %c0_i32_0 : i32, i32
  }
  func.func @transform_21(%arg0: i32) -> i32 {
    %c0_i32 = arith.constant 0 : i32
    %c0_i32_0 = arith.constant 0 : i32
    return %c0_i32 : i32
  }
  func.func @transform_22(%arg0: i32) -> (i32, i32) {
    %c0_i32 = arith.constant 0 : i32
    %c0_i32_0 = arith.constant 0 : i32
    return %arg0, %c0_i32 : i32, i32
  }
}

module attributes {stable_mosaic.version = 14 : i64} {
  func.func @_update_body(%arg0: i32, %arg1: memref<1x2000x80xf32, #tpu.memory_space<vmem>>, %arg2: memref<1x2000x80xf32, #tpu.memory_space<vmem>>, %arg3: memref<2000x32xf32, #tpu.memory_space<vmem>>, %arg4: memref<2000x80xf32, #tpu.memory_space<vmem>>, %arg5: memref<2000x32xf32, #tpu.memory_space<vmem>>, %arg6: memref<2000x1xf32, #tpu.memory_space<vmem>>) attributes {dimension_semantics = [#tpu.dimension_semantics<arbitrary>], iteration_bounds = array<i64: 5>, scalar_prefetch = 0 : i64, scratch_operands = 0 : i64, tpu.core_type = #tpu.core_type<tc>, window_params = [{transform_indices = @transform_0, window_bounds = array<i64: 1, 2000, 80>}, {transform_indices = @transform_1, window_bounds = array<i64: 1, 2000, 80>}, {transform_indices = @transform_2, window_bounds = array<i64: 2000, 32>}, {transform_indices = @transform_3, window_bounds = array<i64: 2000, 80>}, {transform_indices = @transform_4, window_bounds = array<i64: 2000, 32>}, {transform_indices = @transform_5, window_bounds = array<i64: 2000, 1>}]} {
    %get3A = arith.constant 0 : index
    %get3A_0 = arith.constant 0 : index
    %get3A_1 = arith.constant 0 : index
    %get3A_2 = vector.load %arg1[%get3A, %get3A_0, %get3A_1] : memref<1x2000x80xf32, #tpu.memory_space<vmem>>, vector<1x2000x80xf32>
    %get3A_3 = vector.shape_cast %get3A_2 : vector<1x2000x80xf32> to vector<2000x80xf32>
    %get3A_4 = arith.constant 0 : index
    %get3A_5 = arith.constant 0 : index
    %get3A_6 = arith.constant 0 : index
    %get3A_7 = vector.load %arg2[%get3A_4, %get3A_5, %get3A_6] : memref<1x2000x80xf32, #tpu.memory_space<vmem>>, vector<1x2000x80xf32>
    %get3A_8 = vector.shape_cast %get3A_7 : vector<1x2000x80xf32> to vector<2000x80xf32>
    %add3A = arith.addf %get3A_3, %get3A_8 : vector<2000x80xf32>
    %slice3A = vector.extract_strided_slice %add3A {offsets = [0, 64], sizes = [2000, 1], strides = [1, 1]} : vector<2000x80xf32> to vector<2000x1xf32>
    %max3A = arith.constant 1.000000e+00 : f32
    %max3A_9 = vector.broadcast %max3A : f32 to vector<2000x1xf32>
    %max3A_10 = arith.maximumf %slice3A, %max3A_9 : vector<2000x1xf32>
    %div3A = arith.constant 1.000000e+00 : f32
    %div3A_11 = vector.broadcast %div3A : f32 to vector<2000x1xf32>
    %div3A_12 = arith.divf %div3A_11, %max3A_10 : vector<2000x1xf32>
    %slice3A_13 = vector.extract_strided_slice %add3A {offsets = [0, 0], sizes = [2000, 64], strides = [1, 1]} : vector<2000x80xf32> to vector<2000x64xf32>
    %mul3A = vector.broadcast %div3A_12 : vector<2000x1xf32> to vector<2000x64xf32>
    %mul3A_14 = arith.mulf %slice3A_13, %mul3A : vector<2000x64xf32>
    %get3A_15 = arith.constant 0 : index
    %get3A_16 = arith.constant 0 : index
    %get3A_17 = vector.load %arg3[%get3A_15, %get3A_16] : memref<2000x32xf32, #tpu.memory_space<vmem>>, vector<2000x32xf32>
    %slice3A_18 = vector.extract_strided_slice %get3A_17 {offsets = [0, 0], sizes = [2000, 16], strides = [1, 1]} : vector<2000x32xf32> to vector<2000x16xf32>
    %slice3A_19 = vector.extract_strided_slice %get3A_17 {offsets = [0, 16], sizes = [2000, 3], strides = [1, 1]} : vector<2000x32xf32> to vector<2000x3xf32>
    %broadcast_in_dim3A = arith.constant 0.000000e+00 : f32
    %broadcast_in_dim3A_20 = vector.broadcast %broadcast_in_dim3A : f32 to vector<2000x48xf32>
    %concatenate3A = tpu.concatenate %slice3A_18, %broadcast_in_dim3A_20 in 1 : vector<2000x16xf32>, vector<2000x48xf32> -> vector<2000x64xf32>
    %add3A_21 = arith.addf %concatenate3A, %mul3A_14 : vector<2000x64xf32>
    %broadcast_in_dim3A_22 = arith.constant 0.000000e+00 : f32
    %broadcast_in_dim3A_23 = vector.broadcast %broadcast_in_dim3A_22 : f32 to vector<2000x13xf32>
    %concatenate3A_24 = tpu.concatenate %add3A_21, %slice3A_19, %broadcast_in_dim3A_23 in 1 : vector<2000x64xf32>, vector<2000x3xf32>, vector<2000x13xf32> -> vector<2000x80xf32>
    %swap3A = arith.constant 0 : index
    %swap3A_25 = arith.constant 0 : index
    %swap3A_26 = vector.load %arg4[%swap3A, %swap3A_25] : memref<2000x80xf32, #tpu.memory_space<vmem>>, vector<2000x80xf32>
    tpu.vector_store %arg4[%swap3A, %swap3A_25], %concatenate3A_24 {strides = array<i32>} : memref<2000x80xf32, #tpu.memory_space<vmem>>, vector<2000x80xf32>,
    %slice3A_27 = vector.extract_strided_slice %add3A_21 {offsets = [0, 0], sizes = [2000, 16], strides = [1, 1]} : vector<2000x64xf32> to vector<2000x16xf32>
    %concatenate3A_28 = tpu.concatenate %slice3A_27, %slice3A_19, %broadcast_in_dim3A_23 in 1 : vector<2000x16xf32>, vector<2000x3xf32>, vector<2000x13xf32> -> vector<2000x32xf32>
    %swap3A_29 = arith.constant 0 : index
    %swap3A_30 = arith.constant 0 : index
    %swap3A_31 = vector.load %arg5[%swap3A_29, %swap3A_30] : memref<2000x32xf32, #tpu.memory_space<vmem>>, vector<2000x32xf32>
    tpu.vector_store %arg5[%swap3A_29, %swap3A_30], %concatenate3A_28 {strides = array<i32>} : memref<2000x32xf32, #tpu.memory_space<vmem>>, vector<2000x32xf32>,
    %swap3A_32 = arith.constant 0 : index
    %swap3A_33 = arith.constant 0 : index
    %swap3A_34 = vector.load %arg6[%swap3A_32, %swap3A_33] : memref<2000x1xf32, #tpu.memory_space<vmem>>, vector<2000x1xf32>
    tpu.vector_store %arg6[%swap3A_32, %swap3A_33], %div3A_12 {strides = array<i32>} : memref<2000x1xf32, #tpu.memory_space<vmem>>, vector<2000x1xf32>,
    return
  }
  func.func @transform_0(%arg0: i32) -> (i32, i32, i32) {
    %c0_i32 = arith.constant 0 : i32
    %c0_i32_0 = arith.constant 0 : i32
    %c0_i32_1 = arith.constant 0 : i32
    return %c0_i32, %arg0, %c0_i32_0 : i32, i32, i32
  }
  func.func @transform_1(%arg0: i32) -> (i32, i32, i32) {
    %c1_i32 = arith.constant 1 : i32
    %c0_i32 = arith.constant 0 : i32
    %c0_i32_0 = arith.constant 0 : i32
    return %c1_i32, %arg0, %c0_i32 : i32, i32, i32
  }
  func.func @transform_2(%arg0: i32) -> (i32, i32) {
    %c0_i32 = arith.constant 0 : i32
    %c0_i32_0 = arith.constant 0 : i32
    return %arg0, %c0_i32 : i32, i32
  }
  func.func @transform_3(%arg0: i32) -> (i32, i32) {
    %c0_i32 = arith.constant 0 : i32
    %c0_i32_0 = arith.constant 0 : i32
    return %arg0, %c0_i32 : i32, i32
  }
  func.func @transform_4(%arg0: i32) -> (i32, i32) {
    %c0_i32 = arith.constant 0 : i32
    %c0_i32_0 = arith.constant 0 : i32
    return %arg0, %c0_i32 : i32, i32
  }
  func.func @transform_5(%arg0: i32) -> (i32, i32) {
    %c0_i32 = arith.constant 0 : i32
    %c0_i32_0 = arith.constant 0 : i32
    return %arg0, %c0_i32 : i32, i32
  }
}

module attributes {stable_mosaic.version = 14 : i64} {
  func.func @_edge1_body(%arg0: i32, %arg1: memref<4000x80xf32, #tpu.memory_space<vmem>>, %arg2: memref<4000x32xf32, #tpu.memory_space<vmem>>, %arg3: memref<32x16xf32, #tpu.memory_space<vmem>>, %arg4: memref<16xf32, #tpu.memory_space<vmem>>, %arg5: memref<16x16xf32, #tpu.memory_space<vmem>>, %arg6: memref<16xf32, #tpu.memory_space<vmem>>, %arg7: memref<16x48xf32, #tpu.memory_space<vmem>>, %arg8: memref<16x48xf32, #tpu.memory_space<vmem>>, %arg9: memref<16x48xf32, #tpu.memory_space<vmem>>, %arg10: memref<48xf32, #tpu.memory_space<vmem>>, %arg11: memref<48x16xf32, #tpu.memory_space<vmem>>, %arg12: memref<16xf32, #tpu.memory_space<vmem>>, %arg13: memref<9x64x16xf32, #tpu.memory_space<vmem>>, %arg14: memref<80x16xf32, #tpu.memory_space<vmem>>, %arg15: memref<80x16xf32, #tpu.memory_space<vmem>>, %arg16: memref<32x16xf32, #tpu.memory_space<vmem>>, %arg17: memref<32x16xf32, #tpu.memory_space<vmem>>, %arg18: memref<16xf32, #tpu.memory_space<vmem>>, %arg19: memref<16x16xf32, #tpu.memory_space<vmem>>, %arg20: memref<16x32xf32, #tpu.memory_space<vmem>>, %arg21: memref<16x16xf32, #tpu.memory_space<vmem>>, %arg22: memref<16xf32, #tpu.memory_space<vmem>>, %arg23: memref<4000x16xf32, #tpu.memory_space<vmem>>) attributes {dimension_semantics = [#tpu.dimension_semantics<arbitrary>], iteration_bounds = array<i64: 40>, scalar_prefetch = 0 : i64, scratch_operands = 0 : i64, tpu.core_type = #tpu.core_type<tc>, window_params = [{transform_indices = @transform_0, window_bounds = array<i64: 4000, 80>}, {transform_indices = @transform_1, window_bounds = array<i64: 4000, 32>}, {pipeline_mode = #tpu.pipeline_mode<synchronous>, transform_indices = @transform_2, window_bounds = array<i64: 32, 16>}, {pipeline_mode = #tpu.pipeline_mode<synchronous>, transform_indices = @transform_3, window_bounds = array<i64: 16>}, {pipeline_mode = #tpu.pipeline_mode<synchronous>, transform_indices = @transform_4, window_bounds = array<i64: 16, 16>}, {pipeline_mode = #tpu.pipeline_mode<synchronous>, transform_indices = @transform_5, window_bounds = array<i64: 16>}, {pipeline_mode = #tpu.pipeline_mode<synchronous>, transform_indices = @transform_6, window_bounds = array<i64: 16, 48>}, {pipeline_mode = #tpu.pipeline_mode<synchronous>, transform_indices = @transform_7, window_bounds = array<i64: 16, 48>}, {pipeline_mode = #tpu.pipeline_mode<synchronous>, transform_indices = @transform_8, window_bounds = array<i64: 16, 48>}, {pipeline_mode = #tpu.pipeline_mode<synchronous>, transform_indices = @transform_9, window_bounds = array<i64: 48>}, {pipeline_mode = #tpu.pipeline_mode<synchronous>, transform_indices = @transform_10, window_bounds = array<i64: 48, 16>}, {pipeline_mode = #tpu.pipeline_mode<synchronous>, transform_indices = @transform_11, window_bounds = array<i64: 16>}, {pipeline_mode = #tpu.pipeline_mode<synchronous>, transform_indices = @transform_12, window_bounds = array<i64: 9, 64, 16>}, {pipeline_mode = #tpu.pipeline_mode<synchronous>, transform_indices = @transform_13, window_bounds = array<i64: 80, 16>}, {pipeline_mode = #tpu.pipeline_mode<synchronous>, transform_indices = @transform_14, window_bounds = array<i64: 80, 16>}, {pipeline_mode = #tpu.pipeline_mode<synchronous>, transform_indices = @transform_15, window_bounds = array<i64: 32, 16>}, {pipeline_mode = #tpu.pipeline_mode<synchronous>, transform_indices = @transform_16, window_bounds = array<i64: 32, 16>}, {pipeline_mode = #tpu.pipeline_mode<synchronous>, transform_indices = @transform_17, window_bounds = array<i64: 16>}, {pipeline_mode = #tpu.pipeline_mode<synchronous>, transform_indices = @transform_18, window_bounds = array<i64: 16, 16>}, {pipeline_mode = #tpu.pipeline_mode<synchronous>, transform_indices = @transform_19, window_bounds = array<i64: 16, 32>}, {pipeline_mode = #tpu.pipeline_mode<synchronous>, transform_indices = @transform_20, window_bounds = array<i64: 16, 16>}, {pipeline_mode = #tpu.pipeline_mode<synchronous>, transform_indices = @transform_21, window_bounds = array<i64: 16>}, {transform_indices = @transform_22, window_bounds = array<i64: 4000, 16>}]} {
    %get3A = arith.constant 0 : index
    %get3A_0 = arith.constant 0 : index
    %get3A_1 = vector.load %arg1[%get3A, %get3A_0] : memref<4000x80xf32, #tpu.memory_space<vmem>>, vector<4000x80xf32>
    %get3A_2 = arith.constant 0 : index
    %get3A_3 = arith.constant 0 : index
    %get3A_4 = vector.load %arg2[%get3A_2, %get3A_3] : memref<4000x32xf32, #tpu.memory_space<vmem>>, vector<4000x32xf32>
    %slice3A = vector.extract_strided_slice %get3A_1 {offsets = [0, 0], sizes = [4000, 64], strides = [1, 1]} : vector<4000x80xf32> to vector<4000x64xf32>
    %slice3A_5 = vector.extract_strided_slice %get3A_4 {offsets = [0, 0], sizes = [4000, 16], strides = [1, 1]} : vector<4000x32xf32> to vector<4000x16xf32>
    %get3A_6 = arith.constant 0 : index
    %get3A_7 = arith.constant 0 : index
    %get3A_8 = vector.load %arg14[%get3A_6, %get3A_7] : memref<80x16xf32, #tpu.memory_space<vmem>>, vector<80x16xf32>
    %get3A_9 = arith.constant 0 : index
    %get3A_10 = arith.constant 0 : index
    %get3A_11 = vector.load %arg15[%get3A_9, %get3A_10] : memref<80x16xf32, #tpu.memory_space<vmem>>, vector<80x16xf32>
    %get3A_12 = arith.constant 0 : index
    %get3A_13 = arith.constant 0 : index
    %get3A_14 = vector.load %arg16[%get3A_12, %get3A_13] : memref<32x16xf32, #tpu.memory_space<vmem>>, vector<32x16xf32>
    %get3A_15 = arith.constant 0 : index
    %get3A_16 = arith.constant 0 : index
    %get3A_17 = vector.load %arg17[%get3A_15, %get3A_16] : memref<32x16xf32, #tpu.memory_space<vmem>>, vector<32x16xf32>
    %get3A_18 = arith.constant 0 : index
    %get3A_19 = vector.load %arg18[%get3A_18] : memref<16xf32, #tpu.memory_space<vmem>>, vector<16xf32>
    %get3A_20 = arith.constant 0 : index
    %get3A_21 = arith.constant 0 : index
    %get3A_22 = vector.load %arg20[%get3A_20, %get3A_21] : memref<16x32xf32, #tpu.memory_space<vmem>>, vector<16x32xf32>
    %get3A_23 = arith.constant 0 : index
    %get3A_24 = arith.constant 0 : index
    %get3A_25 = vector.load %arg21[%get3A_23, %get3A_24] : memref<16x16xf32, #tpu.memory_space<vmem>>, vector<16x16xf32>
    %get3A_26 = arith.constant 0 : index
    %get3A_27 = vector.load %arg22[%get3A_26] : memref<16xf32, #tpu.memory_space<vmem>>, vector<16xf32>
    %dot_general3A = arith.constant dense<0.000000e+00> : vector<4000x16xf32>
    %dot_general3A_28 = tpu.matmul %get3A_4, %get3A_14, %dot_general3A {dimension_numbers = #tpu.dot_dimension_numbers<[1], [0], [0], [1], [0, 0, 1, 1], [], []>, transpose_lhs_hint = false} : vector<4000x32xf32>, vector<32x16xf32>, vector<4000x16xf32> -> vector<4000x16xf32>
    %dot_general3A_29 = arith.constant dense<0.000000e+00> : vector<4000x16xf32>
    %dot_general3A_30 = tpu.matmul %get3A_1, %get3A_8, %dot_general3A_29 {dimension_numbers = #tpu.dot_dimension_numbers<[1], [0], [0], [1], [0, 0, 1, 1], [], []>, transpose_lhs_hint = false} : vector<4000x80xf32>, vector<80x16xf32>, vector<4000x16xf32> -> vector<4000x16xf32>
    %sub3A = arith.subf %dot_general3A_28, %dot_general3A_30 : vector<4000x16xf32>
    %dot_general3A_31 = arith.constant dense<0.000000e+00> : vector<4000x16xf32>
    %dot_general3A_32 = tpu.matmul %get3A_4, %get3A_17, %dot_general3A_31 {dimension_numbers = #tpu.dot_dimension_numbers<[1], [0], [0], [1], [0, 0, 1, 1], [], []>, transpose_lhs_hint = false} : vector<4000x32xf32>, vector<32x16xf32>, vector<4000x16xf32> -> vector<4000x16xf32>
    %dot_general3A_33 = arith.constant dense<0.000000e+00> : vector<4000x16xf32>
    %dot_general3A_34 = tpu.matmul %get3A_1, %get3A_11, %dot_general3A_33 {dimension_numbers = #tpu.dot_dimension_numbers<[1], [0], [0], [1], [0, 0, 1, 1], [], []>, transpose_lhs_hint = false} : vector<4000x80xf32>, vector<80x16xf32>, vector<4000x16xf32> -> vector<4000x16xf32>
    %sub3A_35 = arith.subf %dot_general3A_32, %dot_general3A_34 : vector<4000x16xf32>
    %broadcast_in_dim3A = vector.shape_cast %get3A_19 : vector<16xf32> to vector<1x16xf32>
    %add3A = vector.broadcast %broadcast_in_dim3A : vector<1x16xf32> to vector<4000x16xf32>
    %add3A_36 = arith.addf %sub3A_35, %add3A : vector<4000x16xf32>
    %mul3A = arith.mulf %sub3A, %add3A_36 : vector<4000x16xf32>
    %dot_general3A_37 = arith.constant dense<0.000000e+00> : vector<4000x32xf32>
    %dot_general3A_38 = tpu.matmul %mul3A, %get3A_22, %dot_general3A_37 {dimension_numbers = #tpu.dot_dimension_numbers<[1], [0], [0], [1], [0, 0, 1, 1], [], []>, transpose_lhs_hint = false} : vector<4000x16xf32>, vector<16x32xf32>, vector<4000x32xf32> -> vector<4000x32xf32>
    %add3A_39 = arith.constant 9.99999996E-13 : f32
    %add3A_40 = vector.broadcast %add3A_39 : f32 to vector<4000x32xf32>
    %add3A_41 = arith.addf %dot_general3A_38, %add3A_40 : vector<4000x32xf32>
    %sqrt3A = math.sqrt %add3A_41 : vector<4000x32xf32>
    %slice3A_42 = vector.extract_strided_slice %sqrt3A {offsets = [0, 0], sizes = [4000, 16], strides = [1, 1]} : vector<4000x32xf32> to vector<4000x16xf32>
    %div3A = arith.constant 1.000000e+00 : f32
    %div3A_43 = vector.broadcast %div3A : f32 to vector<4000x16xf32>
    %div3A_44 = arith.divf %div3A_43, %slice3A_42 : vector<4000x16xf32>
    %iota3A = tpu.iota {dimensions = array<i32: 1>} : vector<1x16xi32>
    %lt3A = arith.constant 3 : i32
    %lt3A_45 = vector.broadcast %lt3A : i32 to vector<1x16xi32>
    %lt3A_46 = arith.cmpi slt, %iota3A, %lt3A_45 : vector<1x16xi32>
    %mul3A_47 = arith.mulf %div3A_44, %div3A_44 : vector<4000x16xf32>
    %broadcast_in_dim3A_48 = vector.shape_cast %lt3A_46 : vector<1x16xi1> to vector<1x16xi1>
    %broadcast_in_dim3A_49 = vector.broadcast %broadcast_in_dim3A_48 : vector<1x16xi1> to vector<4000x16xi1>
    %select_n3A = arith.select %broadcast_in_dim3A_49, %div3A_44, %mul3A_47 : vector<4000x16xi1>, vector<4000x16xf32>
    %mul3A_50 = arith.mulf %mul3A, %select_n3A : vector<4000x16xf32>
    %dot_general3A_51 = arith.constant dense<0.000000e+00> : vector<4000x16xf32>
    %dot_general3A_52 = tpu.matmul %mul3A_50, %get3A_25, %dot_general3A_51 {dimension_numbers = #tpu.dot_dimension_numbers<[1], [0], [0], [1], [0, 0, 1, 1], [], []>, transpose_lhs_hint = false} : vector<4000x16xf32>, vector<16x16xf32>, vector<4000x16xf32> -> vector<4000x16xf32>
    %broadcast_in_dim3A_53 = vector.shape_cast %get3A_27 : vector<16xf32> to vector<1x16xf32>
    %add3A_54 = vector.broadcast %broadcast_in_dim3A_53 : vector<1x16xf32> to vector<4000x16xf32>
    %add3A_55 = arith.addf %dot_general3A_52, %add3A_54 : vector<4000x16xf32>
    %get3A_56 = arith.constant 0 : index
    %get3A_57 = arith.constant 0 : index
    %get3A_58 = vector.load %arg3[%get3A_56, %get3A_57] : memref<32x16xf32, #tpu.memory_space<vmem>>, vector<32x16xf32>
    %get3A_59 = arith.constant 0 : index
    %get3A_60 = vector.load %arg4[%get3A_59] : memref<16xf32, #tpu.memory_space<vmem>>, vector<16xf32>
    %get3A_61 = arith.constant 0 : index
    %get3A_62 = arith.constant 0 : index
    %get3A_63 = vector.load %arg5[%get3A_61, %get3A_62] : memref<16x16xf32, #tpu.memory_space<vmem>>, vector<16x16xf32>
    %get3A_64 = arith.constant 0 : index
    %get3A_65 = vector.load %arg6[%get3A_64] : memref<16xf32, #tpu.memory_space<vmem>>, vector<16xf32>
    %iota3A_66 = tpu.iota {dimensions = array<i32: 1>} : vector<1x32xi32>
    %convert_element_type3A = arith.sitofp %iota3A_66 : vector<1x32xi32> to vector<1x32xf32>
    %mul3A_67 = arith.constant 0.322580636 : f32
    %mul3A_68 = vector.broadcast %mul3A_67 : f32 to vector<1x32xf32>
    %mul3A_69 = arith.mulf %convert_element_type3A, %mul3A_68 : vector<1x32xf32>
    %sub3A_70 = vector.broadcast %mul3A_69 : vector<1x32xf32> to vector<4000x32xf32>
    %sub3A_71 = arith.subf %sqrt3A, %sub3A_70 : vector<4000x32xf32>
    %mul3A_72 = arith.constant -4.805000e+00 : f32
    %mul3A_73 = vector.broadcast %mul3A_72 : f32 to vector<4000x32xf32>
    %mul3A_74 = arith.mulf %mul3A_73, %sub3A_71 : vector<4000x32xf32>
    %mul3A_75 = arith.mulf %mul3A_74, %sub3A_71 : vector<4000x32xf32>
    %exp3A = math.exp %mul3A_75 : vector<4000x32xf32>
    %dot_general3A_76 = arith.constant dense<0.000000e+00> : vector<4000x16xf32>
    %dot_general3A_77 = tpu.matmul %exp3A, %get3A_58, %dot_general3A_76 {dimension_numbers = #tpu.dot_dimension_numbers<[1], [0], [0], [1], [0, 0, 1, 1], [], []>, transpose_lhs_hint = false} : vector<4000x32xf32>, vector<32x16xf32>, vector<4000x16xf32> -> vector<4000x16xf32>
    %broadcast_in_dim3A_78 = vector.shape_cast %get3A_60 : vector<16xf32> to vector<1x16xf32>
    %add3A_79 = vector.broadcast %broadcast_in_dim3A_78 : vector<1x16xf32> to vector<4000x16xf32>
    %add3A_80 = arith.addf %dot_general3A_77, %add3A_79 : vector<4000x16xf32>
    %max3A = arith.constant 0.000000e+00 : f32
    %max3A_81 = vector.broadcast %max3A : f32 to vector<4000x16xf32>
    %max3A_82 = arith.maximumf %add3A_80, %max3A_81 : vector<4000x16xf32>
    %dot_general3A_83 = arith.constant dense<0.000000e+00> : vector<4000x16xf32>
    %dot_general3A_84 = tpu.matmul %max3A_82, %get3A_63, %dot_general3A_83 {dimension_numbers = #tpu.dot_dimension_numbers<[1], [0], [0], [1], [0, 0, 1, 1], [], []>, transpose_lhs_hint = false} : vector<4000x16xf32>, vector<16x16xf32>, vector<4000x16xf32> -> vector<4000x16xf32>
    %broadcast_in_dim3A_85 = vector.shape_cast %get3A_65 : vector<16xf32> to vector<1x16xf32>
    %add3A_86 = vector.broadcast %broadcast_in_dim3A_85 : vector<1x16xf32> to vector<4000x16xf32>
    %add3A_87 = arith.addf %dot_general3A_84, %add3A_86 : vector<4000x16xf32>
    %slice3A_88 = vector.extract_strided_slice %slice3A {offsets = [0, 0], sizes = [4000, 16], strides = [1, 1]} : vector<4000x64xf32> to vector<4000x16xf32>
    %get3A_89 = arith.constant 0 : index
    %get3A_90 = arith.constant 0 : index
    %get3A_91 = vector.load %arg7[%get3A_89, %get3A_90] : memref<16x48xf32, #tpu.memory_space<vmem>>, vector<16x48xf32>
    %get3A_92 = arith.constant 0 : index
    %get3A_93 = arith.constant 0 : index
    %get3A_94 = vector.load %arg8[%get3A_92, %get3A_93] : memref<16x48xf32, #tpu.memory_space<vmem>>, vector<16x48xf32>
    %get3A_95 = arith.constant 0 : index
    %get3A_96 = arith.constant 0 : index
    %get3A_97 = vector.load %arg9[%get3A_95, %get3A_96] : memref<16x48xf32, #tpu.memory_space<vmem>>, vector<16x48xf32>
    %get3A_98 = arith.constant 0 : index
    %get3A_99 = vector.load %arg10[%get3A_98] : memref<48xf32, #tpu.memory_space<vmem>>, vector<48xf32>
    %get3A_100 = arith.constant 0 : index
    %get3A_101 = arith.constant 0 : index
    %get3A_102 = vector.load %arg11[%get3A_100, %get3A_101] : memref<48x16xf32, #tpu.memory_space<vmem>>, vector<48x16xf32>
    %get3A_103 = arith.constant 0 : index
    %get3A_104 = vector.load %arg12[%get3A_103] : memref<16xf32, #tpu.memory_space<vmem>>, vector<16xf32>
    %dot_general3A_105 = arith.constant dense<0.000000e+00> : vector<4000x48xf32>
    %dot_general3A_106 = tpu.matmul %add3A_87, %get3A_91, %dot_general3A_105 {dimension_numbers = #tpu.dot_dimension_numbers<[1], [0], [0], [1], [0, 0, 1, 1], [], []>, transpose_lhs_hint = false} : vector<4000x16xf32>, vector<16x48xf32>, vector<4000x48xf32> -> vector<4000x48xf32>
    %dot_general3A_107 = arith.constant dense<0.000000e+00> : vector<4000x48xf32>
    %dot_general3A_108 = tpu.matmul %slice3A_5, %get3A_94, %dot_general3A_107 {dimension_numbers = #tpu.dot_dimension_numbers<[1], [0], [0], [1], [0, 0, 1, 1], [], []>, transpose_lhs_hint = false} : vector<4000x16xf32>, vector<16x48xf32>, vector<4000x48xf32> -> vector<4000x48xf32>
    %add3A_109 = arith.addf %dot_general3A_106, %dot_general3A_108 : vector<4000x48xf32>
    %dot_general3A_110 = arith.constant dense<0.000000e+00> : vector<4000x48xf32>
    %dot_general3A_111 = tpu.matmul %slice3A_88, %get3A_97, %dot_general3A_110 {dimension_numbers = #tpu.dot_dimension_numbers<[1], [0], [0], [1], [0, 0, 1, 1], [], []>, transpose_lhs_hint = false} : vector<4000x16xf32>, vector<16x48xf32>, vector<4000x48xf32> -> vector<4000x48xf32>
    %add3A_112 = arith.addf %add3A_109, %dot_general3A_111 : vector<4000x48xf32>
    %broadcast_in_dim3A_113 = vector.shape_cast %get3A_99 : vector<48xf32> to vector<1x48xf32>
    %add3A_114 = vector.broadcast %broadcast_in_dim3A_113 : vector<1x48xf32> to vector<4000x48xf32>
    %add3A_115 = arith.addf %add3A_112, %add3A_114 : vector<4000x48xf32>
    %max3A_116 = arith.constant 0.000000e+00 : f32
    %max3A_117 = vector.broadcast %max3A_116 : f32 to vector<4000x48xf32>
    %max3A_118 = arith.maximumf %add3A_115, %max3A_117 : vector<4000x48xf32>
    %dot_general3A_119 = arith.constant dense<0.000000e+00> : vector<4000x16xf32>
    %dot_general3A_120 = tpu.matmul %max3A_118, %get3A_102, %dot_general3A_119 {dimension_numbers = #tpu.dot_dimension_numbers<[1], [0], [0], [1], [0, 0, 1, 1], [], []>, transpose_lhs_hint = false} : vector<4000x48xf32>, vector<48x16xf32>, vector<4000x16xf32> -> vector<4000x16xf32>
    %broadcast_in_dim3A_121 = vector.shape_cast %get3A_104 : vector<16xf32> to vector<1x16xf32>
    %add3A_122 = vector.broadcast %broadcast_in_dim3A_121 : vector<1x16xf32> to vector<4000x16xf32>
    %add3A_123 = arith.addf %dot_general3A_120, %add3A_122 : vector<4000x16xf32>
    %slice3A_124 = vector.extract_strided_slice %add3A_55 {offsets = [0, 0], sizes = [4000, 1], strides = [1, 1]} : vector<4000x16xf32> to vector<4000x1xf32>
    %get3A_125 = arith.constant 0 : index
    %get3A_126 = arith.constant 0 : index
    %get3A_127 = arith.constant 0 : index
    %get3A_128 = vector.load %arg13[%get3A_125, %get3A_126, %get3A_127] : memref<9x64x16xf32, #tpu.memory_space<vmem>>, vector<1x64x16xf32>
    %get3A_129 = vector.shape_cast %get3A_128 : vector<1x64x16xf32> to vector<64x16xf32>
    %dot_general3A_130 = arith.constant dense<0.000000e+00> : vector<4000x16xf32>
    %dot_general3A_131 = tpu.matmul %slice3A, %get3A_129, %dot_general3A_130 {dimension_numbers = #tpu.dot_dimension_numbers<[1], [0], [0], [1], [0, 0, 1, 1], [], []>, transpose_lhs_hint = false} : vector<4000x64xf32>, vector<64x16xf32>, vector<4000x16xf32> -> vector<4000x16xf32>
    %mul3A_132 = vector.broadcast %slice3A_124 : vector<4000x1xf32> to vector<4000x16xf32>
    %mul3A_133 = arith.mulf %mul3A_132, %dot_general3A_131 : vector<4000x16xf32>
    %slice3A_134 = vector.extract_strided_slice %add3A_55 {offsets = [0, 1], sizes = [4000, 1], strides = [1, 1]} : vector<4000x16xf32> to vector<4000x1xf32>
    %get3A_135 = arith.constant 1 : index
    %get3A_136 = arith.constant 0 : index
    %get3A_137 = arith.constant 0 : index
    %get3A_138 = vector.load %arg13[%get3A_135, %get3A_136, %get3A_137] : memref<9x64x16xf32, #tpu.memory_space<vmem>>, vector<1x64x16xf32>
    %get3A_139 = vector.shape_cast %get3A_138 : vector<1x64x16xf32> to vector<64x16xf32>
    %dot_general3A_140 = arith.constant dense<0.000000e+00> : vector<4000x16xf32>
    %dot_general3A_141 = tpu.matmul %slice3A, %get3A_139, %dot_general3A_140 {dimension_numbers = #tpu.dot_dimension_numbers<[1], [0], [0], [1], [0, 0, 1, 1], [], []>, transpose_lhs_hint = false} : vector<4000x64xf32>, vector<64x16xf32>, vector<4000x16xf32> -> vector<4000x16xf32>
    %mul3A_142 = vector.broadcast %slice3A_134 : vector<4000x1xf32> to vector<4000x16xf32>
    %mul3A_143 = arith.mulf %mul3A_142, %dot_general3A_141 : vector<4000x16xf32>
    %add3A_144 = arith.addf %mul3A_133, %mul3A_143 : vector<4000x16xf32>
    %slice3A_145 = vector.extract_strided_slice %add3A_55 {offsets = [0, 2], sizes = [4000, 1], strides = [1, 1]} : vector<4000x16xf32> to vector<4000x1xf32>
    %get3A_146 = arith.constant 2 : index
    %get3A_147 = arith.constant 0 : index
    %get3A_148 = arith.constant 0 : index
    %get3A_149 = vector.load %arg13[%get3A_146, %get3A_147, %get3A_148] : memref<9x64x16xf32, #tpu.memory_space<vmem>>, vector<1x64x16xf32>
    %get3A_150 = vector.shape_cast %get3A_149 : vector<1x64x16xf32> to vector<64x16xf32>
    %dot_general3A_151 = arith.constant dense<0.000000e+00> : vector<4000x16xf32>
    %dot_general3A_152 = tpu.matmul %slice3A, %get3A_150, %dot_general3A_151 {dimension_numbers = #tpu.dot_dimension_numbers<[1], [0], [0], [1], [0, 0, 1, 1], [], []>, transpose_lhs_hint = false} : vector<4000x64xf32>, vector<64x16xf32>, vector<4000x16xf32> -> vector<4000x16xf32>
    %mul3A_153 = vector.broadcast %slice3A_145 : vector<4000x1xf32> to vector<4000x16xf32>
    %mul3A_154 = arith.mulf %mul3A_153, %dot_general3A_152 : vector<4000x16xf32>
    %add3A_155 = arith.addf %add3A_144, %mul3A_154 : vector<4000x16xf32>
    %slice3A_156 = vector.extract_strided_slice %add3A_55 {offsets = [0, 3], sizes = [4000, 1], strides = [1, 1]} : vector<4000x16xf32> to vector<4000x1xf32>
    %get3A_157 = arith.constant 3 : index
    %get3A_158 = arith.constant 0 : index
    %get3A_159 = arith.constant 0 : index
    %get3A_160 = vector.load %arg13[%get3A_157, %get3A_158, %get3A_159] : memref<9x64x16xf32, #tpu.memory_space<vmem>>, vector<1x64x16xf32>
    %get3A_161 = vector.shape_cast %get3A_160 : vector<1x64x16xf32> to vector<64x16xf32>
    %dot_general3A_162 = arith.constant dense<0.000000e+00> : vector<4000x16xf32>
    %dot_general3A_163 = tpu.matmul %slice3A, %get3A_161, %dot_general3A_162 {dimension_numbers = #tpu.dot_dimension_numbers<[1], [0], [0], [1], [0, 0, 1, 1], [], []>, transpose_lhs_hint = false} : vector<4000x64xf32>, vector<64x16xf32>, vector<4000x16xf32> -> vector<4000x16xf32>
    %mul3A_164 = vector.broadcast %slice3A_156 : vector<4000x1xf32> to vector<4000x16xf32>
    %mul3A_165 = arith.mulf %mul3A_164, %dot_general3A_163 : vector<4000x16xf32>
    %add3A_166 = arith.addf %add3A_155, %mul3A_165 : vector<4000x16xf32>
    %slice3A_167 = vector.extract_strided_slice %add3A_55 {offsets = [0, 4], sizes = [4000, 1], strides = [1, 1]} : vector<4000x16xf32> to vector<4000x1xf32>
    %get3A_168 = arith.constant 4 : index
    %get3A_169 = arith.constant 0 : index
    %get3A_170 = arith.constant 0 : index
    %get3A_171 = vector.load %arg13[%get3A_168, %get3A_169, %get3A_170] : memref<9x64x16xf32, #tpu.memory_space<vmem>>, vector<1x64x16xf32>
    %get3A_172 = vector.shape_cast %get3A_171 : vector<1x64x16xf32> to vector<64x16xf32>
    %dot_general3A_173 = arith.constant dense<0.000000e+00> : vector<4000x16xf32>
    %dot_general3A_174 = tpu.matmul %slice3A, %get3A_172, %dot_general3A_173 {dimension_numbers = #tpu.dot_dimension_numbers<[1], [0], [0], [1], [0, 0, 1, 1], [], []>, transpose_lhs_hint = false} : vector<4000x64xf32>, vector<64x16xf32>, vector<4000x16xf32> -> vector<4000x16xf32>
    %mul3A_175 = vector.broadcast %slice3A_167 : vector<4000x1xf32> to vector<4000x16xf32>
    %mul3A_176 = arith.mulf %mul3A_175, %dot_general3A_174 : vector<4000x16xf32>
    %add3A_177 = arith.addf %add3A_166, %mul3A_176 : vector<4000x16xf32>
    %slice3A_178 = vector.extract_strided_slice %add3A_55 {offsets = [0, 5], sizes = [4000, 1], strides = [1, 1]} : vector<4000x16xf32> to vector<4000x1xf32>
    %get3A_179 = arith.constant 5 : index
    %get3A_180 = arith.constant 0 : index
    %get3A_181 = arith.constant 0 : index
    %get3A_182 = vector.load %arg13[%get3A_179, %get3A_180, %get3A_181] : memref<9x64x16xf32, #tpu.memory_space<vmem>>, vector<1x64x16xf32>
    %get3A_183 = vector.shape_cast %get3A_182 : vector<1x64x16xf32> to vector<64x16xf32>
    %dot_general3A_184 = arith.constant dense<0.000000e+00> : vector<4000x16xf32>
    %dot_general3A_185 = tpu.matmul %slice3A, %get3A_183, %dot_general3A_184 {dimension_numbers = #tpu.dot_dimension_numbers<[1], [0], [0], [1], [0, 0, 1, 1], [], []>, transpose_lhs_hint = false} : vector<4000x64xf32>, vector<64x16xf32>, vector<4000x16xf32> -> vector<4000x16xf32>
    %mul3A_186 = vector.broadcast %slice3A_178 : vector<4000x1xf32> to vector<4000x16xf32>
    %mul3A_187 = arith.mulf %mul3A_186, %dot_general3A_185 : vector<4000x16xf32>
    %add3A_188 = arith.addf %add3A_177, %mul3A_187 : vector<4000x16xf32>
    %slice3A_189 = vector.extract_strided_slice %add3A_55 {offsets = [0, 6], sizes = [4000, 1], strides = [1, 1]} : vector<4000x16xf32> to vector<4000x1xf32>
    %get3A_190 = arith.constant 6 : index
    %get3A_191 = arith.constant 0 : index
    %get3A_192 = arith.constant 0 : index
    %get3A_193 = vector.load %arg13[%get3A_190, %get3A_191, %get3A_192] : memref<9x64x16xf32, #tpu.memory_space<vmem>>, vector<1x64x16xf32>
    %get3A_194 = vector.shape_cast %get3A_193 : vector<1x64x16xf32> to vector<64x16xf32>
    %dot_general3A_195 = arith.constant dense<0.000000e+00> : vector<4000x16xf32>
    %dot_general3A_196 = tpu.matmul %slice3A, %get3A_194, %dot_general3A_195 {dimension_numbers = #tpu.dot_dimension_numbers<[1], [0], [0], [1], [0, 0, 1, 1], [], []>, transpose_lhs_hint = false} : vector<4000x64xf32>, vector<64x16xf32>, vector<4000x16xf32> -> vector<4000x16xf32>
    %mul3A_197 = vector.broadcast %slice3A_189 : vector<4000x1xf32> to vector<4000x16xf32>
    %mul3A_198 = arith.mulf %mul3A_197, %dot_general3A_196 : vector<4000x16xf32>
    %add3A_199 = arith.addf %add3A_188, %mul3A_198 : vector<4000x16xf32>
    %slice3A_200 = vector.extract_strided_slice %add3A_55 {offsets = [0, 7], sizes = [4000, 1], strides = [1, 1]} : vector<4000x16xf32> to vector<4000x1xf32>
    %get3A_201 = arith.constant 7 : index
    %get3A_202 = arith.constant 0 : index
    %get3A_203 = arith.constant 0 : index
    %get3A_204 = vector.load %arg13[%get3A_201, %get3A_202, %get3A_203] : memref<9x64x16xf32, #tpu.memory_space<vmem>>, vector<1x64x16xf32>
    %get3A_205 = vector.shape_cast %get3A_204 : vector<1x64x16xf32> to vector<64x16xf32>
    %dot_general3A_206 = arith.constant dense<0.000000e+00> : vector<4000x16xf32>
    %dot_general3A_207 = tpu.matmul %slice3A, %get3A_205, %dot_general3A_206 {dimension_numbers = #tpu.dot_dimension_numbers<[1], [0], [0], [1], [0, 0, 1, 1], [], []>, transpose_lhs_hint = false} : vector<4000x64xf32>, vector<64x16xf32>, vector<4000x16xf32> -> vector<4000x16xf32>
    %mul3A_208 = vector.broadcast %slice3A_200 : vector<4000x1xf32> to vector<4000x16xf32>
    %mul3A_209 = arith.mulf %mul3A_208, %dot_general3A_207 : vector<4000x16xf32>
    %add3A_210 = arith.addf %add3A_199, %mul3A_209 : vector<4000x16xf32>
    %slice3A_211 = vector.extract_strided_slice %add3A_55 {offsets = [0, 8], sizes = [4000, 1], strides = [1, 1]} : vector<4000x16xf32> to vector<4000x1xf32>
    %get3A_212 = arith.constant 8 : index
    %get3A_213 = arith.constant 0 : index
    %get3A_214 = arith.constant 0 : index
    %get3A_215 = vector.load %arg13[%get3A_212, %get3A_213, %get3A_214] : memref<9x64x16xf32, #tpu.memory_space<vmem>>, vector<1x64x16xf32>
    %get3A_216 = vector.shape_cast %get3A_215 : vector<1x64x16xf32> to vector<64x16xf32>
    %dot_general3A_217 = arith.constant dense<0.000000e+00> : vector<4000x16xf32>
    %dot_general3A_218 = tpu.matmul %slice3A, %get3A_216, %dot_general3A_217 {dimension_numbers = #tpu.dot_dimension_numbers<[1], [0], [0], [1], [0, 0, 1, 1], [], []>, transpose_lhs_hint = false} : vector<4000x64xf32>, vector<64x16xf32>, vector<4000x16xf32> -> vector<4000x16xf32>
    %mul3A_219 = vector.broadcast %slice3A_211 : vector<4000x1xf32> to vector<4000x16xf32>
    %mul3A_220 = arith.mulf %mul3A_219, %dot_general3A_218 : vector<4000x16xf32>
    %add3A_221 = arith.addf %add3A_210, %mul3A_220 : vector<4000x16xf32>
    %mul3A_222 = arith.mulf %add3A_221, %add3A_123 : vector<4000x16xf32>
    %swap3A = arith.constant 0 : index
    %swap3A_223 = arith.constant 0 : index
    %swap3A_224 = vector.load %arg23[%swap3A, %swap3A_223] : memref<4000x16xf32, #tpu.memory_space<vmem>>, vector<4000x16xf32>
    tpu.vector_store %arg23[%swap3A, %swap3A_223], %mul3A_222 {strides = array<i32>} : memref<4000x16xf32, #tpu.memory_space<vmem>>, vector<4000x16xf32>,
    return
  }
  func.func @transform_0(%arg0: i32) -> (i32, i32) {
    %c0_i32 = arith.constant 0 : i32
    %c0_i32_0 = arith.constant 0 : i32
    return %arg0, %c0_i32 : i32, i32
  }
  func.func @transform_1(%arg0: i32) -> (i32, i32) {
    %c0_i32 = arith.constant 0 : i32
    %c0_i32_0 = arith.constant 0 : i32
    return %arg0, %c0_i32 : i32, i32
  }
  func.func @transform_2(%arg0: i32) -> (i32, i32) {
    %c0_i32 = arith.constant 0 : i32
    %c0_i32_0 = arith.constant 0 : i32
    %c0_i32_1 = arith.constant 0 : i32
    return %c0_i32, %c0_i32_0 : i32, i32
  }
  func.func @transform_3(%arg0: i32) -> i32 {
    %c0_i32 = arith.constant 0 : i32
    %c0_i32_0 = arith.constant 0 : i32
    return %c0_i32 : i32
  }
  func.func @transform_4(%arg0: i32) -> (i32, i32) {
    %c0_i32 = arith.constant 0 : i32
    %c0_i32_0 = arith.constant 0 : i32
    %c0_i32_1 = arith.constant 0 : i32
    return %c0_i32, %c0_i32_0 : i32, i32
  }
  func.func @transform_5(%arg0: i32) -> i32 {
    %c0_i32 = arith.constant 0 : i32
    %c0_i32_0 = arith.constant 0 : i32
    return %c0_i32 : i32
  }
  func.func @transform_6(%arg0: i32) -> (i32, i32) {
    %c0_i32 = arith.constant 0 : i32
    %c0_i32_0 = arith.constant 0 : i32
    %c0_i32_1 = arith.constant 0 : i32
    return %c0_i32, %c0_i32_0 : i32, i32
  }
  func.func @transform_7(%arg0: i32) -> (i32, i32) {
    %c0_i32 = arith.constant 0 : i32
    %c0_i32_0 = arith.constant 0 : i32
    %c0_i32_1 = arith.constant 0 : i32
    return %c0_i32, %c0_i32_0 : i32, i32
  }
  func.func @transform_8(%arg0: i32) -> (i32, i32) {
    %c0_i32 = arith.constant 0 : i32
    %c0_i32_0 = arith.constant 0 : i32
    %c0_i32_1 = arith.constant 0 : i32
    return %c0_i32, %c0_i32_0 : i32, i32
  }
  func.func @transform_9(%arg0: i32) -> i32 {
    %c0_i32 = arith.constant 0 : i32
    %c0_i32_0 = arith.constant 0 : i32
    return %c0_i32 : i32
  }
  func.func @transform_10(%arg0: i32) -> (i32, i32) {
    %c0_i32 = arith.constant 0 : i32
    %c0_i32_0 = arith.constant 0 : i32
    %c0_i32_1 = arith.constant 0 : i32
    return %c0_i32, %c0_i32_0 : i32, i32
  }
  func.func @transform_11(%arg0: i32) -> i32 {
    %c0_i32 = arith.constant 0 : i32
    %c0_i32_0 = arith.constant 0 : i32
    return %c0_i32 : i32
  }
  func.func @transform_12(%arg0: i32) -> (i32, i32, i32) {
    %c0_i32 = arith.constant 0 : i32
    %c0_i32_0 = arith.constant 0 : i32
    %c0_i32_1 = arith.constant 0 : i32
    %c0_i32_2 = arith.constant 0 : i32
    return %c0_i32, %c0_i32_0, %c0_i32_1 : i32, i32, i32
  }
  func.func @transform_13(%arg0: i32) -> (i32, i32) {
    %c0_i32 = arith.constant 0 : i32
    %c0_i32_0 = arith.constant 0 : i32
    %c0_i32_1 = arith.constant 0 : i32
    return %c0_i32, %c0_i32_0 : i32, i32
  }
  func.func @transform_14(%arg0: i32) -> (i32, i32) {
    %c0_i32 = arith.constant 0 : i32
    %c0_i32_0 = arith.constant 0 : i32
    %c0_i32_1 = arith.constant 0 : i32
    return %c0_i32, %c0_i32_0 : i32, i32
  }
  func.func @transform_15(%arg0: i32) -> (i32, i32) {
    %c0_i32 = arith.constant 0 : i32
    %c0_i32_0 = arith.constant 0 : i32
    %c0_i32_1 = arith.constant 0 : i32
    return %c0_i32, %c0_i32_0 : i32, i32
  }
  func.func @transform_16(%arg0: i32) -> (i32, i32) {
    %c0_i32 = arith.constant 0 : i32
    %c0_i32_0 = arith.constant 0 : i32
    %c0_i32_1 = arith.constant 0 : i32
    return %c0_i32, %c0_i32_0 : i32, i32
  }
  func.func @transform_17(%arg0: i32) -> i32 {
    %c0_i32 = arith.constant 0 : i32
    %c0_i32_0 = arith.constant 0 : i32
    return %c0_i32 : i32
  }
  func.func @transform_18(%arg0: i32) -> (i32, i32) {
    %c0_i32 = arith.constant 0 : i32
    %c0_i32_0 = arith.constant 0 : i32
    %c0_i32_1 = arith.constant 0 : i32
    return %c0_i32, %c0_i32_0 : i32, i32
  }
  func.func @transform_19(%arg0: i32) -> (i32, i32) {
    %c0_i32 = arith.constant 0 : i32
    %c0_i32_0 = arith.constant 0 : i32
    %c0_i32_1 = arith.constant 0 : i32
    return %c0_i32, %c0_i32_0 : i32, i32
  }
  func.func @transform_20(%arg0: i32) -> (i32, i32) {
    %c0_i32 = arith.constant 0 : i32
    %c0_i32_0 = arith.constant 0 : i32
    %c0_i32_1 = arith.constant 0 : i32
    return %c0_i32, %c0_i32_0 : i32, i32
  }
  func.func @transform_21(%arg0: i32) -> i32 {
    %c0_i32 = arith.constant 0 : i32
    %c0_i32_0 = arith.constant 0 : i32
    return %c0_i32 : i32
  }
  func.func @transform_22(%arg0: i32) -> (i32, i32) {
    %c0_i32 = arith.constant 0 : i32
    %c0_i32_0 = arith.constant 0 : i32
    return %arg0, %c0_i32 : i32, i32
  }
}

module attributes {stable_mosaic.version = 14 : i64} {
  func.func @_final_body(%arg0: i32, %arg1: memref<1x2000x16xf32, #tpu.memory_space<vmem>>, %arg2: memref<1x2000x16xf32, #tpu.memory_space<vmem>>, %arg3: memref<2000x32xf32, #tpu.memory_space<vmem>>, %arg4: memref<2000x1xf32, #tpu.memory_space<vmem>>, %arg5: memref<16x32xf32, #tpu.memory_space<vmem>>, %arg6: memref<32xf32, #tpu.memory_space<vmem>>, %arg7: memref<32x16xf32, #tpu.memory_space<vmem>>, %arg8: memref<16xf32, #tpu.memory_space<vmem>>, %arg9: memref<16x1xf32, #tpu.memory_space<vmem>>, %arg10: memref<1xf32, #tpu.memory_space<vmem>>, %arg11: memref<2000x1xf32, #tpu.memory_space<vmem>>) attributes {dimension_semantics = [#tpu.dimension_semantics<arbitrary>], iteration_bounds = array<i64: 5>, scalar_prefetch = 0 : i64, scratch_operands = 0 : i64, tpu.core_type = #tpu.core_type<tc>, window_params = [{transform_indices = @transform_0, window_bounds = array<i64: 1, 2000, 16>}, {transform_indices = @transform_1, window_bounds = array<i64: 1, 2000, 16>}, {transform_indices = @transform_2, window_bounds = array<i64: 2000, 32>}, {transform_indices = @transform_3, window_bounds = array<i64: 2000, 1>}, {pipeline_mode = #tpu.pipeline_mode<synchronous>, transform_indices = @transform_4, window_bounds = array<i64: 16, 32>}, {pipeline_mode = #tpu.pipeline_mode<synchronous>, transform_indices = @transform_5, window_bounds = array<i64: 32>}, {pipeline_mode = #tpu.pipeline_mode<synchronous>, transform_indices = @transform_6, window_bounds = array<i64: 32, 16>}, {pipeline_mode = #tpu.pipeline_mode<synchronous>, transform_indices = @transform_7, window_bounds = array<i64: 16>}, {pipeline_mode = #tpu.pipeline_mode<synchronous>, transform_indices = @transform_8, window_bounds = array<i64: 16, 1>}, {pipeline_mode = #tpu.pipeline_mode<synchronous>, transform_indices = @transform_9, window_bounds = array<i64: 1>}, {transform_indices = @transform_10, window_bounds = array<i64: 2000, 1>}]} {
    %get3A = arith.constant 0 : index
    %get3A_0 = arith.constant 0 : index
    %get3A_1 = arith.constant 0 : index
    %get3A_2 = vector.load %arg1[%get3A, %get3A_0, %get3A_1] : memref<1x2000x16xf32, #tpu.memory_space<vmem>>, vector<1x2000x16xf32>
    %get3A_3 = vector.shape_cast %get3A_2 : vector<1x2000x16xf32> to vector<2000x16xf32>
    %get3A_4 = arith.constant 0 : index
    %get3A_5 = arith.constant 0 : index
    %get3A_6 = arith.constant 0 : index
    %get3A_7 = vector.load %arg2[%get3A_4, %get3A_5, %get3A_6] : memref<1x2000x16xf32, #tpu.memory_space<vmem>>, vector<1x2000x16xf32>
    %get3A_8 = vector.shape_cast %get3A_7 : vector<1x2000x16xf32> to vector<2000x16xf32>
    %add3A = arith.addf %get3A_3, %get3A_8 : vector<2000x16xf32>
    %get3A_9 = arith.constant 0 : index
    %get3A_10 = arith.constant 0 : index
    %get3A_11 = vector.load %arg4[%get3A_9, %get3A_10] : memref<2000x1xf32, #tpu.memory_space<vmem>>, vector<2000x1xf32>
    %mul3A = vector.broadcast %get3A_11 : vector<2000x1xf32> to vector<2000x16xf32>
    %mul3A_12 = arith.mulf %add3A, %mul3A : vector<2000x16xf32>
    %get3A_13 = arith.constant 0 : index
    %get3A_14 = arith.constant 0 : index
    %get3A_15 = vector.load %arg3[%get3A_13, %get3A_14] : memref<2000x32xf32, #tpu.memory_space<vmem>>, vector<2000x32xf32>
    %slice3A = vector.extract_strided_slice %get3A_15 {offsets = [0, 0], sizes = [2000, 16], strides = [1, 1]} : vector<2000x32xf32> to vector<2000x16xf32>
    %add3A_16 = arith.addf %slice3A, %mul3A_12 : vector<2000x16xf32>
    %get3A_17 = arith.constant 0 : index
    %get3A_18 = arith.constant 0 : index
    %get3A_19 = vector.load %arg5[%get3A_17, %get3A_18] : memref<16x32xf32, #tpu.memory_space<vmem>>, vector<16x32xf32>
    %dot_general3A = arith.constant dense<0.000000e+00> : vector<2000x32xf32>
    %dot_general3A_20 = tpu.matmul %add3A_16, %get3A_19, %dot_general3A {dimension_numbers = #tpu.dot_dimension_numbers<[1], [0], [0], [1], [0, 0, 1, 1], [], []>, transpose_lhs_hint = false} : vector<2000x16xf32>, vector<16x32xf32>, vector<2000x32xf32> -> vector<2000x32xf32>
    %get3A_21 = arith.constant 0 : index
    %get3A_22 = vector.load %arg6[%get3A_21] : memref<32xf32, #tpu.memory_space<vmem>>, vector<32xf32>
    %broadcast_in_dim3A = vector.shape_cast %get3A_22 : vector<32xf32> to vector<1x32xf32>
    %add3A_23 = vector.broadcast %broadcast_in_dim3A : vector<1x32xf32> to vector<2000x32xf32>
    %add3A_24 = arith.addf %dot_general3A_20, %add3A_23 : vector<2000x32xf32>
    %max3A = arith.constant 0.000000e+00 : f32
    %max3A_25 = vector.broadcast %max3A : f32 to vector<2000x32xf32>
    %max3A_26 = arith.maximumf %add3A_24, %max3A_25 : vector<2000x32xf32>
    %get3A_27 = arith.constant 0 : index
    %get3A_28 = arith.constant 0 : index
    %get3A_29 = vector.load %arg7[%get3A_27, %get3A_28] : memref<32x16xf32, #tpu.memory_space<vmem>>, vector<32x16xf32>
    %dot_general3A_30 = arith.constant dense<0.000000e+00> : vector<2000x16xf32>
    %dot_general3A_31 = tpu.matmul %max3A_26, %get3A_29, %dot_general3A_30 {dimension_numbers = #tpu.dot_dimension_numbers<[1], [0], [0], [1], [0, 0, 1, 1], [], []>, transpose_lhs_hint = false} : vector<2000x32xf32>, vector<32x16xf32>, vector<2000x16xf32> -> vector<2000x16xf32>
    %get3A_32 = arith.constant 0 : index
    %get3A_33 = vector.load %arg8[%get3A_32] : memref<16xf32, #tpu.memory_space<vmem>>, vector<16xf32>
    %broadcast_in_dim3A_34 = vector.shape_cast %get3A_33 : vector<16xf32> to vector<1x16xf32>
    %add3A_35 = vector.broadcast %broadcast_in_dim3A_34 : vector<1x16xf32> to vector<2000x16xf32>
    %add3A_36 = arith.addf %dot_general3A_31, %add3A_35 : vector<2000x16xf32>
    %max3A_37 = arith.constant 0.000000e+00 : f32
    %max3A_38 = vector.broadcast %max3A_37 : f32 to vector<2000x16xf32>
    %max3A_39 = arith.maximumf %add3A_36, %max3A_38 : vector<2000x16xf32>
    %get3A_40 = arith.constant 0 : index
    %get3A_41 = arith.constant 0 : index
    %get3A_42 = vector.load %arg9[%get3A_40, %get3A_41] : memref<16x1xf32, #tpu.memory_space<vmem>>, vector<16x1xf32>
    %dot_general3A_43 = arith.constant dense<0.000000e+00> : vector<2000x1xf32>
    %dot_general3A_44 = tpu.matmul %max3A_39, %get3A_42, %dot_general3A_43 {dimension_numbers = #tpu.dot_dimension_numbers<[1], [0], [0], [1], [0, 0, 1, 1], [], []>, transpose_lhs_hint = false} : vector<2000x16xf32>, vector<16x1xf32>, vector<2000x1xf32> -> vector<2000x1xf32>
    %get3A_45 = arith.constant 0 : index
    %get3A_46 = vector.load %arg10[%get3A_45] : memref<1xf32, #tpu.memory_space<vmem>>, vector<1xf32>
    %broadcast_in_dim3A_47 = vector.shape_cast %get3A_46 : vector<1xf32> to vector<1x1xf32>
    %add3A_48 = vector.broadcast %broadcast_in_dim3A_47 : vector<1x1xf32> to vector<2000x1xf32>
    %add3A_49 = arith.addf %dot_general3A_44, %add3A_48 : vector<2000x1xf32>
    %swap3A = arith.constant 0 : index
    %swap3A_50 = arith.constant 0 : index
    %swap3A_51 = vector.load %arg11[%swap3A, %swap3A_50] : memref<2000x1xf32, #tpu.memory_space<vmem>>, vector<2000x1xf32>
    tpu.vector_store %arg11[%swap3A, %swap3A_50], %add3A_49 {strides = array<i32>} : memref<2000x1xf32, #tpu.memory_space<vmem>>, vector<2000x1xf32>,
    return
  }
  func.func @transform_0(%arg0: i32) -> (i32, i32, i32) {
    %c0_i32 = arith.constant 0 : i32
    %c0_i32_0 = arith.constant 0 : i32
    %c0_i32_1 = arith.constant 0 : i32
    return %c0_i32, %arg0, %c0_i32_0 : i32, i32, i32
  }
  func.func @transform_1(%arg0: i32) -> (i32, i32, i32) {
    %c1_i32 = arith.constant 1 : i32
    %c0_i32 = arith.constant 0 : i32
    %c0_i32_0 = arith.constant 0 : i32
    return %c1_i32, %arg0, %c0_i32 : i32, i32, i32
  }
  func.func @transform_2(%arg0: i32) -> (i32, i32) {
    %c0_i32 = arith.constant 0 : i32
    %c0_i32_0 = arith.constant 0 : i32
    return %arg0, %c0_i32 : i32, i32
  }
  func.func @transform_3(%arg0: i32) -> (i32, i32) {
    %c0_i32 = arith.constant 0 : i32
    %c0_i32_0 = arith.constant 0 : i32
    return %arg0, %c0_i32 : i32, i32
  }
  func.func @transform_4(%arg0: i32) -> (i32, i32) {
    %c0_i32 = arith.constant 0 : i32
    %c0_i32_0 = arith.constant 0 : i32
    %c0_i32_1 = arith.constant 0 : i32
    return %c0_i32, %c0_i32_0 : i32, i32
  }
  func.func @transform_5(%arg0: i32) -> i32 {
    %c0_i32 = arith.constant 0 : i32
    %c0_i32_0 = arith.constant 0 : i32
    return %c0_i32 : i32
  }
  func.func @transform_6(%arg0: i32) -> (i32, i32) {
    %c0_i32 = arith.constant 0 : i32
    %c0_i32_0 = arith.constant 0 : i32
    %c0_i32_1 = arith.constant 0 : i32
    return %c0_i32, %c0_i32_0 : i32, i32
  }
  func.func @transform_7(%arg0: i32) -> i32 {
    %c0_i32 = arith.constant 0 : i32
    %c0_i32_0 = arith.constant 0 : i32
    return %c0_i32 : i32
  }
  func.func @transform_8(%arg0: i32) -> (i32, i32) {
    %c0_i32 = arith.constant 0 : i32
    %c0_i32_0 = arith.constant 0 : i32
    %c0_i32_1 = arith.constant 0 : i32
    return %c0_i32, %c0_i32_0 : i32, i32
  }
  func.func @transform_9(%arg0: i32) -> i32 {
    %c0_i32 = arith.constant 0 : i32
    %c0_i32_0 = arith.constant 0 : i32
    return %c0_i32 : i32
  }
  func.func @transform_10(%arg0: i32) -> (i32, i32) {
    %c0_i32 = arith.constant 0 : i32
    %c0_i32_0 = arith.constant 0 : i32
    return %arg0, %c0_i32 : i32, i32
  }
}

</mosaic_0001>

<sc_bundles>
// kernel: kernel.11.cloned.1.call-start
scs
__scs_entry_jumppad:
0x0: {  	(pc) =	sbr.rel $0x88, $3  }
0x1: {  	(tag) =	ssettag $0x0;
	lr =	simm.s32 $0x1  }
0x2: {  	[smem:$0x3F86] =	sst lr;
	_ =	strace $0xD0000000  }
0x3: {  	_ = 	snop  }
0x4: {  	_ = 	snop  }
0x5: {  	_ = 	snop  }
0x6: {  	_ = 	snop  }
0x7: {  	_ = 	snop  }
__scs_overlays_trampoline_lowered:
0x8: {  	[smem:$0x3F95] =	sst s0  }
0x9: {  	[smem:$0x3F96] =	sst s1  }
0xa: {  	[smem:$0x3F97] =	sst s2  }
0xb: {  	[smem:$0x3F98] =	sst s3  }
0xc: {  	[smem:$0x3F99] =	sst s4  }
0xd: {  	[smem:$0x3F9A] =	sst s5  }
0xe: {  	[smem:$0x3F9B] =	sst s6  }
0xf: {  	[smem:$0x3F9C] =	sst s7  }
0x10: {  	[smem:$0x3F9D] =	sst s8  }
0x11: {  	[smem:$0x3F9E] =	sst s9;
	s0 =	simm.s32 @!p0 $0x0  }
0x12: {  	s1 =	sld [smem:$0x3F84];
	s0 =	simm.s32 @p0 $0x1  }
0x13: {  	[smem:$0x3F9F] =	sst s0;
	s0 =	simm.s32 @!p1 $0x0  }
0x14: {  	s2 =	sld [smem:$0x3F83];
	s0 =	simm.s32 @p1 $0x1  }
0x15: {  	[smem:$0x3FA0] =	sst s0;
	s0 =	simm.s32 @!p2 $0x0  }
0x16: {  	s3 =	sld [smem:$0x3FDB];
	s0 =	simm.s32 @p2 $0x1  }
0x17: {  	s4 =	simm.s32 $0x1BF5;
	[smem:$0x3FA2] =	sst s0  }
0x18: {  	s0 =	sld [smem:$0x3F85];
	_ =	swait.ge [sflag:s4], $0x0  }
0x19: {  	s7 =	sld [smem:$0x3F86]  }
0x1a: {  	s8 =	sadd.s32 $0xFFFFE003, lr  }
0x1b: {  	s9 =	sadd.s32 $0xFFFFFEF7, lr;
	s5 =	simm.s32 $0xFFFFFFFF;
	p2 =	slt.u32 s8, $0xFFFFF086  }
0x1c: {  	p1 =	slt.u32 s9, $0xF7A;
	s5 =	simm.s32 @!p2 $0x0  }
0x1d: {  	s5 =	simm.s32 @p1 $0x1;
	p0 =	seq.s32 s7, s2  }
0x1e: {  	s7 =	smul.u32 @!p0 $0xF7A, s2;
	p2 =	seq.s32 @!p0 s5, $0x0  }
0x1f: {  	s9 =	smul.u32 $0xF7A, s1;
	s8 =	simm.s32 @!p0 $0x1BF5;
	p2 =	por !p2, p0  }
0x20: {  	[sflag:s8] =	ssyncset.s32 @!p0 $0xFFFFF086;
	s6 =	sadd.s32 @!p0 s3, s7;
	s7 =	simm.s32 @!p0 $0x108  }
0x21: {  	s3 =	sadd.s32 s3, s9;
	s6 =	sadd.s32 @!p0 $0x88, s6;
	s7 =	simm.s32 @p2 $0x1082  }
0x22: {  	[simem:s7], [sflag:s8] =	dma.local @!p0 [hbm:s6], $0xF7A  }
0x23: {  	s9 =	sor.u32 $0xD0000000, s2;
	s6 =	simm.s32 $0x108;
	_ =	swait.ge @!p0 [sflag:s8], $0x0  }
0x24: {  	s3 =	sadd.s32 $0x88, s3;
	s6 =	simm.s32 @!p1 $0x1082;
	[sflag:s4] =	ssyncset.s32 $0xFFFFF086  }
0x25: {  	[simem:s6], [sflag:s4] =	dma.local [hbm:s3], $0xF7A  }
0x26: {  	[smem:$0x3F86] =	sst s1;
	(tag) =	ssettag s2;
	_ =	strace s9  }
0x27: {  	s1 =	sld [smem:$0x3F96]  }
0x28: {  	s2 =	sld [smem:$0x3F97]  }
0x29: {  	s4 =	sld [smem:$0x3F99]  }
0x2a: {  	p0 =	seq.s32 s5, $0x0;
	s5 =	sld [smem:$0x3F9A]  }
0x2b: {  	s6 =	sld [smem:$0x3F9B]  }
0x2c: {  	s7 =	sld [smem:$0x3F9C]  }
0x2d: {  	s3 =	simm.s32 $0x108;
	s8 =	sld [smem:$0x3F9D]  }
0x2e: {  	s3 =	simm.s32 @!p0 $0x1082;
	s9 =	sld [smem:$0x3F9E]  }
0x2f: {  	lr =	sadd.s32 s0, s3;
	s0 =	sld [smem:$0x3F95]  }
0x30: {  	s3 =	sld [smem:$0x3F98]  }
0x31: {  	[smem:$0x3FA1] =	sst s10  }
0x32: {  	s10 =	sld [smem:$0x3F9F];
	_ =	sdelay $0x3  }
0x33: {  	p0 =	seq.s32 s10, $0x1;
	s10 =	sld [smem:$0x3FA1];
	_ =	sdelay $0x3  }
0x34: {  	[smem:$0x3FA1] =	sst s10  }
0x35: {  	s10 =	sld [smem:$0x3FA0];
	_ =	sdelay $0x3  }
0x36: {  	p1 =	seq.s32 s10, $0x1;
	s10 =	sld [smem:$0x3FA1];
	_ =	sdelay $0x3  }
0x37: {  	[smem:$0x3FA1] =	sst s10  }
0x38: {  	s10 =	sld [smem:$0x3FA2]  }
0x39: {  	_ = 	snop;
	(pc) =	sbr.ind lr, $3  }
0x3a: {  	_ = 	snop  }
0x3b: {  	_ = 	snop  }
0x3c: {  	p2 =	seq.s32 s10, $0x1;
	s10 =	sld [smem:$0x3FA1]  }
0x3d: {  	_ =	shalt  }
0x3e: {  	_ =	shalt  }
0x3f: {  	_ =	shalt  }
0x40: {  	_ =	shalt  }
0x41: {  	_ =	shalt  }
0x42: {  	_ =	shalt  }
0x43: {  	_ =	shalt  }
0x44: {  	_ =	shalt  }
0x45: {  	_ =	shalt  }
0x46: {  	_ =	shalt  }
0x47: {  	_ =	shalt  }
0x48: {  	_ =	shalt  }
0x49: {  	_ =	shalt  }
0x4a: {  	_ =	shalt  }
0x4b: {  	_ =	shalt  }
0x4c: {  	_ =	shalt  }
0x4d: {  	_ =	shalt  }
0x4e: {  	_ =	shalt  }
0x4f: {  	_ =	shalt  }
0x50: {  	_ =	shalt  }
0x51: {  	_ =	shalt  }
0x52: {  	_ =	shalt  }
0x53: {  	_ =	shalt  }
0x54: {  	_ =	shalt  }
0x55: {  	_ =	shalt  }
0x56: {  	_ =	shalt  }
0x57: {  	_ =	shalt  }
0x58: {  	_ =	shalt  }
0x59: {  	_ =	shalt  }
0x5a: {  	_ =	shalt  }
0x5b: {  	_ =	shalt  }
0x5c: {  	_ =	shalt  }
0x5d: {  	_ =	shalt  }
0x5e: {  	_ =	shalt  }
0x5f: {  	_ =	shalt  }
0x60: {  	_ =	shalt  }
0x61: {  	_ =	shalt  }
0x62: {  	_ =	shalt  }
0x63: {  	_ =	shalt  }
0x64: {  	_ =	shalt  }
0x65: {  	_ =	shalt  }
0x66: {  	_ =	shalt  }
0x67: {  	_ =	shalt  }
0x68: {  	_ =	shalt  }
0x69: {  	_ =	shalt  }
0x6a: {  	_ =	shalt  }
0x6b: {  	_ =	shalt  }
0x6c: {  	_ =	shalt  }
0x6d: {  	_ =	shalt  }
0x6e: {  	_ =	shalt  }
0x6f: {  	_ =	shalt  }
0x70: {  	_ =	shalt  }
0x71: {  	_ =	shalt  }
0x72: {  	_ =	shalt  }
0x73: {  	_ =	shalt  }
0x74: {  	_ =	shalt  }
0x75: {  	_ =	shalt  }
0x76: {  	_ =	shalt  }
0x77: {  	_ =	shalt  }
0x78: {  	_ =	shalt  }
0x79: {  	_ =	shalt  }
0x7a: {  	_ =	shalt  }
0x7b: {  	_ =	shalt  }
0x7c: {  	_ =	shalt  }
0x7d: {  	_ =	shalt  }
0x7e: {  	_ =	shalt  }
0x7f: {  	_ =	shalt  }
0x80: {  	_ =	shalt  }
0x81: {  	_ =	shalt  }
0x82: {  	_ =	shalt  }
0x83: {  	_ =	shalt  }
0x84: {  	_ =	shalt  }
0x85: {  	_ =	shalt  }
0x86: {  	_ =	shalt  }
0x87: {  	_ =	shalt  }
.Lfunc_end0:
.L_simem_size_0:
called_computation_lowered:
.L_overlay_start_0:
0x88: {  	s2 =	sld [smem:$0x3FD9]  }
0x89: {  	s3 =	sld [smem:$0x3FFE];
	_ =	sdelay $0x1  }
0x8a: {  	s1 =	srdreg.scid  }
0x8b: {  	s0 =	sand.u32 $0x1, s1  }
0x8c: {  	s16 =	sshll.u32 s0, $0xA;
	s2 =	sadd.s32 s3, s2  }
0x8d: {  	s2 =	sadd.s32 s2, s16  }
0x8e: {  	[smem:$0x3FAD] =	sst s2  }
0x8f: {  	_ = 	snop  }
0x90: {  	(tm) =	ssettm $0x1  }
0x91: {  	s17 =	sld [smem:$0x3FFB];
	_ =	sdelay $0x3  }
0x92: {  	_ =	strace s17  }
0x93: {  	s2 =	sld [smem:$0x3FFC];
	_ =	sdelay $0x3  }
0x94: {  	_ =	strace s2  }
0x95: {  	s2 =	sld [smem:$0x3FFD];
	_ =	sdelay $0x3  }
0x96: {  	_ =	strace s2  }
0x97: {  	_ =	strace $0x8FFFFFFF  }
0x98: {  	s18 =	sld [smem:$0x3FDB];
	_ =	sdelay $0x1  }
0x99: {  	s19 =	simm.s32 $_scs_section_size  }
0x9a: {  	s4 =	simm.s32 $_size__tile_overlayer_lowered;
	s5 =	simm.s32 $_tile_overlayer_lowered  }
0x9b: {  	s22 =	simm.s32 $0x1BFF;
	s21 =	sshll.u32 s5, $0x1;
	s2 =	sadd.s32 s19, s18  }
0x9c: {  	s6 =	simm.s32 $0x0;
	s20 =	sshll.u32 s4, $0x1;
	s4 =	sadd.s32 s21, s2  }
0x9d: {  	[timem:s6], [sflag:s22] =	dma.local [hbm:s4], s20  }
0x9e: {  	_ =	swait.ge [sflag:s22], s20  }
0x9f: {  	s3 =	ssub.s32 $0x0, s20;
	[sflag:s22] =	ssyncset.done $0x0  }
0xa0: {  	[sflag:s22] =	ssyncadd.s32 s3;
	_ =	sdelay $0x1  }
0xa1: {  	s23 =	simm.s32 $0x1B8B  }
0xa2: {  	_ =	swait.ge [sflag:s23], $0x1  }
0xa3: {  	[sflag:s23] =	ssyncset.done $0x0  }
0xa4: {  	s25 =	simm.s32 $0x1B8E;
	s24 =	sld [smem:$0x3FFE];
	[sflag:s23] =	ssyncadd.s32 $0xFFFFFFFF  }
0xa5: {  	s26 =	simm.s32 $execute0_lowered;
	[smem:$0x3FD2] =	sst s25  }
0xa6: {  	s4 =	sshll.u32 s26, $0x1;
	_ =	strace $0x80000046;
	[dreg:$0x1] =	wrdreg $0xFFFFFFFF  }
0xa7: {  	s28 =	simm.s32 $_size_execute0_lowered;
	s2 =	sadd.s32 s2, s4;
	[dreg:$0x0] =	wrdreg $0x0  }
0xa8: {  	s4 =	sshll.u32 s28, $0x1;
	[dreg:$0x2] =	wrdreg s2  }
0xa9: {  	[dreg:$0x3] =	wrdreg s4  }
0xaa: {  	[dreg:$0x4] =	wrdreg $0xC0  }
0xab: {  	_ =	task [dreg:s6], $0x5FFFF  }
0xac: {  	[dreg:$0x1] =	wrdreg $0xFFFFFFFF  }
0xad: {  	[dreg:$0x0] =	wrdreg $0x60  }
0xae: {  	[dreg:$0x2] =	wrdreg s24  }
0xaf: {  	[dreg:$0x3] =	wrdreg $0x9  }
0xb0: {  	_ =	task.clear_ibuf [dreg:s6], $0x4FFFF;
	_ =	strace $0x90000046  }
0xb1: {  	s29 =	simm.s32 $0x9;
	_ =	strace $0x80000048  }
0xb2: {  	_ =	swait.ge [sflag:s29], $0x1  }
0xb3: {  	[sflag:s29] =	ssyncadd.s32 $0xFFFFFFFF  }
0xb4: {  	_ =	strace $0x90000048  }
0xb5: {  	_ =	sfence  }
0xb6: {  	s30 =	sld [smem:$0x0];
	_ =	sdelay $0x2  }
0xb7: {  	s31 =	sshll.u32 s1, $0xD;
	s1 =	sshrl.u32 s1, $0x2  }
0xb8: {  	s3 =	sand.u32 $0x4000, s31;
	s1 =	sadd.s32 s1, s30  }
0xb9: {  	s0 =	sor.u32 s3, s0;
	s1 =	sshll.u32 s1, $0x11  }
0xba: {  	s0 =	sor.u32 s1, s0  }
0xbb: {  	s0 =	sadd.s32 $0x8F2B, s0  }
0xbc: {  	[sflag:s0] =	ssyncadd.remote.s32 $0x1  }
0xbd: {  	_ =	sfence.sel $0xFFFF  }
0xbe: {  	[dreg:$0x0] =	wrdreg $0xFFFFFFFF;
	(pc) =	sbr.abs _section_cstart, $3  }
0xbf: {  	[dreg:$0x1] =	wrdreg $0xFFFFFFFF  }
0xc0: {  	_ =	task.clear_ibuf [dreg:s6], $0x2FFFF;
	_ =	strace $0x9FFFFFFF  }
0xc1: {  	(tm) =	ssettm $0x7FFFFFFF  }
tec
execute0_lowered:
.L_overlay_start_1:
0x0: {  	(tag) =	ssettag $0x1  }
0x1: {  	s1 =	stileid.u32  }
0x2: {  	s3 =	rddreg [dreg:$0x0];
	s4 =	smul.u32 $0x500, s1  }
0x3: {  	s5 =	srdreg.scid;
	s6 =	smul.u32 $0xA000, s1  }
0x4: {  	s2 =	simm.s32 $0x0;
	s5 =	sand.u32 $0x1, s5;
	s11 =	smul.u32 $0x50, s1  }
0x5: {  	[smem:$0x7FF] =	sst s2;
	s8 =	smul.u32 $0x280, s5  }
0x6: {  	s0 =	rddreg [dreg:$0x1];
	_ =	strace $0x80000047;
	s10 =	smul.u32 $0x5000, s5  }
0x7: {  	s28 =	ssub.s32 $0x2, s5;
	s12 =	smul.u32 $0x28, s5;
	s7 =	sadd.s32 s4, s3  }
0x8: {  	s9 =	sadd.s32 s6, s3;
	s29 =	sshrl.u32 s28, $0x1;
	s3 =	sadd.s32 $0x3A000, s3  }
0x9: {  	s4 =	ssub.s32 s28, s29;
	s30 =	sadd.s32 s8, s7;
	s31 =	sadd.s32 s10, s9  }
0xa: {  	s9 =	sadd.s32 s12, s11;
	s4 =	smax.u32 s4, $0x1;
	s5 =	sadd.s32 $0xDE00, s30  }
0xb: {  	s6 =	sadd.s32 $0x8E00, s30;
	s7 =	sadd.s32 $0x43E00, s31;
	s8 =	sadd.s32 $0xE0200, s31  }
.LBB2_1:
0xc: {  	p0 =	sgt.u32 s9, $0x4E1  }
0xd: {  	s10 =	sadd.s32 @!p0 $0x0, s6;
	s12 =	simm.s32 @!p0 $0x0;
	s14 =	simm.s32 @!p0 $0x2  }
0xe: {  	[tilespmem:s12], [sflag:$0x2] =	stream.linear.gather @!p0 [hbm4b:s10+s12], $0x80, $0x38;
	[tilespmem:$0x2100] =	vst v63  }
0xf: {  	_ =	swait.ge @!p0 [sflag:s14], $0x80;
	p0 =	por p0, p0  }
0x10: {  	[sflag:s14] =	ssyncset.done @!p0 $0x0  }
0x11: {  	s10 =	simm.s32 @!p0 $0x80;
	[sflag:s14] =	ssyncadd.s32 @!p0 $0xFFFFFF80  }
0x12: {  	[tilespmem:s10], [sflag:$0x2] =	stream.indirect.gather @!p0 [hbm4b:s3+s10], $0x20, s12, s10, $0xb8;
	[tilespmem:$0x2100] =	vst v63  }
0x13: {  	_ =	swait.ge @!p0 [sflag:s14], $0x1000  }
0x14: {  	[sflag:s14] =	ssyncset.done @!p0 $0x0  }
0x15: {  	[sflag:s14] =	ssyncadd.s32 @!p0 $0xFFFFF000  }
0x16: {  	[hbm4b:s8+s12] =	stream.linear.scatter @!p0 [tilespmem:s10], [sflag:$0x2], $0x1000, $0x38;
	[tilespmem:$0x2100] =	vst v63  }
0x17: {  	_ =	swait.ge @!p0 [sflag:s14], $0x1000  }
0x18: {  	[sflag:s14] =	ssyncset.done @!p0 $0x0  }
0x19: {  	s11 =	sadd.s32 @!p0 $0x0, s5;
	s13 =	simm.s32 @!p0 $0x1080;
	[sflag:s14] =	ssyncadd.s32 @!p0 $0xFFFFF000  }
0x1a: {  	[tilespmem:s13], [sflag:$0x2] =	stream.linear.gather @!p0 [hbm4b:s11+s12], $0x80, $0x38;
	[tilespmem:$0x2100] =	vst v63  }
0x1b: {  	_ =	swait.ge @!p0 [sflag:s14], $0x80  }
0x1c: {  	[sflag:s14] =	ssyncset.done @!p0 $0x0  }
0x1d: {  	s15 =	simm.s32 @!p0 $0x1100;
	[sflag:s14] =	ssyncadd.s32 @!p0 $0xFFFFFF80  }
0x1e: {  	[tilespmem:s15], [sflag:$0x2] =	stream.indirect.gather @!p0 [hbm4b:s3+s10], $0x20, s13, s10, $0xb8;
	[tilespmem:$0x2100] =	vst v63  }
0x1f: {  	_ =	swait.ge @!p0 [sflag:s14], $0x1000  }
0x20: {  	[sflag:s14] =	ssyncset.done @!p0 $0x0  }
0x21: {  	s11 =	simm.s32 $0x10;
	s13 =	simm.s32 $0x20;
	[sflag:s14] =	ssyncadd.s32 @!p0 $0xFFFFF000  }
0x22: {  	[hbm4b:s7+s12] =	stream.linear.scatter @!p0 [tilespmem:s15], [sflag:$0x1], $0x1000, $0x38;
	[tilespmem:$0x2100] =	vst v63  }
0x23: {  	s10 =	sadd.s32 $0x200, s7;
	s14 =	sadd.s32 $0x1, s9;
	s15 =	simm.s32 @!p0 $0x1  }
0x24: {  	s12 =	sadd.s32 $0x200, s8;
	p2 =	sgt.u32 s14, $0x4E1;
	_ =	swait.ge @!p0 [sflag:s15], $0x1000  }
.LBB2_2:
0x25: {  	s16 =	sadd.s32 @!p2 s11, s6  }
0x26: {  	s17 =	simm.s32 @!p2 $0x0;
	[sflag:s15] =	ssyncset.done @!p0 $0x0;
	s18 =	smov.u32 s13  }
0x27: {  	s13 =	sadd.s32 $0x10, s13;
	s19 =	simm.s32 @!p2 $0x2;
	[sflag:s15] =	ssyncadd.s32 @!p0 $0xFFFFF000  }
0x28: {  	[tilespmem:s17], [sflag:$0x2] =	stream.linear.gather @!p2 [hbm4b:s16+s17], $0x80, $0x38;
	[tilespmem:$0x2100] =	vst v63  }
0x29: {  	p1 =	sne.s32 s13, $0x280;
	p0 =	por p2, p2;
	_ =	swait.ge @!p2 [sflag:s19], $0x80  }
0x2a: {  	[sflag:s19] =	ssyncset.done @!p0 $0x0  }
0x2b: {  	s15 =	simm.s32 @!p0 $0x80;
	[sflag:s19] =	ssyncadd.s32 @!p0 $0xFFFFFF80  }
0x2c: {  	[tilespmem:s15], [sflag:$0x2] =	stream.indirect.gather @!p0 [hbm4b:s3+s15], $0x20, s17, s15, $0xb8;
	[tilespmem:$0x2100] =	vst v63  }
0x2d: {  	_ =	swait.ge @!p0 [sflag:s19], $0x1000  }
0x2e: {  	[sflag:s19] =	ssyncset.done @!p0 $0x0  }
0x2f: {  	[sflag:s19] =	ssyncadd.s32 @!p0 $0xFFFFF000  }
0x30: {  	[hbm4b:s12+s17] =	stream.linear.scatter @!p0 [tilespmem:s15], [sflag:$0x2], $0x1000, $0x38;
	[tilespmem:$0x2100] =	vst v63  }
0x31: {  	_ =	swait.ge @!p0 [sflag:s19], $0x1000  }
0x32: {  	[sflag:s19] =	ssyncset.done @!p0 $0x0  }
0x33: {  	s11 =	sadd.s32 @!p0 s11, s5;
	s16 =	simm.s32 @!p0 $0x1080;
	[sflag:s19] =	ssyncadd.s32 @!p0 $0xFFFFF000  }
0x34: {  	[tilespmem:s16], [sflag:$0x2] =	stream.linear.gather @!p0 [hbm4b:s11+s17], $0x80, $0x38;
	[tilespmem:$0x2100] =	vst v63  }
0x35: {  	s11 =	smov.u32 s18;
	_ =	swait.ge @!p0 [sflag:s19], $0x80  }
0x36: {  	[sflag:s19] =	ssyncset.done @!p0 $0x0  }
0x37: {  	s18 =	simm.s32 @!p0 $0x1100;
	[sflag:s19] =	ssyncadd.s32 @!p0 $0xFFFFFF80  }
0x38: {  	[tilespmem:s18], [sflag:$0x2] =	stream.indirect.gather @!p0 [hbm4b:s3+s15], $0x20, s16, s15, $0xb8;
	[tilespmem:$0x2100] =	vst v63  }
.Ltmp0:
0x39: {  	_ =	swait.ge @!p0 [sflag:s19], $0x1000;
	(pc) =	sbr.rel @p1 .LBB2_2-.Ltmp0, $4  }
0x3a: {  	s12 =	sadd.s32 $0x200, s12;
	[sflag:s19] =	ssyncset.done @!p0 $0x0  }
0x3b: {  	s14 =	sadd.s32 $0x1, s14;
	s15 =	simm.s32 @!p0 $0x1;
	[sflag:s19] =	ssyncadd.s32 @!p0 $0xFFFFF000  }
0x3c: {  	[hbm4b:s10+s17] =	stream.linear.scatter @!p0 [tilespmem:s18], [sflag:$0x1], $0x1000, $0x38;
	[tilespmem:$0x2100] =	vst v63  }
0x3d: {  	p2 =	sgt.u32 s14, $0x4E1;
	s10 =	sadd.s32 $0x200, s10;
	_ =	swait.ge @!p0 [sflag:s15], $0x1000  }
0x3e: {  	s13 =	sadd.s32 @!p2 s11, s6;
	[sflag:s15] =	ssyncset.done @!p0 $0x0  }
0x3f: {  	s14 =	simm.s32 @!p2 $0x0;
	s16 =	simm.s32 @!p2 $0x2;
	[sflag:s15] =	ssyncadd.s32 @!p0 $0xFFFFF000  }
0x40: {  	[tilespmem:s14], [sflag:$0x2] =	stream.linear.gather @!p2 [hbm4b:s13+s14], $0x80, $0x38;
	[tilespmem:$0x2100] =	vst v63  }
0x41: {  	p0 =	por p2, p2;
	_ =	swait.ge @!p2 [sflag:s16], $0x80  }
0x42: {  	[sflag:s16] =	ssyncset.done @!p0 $0x0  }
0x43: {  	s13 =	simm.s32 @!p0 $0x80;
	[sflag:s16] =	ssyncadd.s32 @!p0 $0xFFFFFF80  }
0x44: {  	[tilespmem:s13], [sflag:$0x2] =	stream.indirect.gather @!p0 [hbm4b:s3+s13], $0x20, s14, s13, $0xb8;
	[tilespmem:$0x2100] =	vst v63  }
0x45: {  	_ =	swait.ge @!p0 [sflag:s16], $0x1000  }
0x46: {  	[sflag:s16] =	ssyncset.done @!p0 $0x0  }
0x47: {  	[sflag:s16] =	ssyncadd.s32 @!p0 $0xFFFFF000  }
0x48: {  	[hbm4b:s12+s14] =	stream.linear.scatter @!p0 [tilespmem:s13], [sflag:$0x2], $0x1000, $0x38;
	[tilespmem:$0x2100] =	vst v63  }
0x49: {  	_ =	swait.ge @!p0 [sflag:s16], $0x1000  }
0x4a: {  	[sflag:s16] =	ssyncset.done @!p0 $0x0  }
0x4b: {  	s11 =	sadd.s32 @!p0 s11, s5;
	s12 =	simm.s32 @!p0 $0x1080;
	[sflag:s16] =	ssyncadd.s32 @!p0 $0xFFFFF000  }
0x4c: {  	[tilespmem:s12], [sflag:$0x2] =	stream.linear.gather @!p0 [hbm4b:s11+s14], $0x80, $0x38;
	[tilespmem:$0x2100] =	vst v63  }
0x4d: {  	_ =	swait.ge @!p0 [sflag:s16], $0x80  }
0x4e: {  	[sflag:s16] =	ssyncset.done @!p0 $0x0  }
0x4f: {  	s11 =	simm.s32 @!p0 $0x1100;
	[sflag:s16] =	ssyncadd.s32 @!p0 $0xFFFFFF80  }
0x50: {  	[tilespmem:s11], [sflag:$0x2] =	stream.indirect.gather @!p0 [hbm4b:s3+s13], $0x20, s12, s13, $0xb8;
	[tilespmem:$0x2100] =	vst v63  }
0x51: {  	s2 =	sadd.s32 $0x1, s2;
	_ =	swait.ge @!p0 [sflag:s16], $0x1000  }
0x52: {  	p1 =	sne.s32 s2, s4;
	[sflag:s16] =	ssyncset.done @!p0 $0x0  }
.Ltmp1:
0x53: {  	s12 =	simm.s32 @!p0 $0x1;
	[sflag:s16] =	ssyncadd.s32 @!p0 $0xFFFFF000;
	(pc) =	sbr.rel @p1 .LBB2_1-.Ltmp1, $4  }
0x54: {  	[hbm4b:s10+s14] =	stream.linear.scatter @!p0 [tilespmem:s11], [sflag:$0x1], $0x1000, $0x38;
	[tilespmem:$0x2100] =	vst v63  }
0x55: {  	_ =	swait.ge @!p0 [sflag:s12], $0x1000  }
0x56: {  	[sflag:s12] =	ssyncset.done @!p0 $0x0  }
0x57: {  	[sflag:s12] =	ssyncadd.s32 @!p0 $0xFFFFF000  }
0x58: {  	_ =	sfence.sel $0x180000  }
0x59: {  	[bflag:$0x0] =	sbarrier.arrive $0xFFFF  }
0x5a: {  	p0 =	sne.s32 s1, $0x0;
	_ =	strace $0x90000047  }
0x5b: {  	s0 =	sadd.s32 @!p0 $0x100000, s0;
	[bflag:$0x2] =	sbarrier.arrive $0xFFFF  }
0x5c: {  	[sflag:s0] =	ssyncadd.tile.s32 @!p0 $0x1;
	_ =	shalt  }
.Lfunc_end2:
_tile_overlayer_lowered:
.L_overlay_start_2:
0x5d: {  	(tag) =	ssettag $0x2  }
0x5e: {  	s0 =	rddreg [dreg:$0x0];
	s2 =	stileid.u32  }
0x5f: {  	s1 =	rddreg [dreg:$0x1];
	p0 =	sne.s32 s2, $0x0  }
0x60: {  	s3 =	rddreg [dreg:$0x2];
	[bflag:$0x3] =	sbarrier.arrive $0xFFFF;
	s2 =	simm.s32 @!p0 $0x1C01  }
0x61: {  	[timem:s3], [sflag:s2] =	dma.local @!p0 [hbm:s0], s1  }
0x62: {  	s0 =	simm.s32 @!p0 $0x1  }
0x63: {  	_ =	swait.ge @!p0 [sflag:s0], s1  }
0x64: {  	s1 =	ssub.s32 @!p0 $0x0, s1;
	[sflag:s0] =	ssyncset.done @!p0 $0x0  }
0x65: {  	[sflag:s0] =	ssyncadd.s32 @!p0 s1  }
0x66: {  	[bflag:$0x3] =	sbarrier.arrive $0xFFFF  }
0x67: {  	_ =	shalt  }

// kernel: kernel.14.cloned.1.call-start
scs
__scs_entry_jumppad:
0x0: {  	(pc) =	sbr.rel $0x88, $3  }
0x1: {  	(tag) =	ssettag $0x0;
	lr =	simm.s32 $0x1  }
0x2: {  	[smem:$0x3F86] =	sst lr;
	_ =	strace $0xD0000000  }
0x3: {  	_ = 	snop  }
0x4: {  	_ = 	snop  }
0x5: {  	_ = 	snop  }
0x6: {  	_ = 	snop  }
0x7: {  	_ = 	snop  }
__scs_overlays_trampoline_lowered:
0x8: {  	[smem:$0x3F95] =	sst s0  }
0x9: {  	[smem:$0x3F96] =	sst s1  }
0xa: {  	[smem:$0x3F97] =	sst s2  }
0xb: {  	[smem:$0x3F98] =	sst s3  }
0xc: {  	[smem:$0x3F99] =	sst s4  }
0xd: {  	[smem:$0x3F9A] =	sst s5  }
0xe: {  	[smem:$0x3F9B] =	sst s6  }
0xf: {  	[smem:$0x3F9C] =	sst s7  }
0x10: {  	[smem:$0x3F9D] =	sst s8  }
0x11: {  	[smem:$0x3F9E] =	sst s9;
	s0 =	simm.s32 @!p0 $0x0  }
0x12: {  	s1 =	sld [smem:$0x3F84];
	s0 =	simm.s32 @p0 $0x1  }
0x13: {  	[smem:$0x3F9F] =	sst s0;
	s0 =	simm.s32 @!p1 $0x0  }
0x14: {  	s2 =	sld [smem:$0x3F83];
	s0 =	simm.s32 @p1 $0x1  }
0x15: {  	[smem:$0x3FA0] =	sst s0;
	s0 =	simm.s32 @!p2 $0x0  }
0x16: {  	s3 =	sld [smem:$0x3FDB];
	s0 =	simm.s32 @p2 $0x1  }
0x17: {  	s4 =	simm.s32 $0x1BF5;
	[smem:$0x3FA2] =	sst s0  }
0x18: {  	s0 =	sld [smem:$0x3F85];
	_ =	swait.ge [sflag:s4], $0x0  }
0x19: {  	s7 =	sld [smem:$0x3F86]  }
0x1a: {  	s8 =	sadd.s32 $0xFFFFE003, lr  }
0x1b: {  	s9 =	sadd.s32 $0xFFFFFEF7, lr;
	s5 =	simm.s32 $0xFFFFFFFF;
	p2 =	slt.u32 s8, $0xFFFFF086  }
0x1c: {  	p1 =	slt.u32 s9, $0xF7A;
	s5 =	simm.s32 @!p2 $0x0  }
0x1d: {  	s5 =	simm.s32 @p1 $0x1;
	p0 =	seq.s32 s7, s2  }
0x1e: {  	s7 =	smul.u32 @!p0 $0xF7A, s2;
	p2 =	seq.s32 @!p0 s5, $0x0  }
0x1f: {  	s9 =	smul.u32 $0xF7A, s1;
	s8 =	simm.s32 @!p0 $0x1BF5;
	p2 =	por !p2, p0  }
0x20: {  	[sflag:s8] =	ssyncset.s32 @!p0 $0xFFFFF086;
	s6 =	sadd.s32 @!p0 s3, s7;
	s7 =	simm.s32 @!p0 $0x108  }
0x21: {  	s3 =	sadd.s32 s3, s9;
	s6 =	sadd.s32 @!p0 $0x88, s6;
	s7 =	simm.s32 @p2 $0x1082  }
0x22: {  	[simem:s7], [sflag:s8] =	dma.local @!p0 [hbm:s6], $0xF7A  }
0x23: {  	s9 =	sor.u32 $0xD0000000, s2;
	s6 =	simm.s32 $0x108;
	_ =	swait.ge @!p0 [sflag:s8], $0x0  }
0x24: {  	s3 =	sadd.s32 $0x88, s3;
	s6 =	simm.s32 @!p1 $0x1082;
	[sflag:s4] =	ssyncset.s32 $0xFFFFF086  }
0x25: {  	[simem:s6], [sflag:s4] =	dma.local [hbm:s3], $0xF7A  }
0x26: {  	[smem:$0x3F86] =	sst s1;
	(tag) =	ssettag s2;
	_ =	strace s9  }
0x27: {  	s1 =	sld [smem:$0x3F96]  }
0x28: {  	s2 =	sld [smem:$0x3F97]  }
0x29: {  	s4 =	sld [smem:$0x3F99]  }
0x2a: {  	p0 =	seq.s32 s5, $0x0;
	s5 =	sld [smem:$0x3F9A]  }
0x2b: {  	s6 =	sld [smem:$0x3F9B]  }
0x2c: {  	s7 =	sld [smem:$0x3F9C]  }
0x2d: {  	s3 =	simm.s32 $0x108;
	s8 =	sld [smem:$0x3F9D]  }
0x2e: {  	s3 =	simm.s32 @!p0 $0x1082;
	s9 =	sld [smem:$0x3F9E]  }
0x2f: {  	lr =	sadd.s32 s0, s3;
	s0 =	sld [smem:$0x3F95]  }
0x30: {  	s3 =	sld [smem:$0x3F98]  }
0x31: {  	[smem:$0x3FA1] =	sst s10  }
0x32: {  	s10 =	sld [smem:$0x3F9F];
	_ =	sdelay $0x3  }
0x33: {  	p0 =	seq.s32 s10, $0x1;
	s10 =	sld [smem:$0x3FA1];
	_ =	sdelay $0x3  }
0x34: {  	[smem:$0x3FA1] =	sst s10  }
0x35: {  	s10 =	sld [smem:$0x3FA0];
	_ =	sdelay $0x3  }
0x36: {  	p1 =	seq.s32 s10, $0x1;
	s10 =	sld [smem:$0x3FA1];
	_ =	sdelay $0x3  }
0x37: {  	[smem:$0x3FA1] =	sst s10  }
0x38: {  	s10 =	sld [smem:$0x3FA2]  }
0x39: {  	_ = 	snop;
	(pc) =	sbr.ind lr, $3  }
0x3a: {  	_ = 	snop  }
0x3b: {  	_ = 	snop  }
0x3c: {  	p2 =	seq.s32 s10, $0x1;
	s10 =	sld [smem:$0x3FA1]  }
0x3d: {  	_ =	shalt  }
0x3e: {  	_ =	shalt  }
0x3f: {  	_ =	shalt  }
0x40: {  	_ =	shalt  }
0x41: {  	_ =	shalt  }
0x42: {  	_ =	shalt  }
0x43: {  	_ =	shalt  }
0x44: {  	_ =	shalt  }
0x45: {  	_ =	shalt  }
0x46: {  	_ =	shalt  }
0x47: {  	_ =	shalt  }
0x48: {  	_ =	shalt  }
0x49: {  	_ =	shalt  }
0x4a: {  	_ =	shalt  }
0x4b: {  	_ =	shalt  }
0x4c: {  	_ =	shalt  }
0x4d: {  	_ =	shalt  }
0x4e: {  	_ =	shalt  }
0x4f: {  	_ =	shalt  }
0x50: {  	_ =	shalt  }
0x51: {  	_ =	shalt  }
0x52: {  	_ =	shalt  }
0x53: {  	_ =	shalt  }
0x54: {  	_ =	shalt  }
0x55: {  	_ =	shalt  }
0x56: {  	_ =	shalt  }
0x57: {  	_ =	shalt  }
0x58: {  	_ =	shalt  }
0x59: {  	_ =	shalt  }
0x5a: {  	_ =	shalt  }
0x5b: {  	_ =	shalt  }
0x5c: {  	_ =	shalt  }
0x5d: {  	_ =	shalt  }
0x5e: {  	_ =	shalt  }
0x5f: {  	_ =	shalt  }
0x60: {  	_ =	shalt  }
0x61: {  	_ =	shalt  }
0x62: {  	_ =	shalt  }
0x63: {  	_ =	shalt  }
0x64: {  	_ =	shalt  }
0x65: {  	_ =	shalt  }
0x66: {  	_ =	shalt  }
0x67: {  	_ =	shalt  }
0x68: {  	_ =	shalt  }
0x69: {  	_ =	shalt  }
0x6a: {  	_ =	shalt  }
0x6b: {  	_ =	shalt  }
0x6c: {  	_ =	shalt  }
0x6d: {  	_ =	shalt  }
0x6e: {  	_ =	shalt  }
0x6f: {  	_ =	shalt  }
0x70: {  	_ =	shalt  }
0x71: {  	_ =	shalt  }
0x72: {  	_ =	shalt  }
0x73: {  	_ =	shalt  }
0x74: {  	_ =	shalt  }
0x75: {  	_ =	shalt  }
0x76: {  	_ =	shalt  }
0x77: {  	_ =	shalt  }
0x78: {  	_ =	shalt  }
0x79: {  	_ =	shalt  }
0x7a: {  	_ =	shalt  }
0x7b: {  	_ =	shalt  }
0x7c: {  	_ =	shalt  }
0x7d: {  	_ =	shalt  }
0x7e: {  	_ =	shalt  }
0x7f: {  	_ =	shalt  }
0x80: {  	_ =	shalt  }
0x81: {  	_ =	shalt  }
0x82: {  	_ =	shalt  }
0x83: {  	_ =	shalt  }
0x84: {  	_ =	shalt  }
0x85: {  	_ =	shalt  }
0x86: {  	_ =	shalt  }
0x87: {  	_ =	shalt  }
.Lfunc_end0:
.L_simem_size_0:
called_computation.1_lowered:
.L_overlay_start_0:
0x88: {  	s2 =	sld [smem:$0x3FD9]  }
0x89: {  	s3 =	sld [smem:$0x3FFE];
	_ =	sdelay $0x1  }
0x8a: {  	s1 =	srdreg.scid  }
0x8b: {  	s0 =	sand.u32 $0x1, s1  }
0x8c: {  	s16 =	sshll.u32 s0, $0xA;
	s2 =	sadd.s32 s3, s2  }
0x8d: {  	s2 =	sadd.s32 s2, s16  }
0x8e: {  	[smem:$0x3FAD] =	sst s2  }
0x8f: {  	_ = 	snop  }
0x90: {  	(tm) =	ssettm $0x1  }
0x91: {  	s17 =	sld [smem:$0x3FFB];
	_ =	sdelay $0x3  }
0x92: {  	_ =	strace s17  }
0x93: {  	s2 =	sld [smem:$0x3FFC];
	_ =	sdelay $0x3  }
0x94: {  	_ =	strace s2  }
0x95: {  	s2 =	sld [smem:$0x3FFD];
	_ =	sdelay $0x3  }
0x96: {  	_ =	strace s2  }
0x97: {  	_ =	strace $0x8FFFFFFF  }
0x98: {  	s18 =	sld [smem:$0x3FDB];
	_ =	sdelay $0x1  }
0x99: {  	s19 =	simm.s32 $_scs_section_size  }
0x9a: {  	s4 =	simm.s32 $_size__tile_overlayer_lowered;
	s5 =	simm.s32 $_tile_overlayer_lowered  }
0x9b: {  	s22 =	simm.s32 $0x1BFF;
	s21 =	sshll.u32 s5, $0x1;
	s2 =	sadd.s32 s19, s18  }
0x9c: {  	s6 =	simm.s32 $0x0;
	s20 =	sshll.u32 s4, $0x1;
	s4 =	sadd.s32 s21, s2  }
0x9d: {  	[timem:s6], [sflag:s22] =	dma.local [hbm:s4], s20  }
0x9e: {  	_ =	swait.ge [sflag:s22], s20  }
0x9f: {  	s3 =	ssub.s32 $0x0, s20;
	[sflag:s22] =	ssyncset.done $0x0  }
0xa0: {  	[sflag:s22] =	ssyncadd.s32 s3;
	_ =	sdelay $0x1  }
0xa1: {  	s23 =	simm.s32 $0x1B8B  }
0xa2: {  	_ =	swait.ge [sflag:s23], $0x1  }
0xa3: {  	[sflag:s23] =	ssyncset.done $0x0  }
0xa4: {  	s25 =	simm.s32 $0x1B8E;
	s24 =	sld [smem:$0x3FFE];
	[sflag:s23] =	ssyncadd.s32 $0xFFFFFFFF  }
0xa5: {  	s26 =	simm.s32 $execute0_lowered;
	[smem:$0x3FD2] =	sst s25  }
0xa6: {  	s4 =	sshll.u32 s26, $0x1;
	_ =	strace $0x80000049;
	[dreg:$0x1] =	wrdreg $0xFFFFFFFF  }
0xa7: {  	s28 =	simm.s32 $_size_execute0_lowered;
	s2 =	sadd.s32 s2, s4;
	[dreg:$0x0] =	wrdreg $0x0  }
0xa8: {  	s4 =	sshll.u32 s28, $0x1;
	[dreg:$0x2] =	wrdreg s2  }
0xa9: {  	[dreg:$0x3] =	wrdreg s4  }
0xaa: {  	[dreg:$0x4] =	wrdreg $0xC0  }
0xab: {  	_ =	task [dreg:s6], $0x5FFFF  }
0xac: {  	[dreg:$0x1] =	wrdreg $0xFFFFFFFF  }
0xad: {  	[dreg:$0x0] =	wrdreg $0x60  }
0xae: {  	[dreg:$0x2] =	wrdreg s24  }
0xaf: {  	[dreg:$0x3] =	wrdreg $0xEBD00  }
0xb0: {  	[dreg:$0x4] =	wrdreg $0x9  }
0xb1: {  	_ =	task.clear_ibuf [dreg:s6], $0x5FFFF;
	_ =	strace $0x90000049  }
0xb2: {  	s29 =	simm.s32 $0x9;
	_ =	strace $0x8000004B  }
0xb3: {  	_ =	swait.ge [sflag:s29], $0x1  }
0xb4: {  	[sflag:s29] =	ssyncadd.s32 $0xFFFFFFFF  }
0xb5: {  	_ =	strace $0x9000004B  }
0xb6: {  	_ =	sfence  }
0xb7: {  	s30 =	sld [smem:$0x0];
	_ =	sdelay $0x2  }
0xb8: {  	s31 =	sshll.u32 s1, $0xD;
	s1 =	sshrl.u32 s1, $0x2  }
0xb9: {  	s3 =	sand.u32 $0x4000, s31;
	s1 =	sadd.s32 s1, s30  }
0xba: {  	s0 =	sor.u32 s3, s0;
	s1 =	sshll.u32 s1, $0x11  }
0xbb: {  	s0 =	sor.u32 s1, s0  }
0xbc: {  	s0 =	sadd.s32 $0x8F2B, s0  }
0xbd: {  	[sflag:s0] =	ssyncadd.remote.s32 $0x1  }
0xbe: {  	_ =	sfence.sel $0xFFFF  }
0xbf: {  	[dreg:$0x0] =	wrdreg $0xFFFFFFFF;
	(pc) =	sbr.abs _section_cstart, $3  }
0xc0: {  	[dreg:$0x1] =	wrdreg $0xFFFFFFFF  }
0xc1: {  	_ =	task.clear_ibuf [dreg:s6], $0x2FFFF;
	_ =	strace $0x9FFFFFFF  }
0xc2: {  	(tm) =	ssettm $0x7FFFFFFF  }
0xc3: {  	_ =	shalt  }
tec
execute0_lowered:
.L_overlay_start_1:
0x0: {  	(tag) =	ssettag $0x1  }
0x1: {  	s1 =	stileid.u32  }
0x2: {  	s4 =	smul.u32 $0x19000, s1  }
0x3: {  	s6 =	smul.u32 $0x500, s1  }
0x4: {  	s8 =	smul.u32 $0x186A, s1  }
0x5: {  	s7 =	srdreg.scid;
	s26 =	smul.u32 $0x30D40, s1  }
0x6: {  	s5 =	rddreg [dreg:$0x0];
	s7 =	sand.u32 $0x1, s7;
	s14 =	smul.u32 $0x50, s1  }
0x7: {  	s2 =	rddreg [dreg:$0x1];
	s3 =	simm.s32 $0x0;
	s10 =	smul.u32 $0x186A0, s7  }
0x8: {  	[smem:$0x7FF] =	sst s3;
	s12 =	smul.u32 $0x280, s7  }
0x9: {  	s0 =	rddreg [dreg:$0x2];
	_ =	strace $0x8000004A;
	s13 =	smul.u32 $0xC800, s7  }
0xa: {  	s28 =	ssub.s32 $0x2, s7;
	s15 =	smul.u32 $0x28, s7;
	s9 =	sadd.s32 s4, s5  }
0xb: {  	s11 =	sadd.s32 s6, s5;
	s4 =	sadd.s32 $0x1C0A00, s5;
	s29 =	sshrl.u32 s28, $0x1  }
0xc: {  	s30 =	sshrl.u32 s26, $0x2;
	s8 =	sadd.s32 s8, s10;
	s10 =	ssub.s32 s28, s29  }
0xd: {  	s31 =	sadd.s32 s12, s11;
	s9 =	sadd.s32 s13, s9;
	s11 =	simm.s32 $0x2880  }
0xe: {  	s12 =	simm.s32 $0x1;
	s13 =	simm.s32 $0x0;
	s8 =	sadd.s32 s8, s5  }
0xf: {  	s5 =	sadd.s32 s30, s2;
	s7 =	smax.u32 s10, $0x1;
	s9 =	sadd.s32 $0x3A000, s9  }
0x10: {  	s10 =	sadd.s32 s15, s14;
	s6 =	sadd.s32 $0x1C2400, s8;
	s8 =	sadd.s32 $0xDE00, s31  }
.LBB2_1:
0x11: {  	[tilespmem:s11], [sflag:$0x1] =	stream.linear.gather [hbm4b:s4+s3], $0xC350, $0x38;
	[tilespmem:$0x1AF20] =	vst v63  }
0x12: {  	_ =	swait.ge [sflag:s12], $0xC350  }
0x13: {  	[sflag:s12] =	ssyncset.done $0x0  }
0x14: {  	[sflag:s12] =	ssyncadd.s32 $0xFFFF3CB0  }
0x15: {  	[spmem:s5] =	stream.linear.scatter [tilespmem:s11], [sflag:$0x1], $0xC350, $0x38;
	[tilespmem:$0x1AF20] =	vst v63  }
0x16: {  	_ =	swait.ge [sflag:s12], $0xC350  }
0x17: {  	s14 =	sadd.s32 $0x0, s10;
	[sflag:s12] =	ssyncset.done $0x0  }
0x18: {  	p0 =	sgt.u32 s14, $0x4E1;
	[sflag:s12] =	ssyncadd.s32 $0xFFFF3CB0  }
0x19: {  	s14 =	simm.s32 @!p0 $0x0;
	s16 =	simm.s32 @!p0 $0x2;
	[bflag:$0x0] =	sbarrier.arrive $0xFFFF  }
0x1a: {  	[tilespmem:s14], [sflag:$0x2] =	stream.linear.gather @!p0 [hbm4b:s8+s14], $0x80, $0x38;
	[tilespmem:$0x1AF20] =	vst v63  }
0x1b: {  	_ =	swait.ge @!p0 [sflag:s16], $0x80  }
0x1c: {  	[sflag:s16] =	ssyncset.done @!p0 $0x0;
	p0 =	por p0, p0  }
0x1d: {  	[sflag:s16] =	ssyncadd.s32 @!p0 $0xFFFFFF80;
	s18 =	simm.s32 @!p0 $0x80  }
0x1e: {  	[tilespmem:s18], [sflag:$0x2] =	stream.linear.gather @!p0 [hbm4b:s9+s14], $0x2800, $0x38;
	[tilespmem:$0x1AF20] =	vst v63  }
0x1f: {  	_ =	swait.ge @!p0 [sflag:s16], $0x2800  }
0x20: {  	[sflag:s16] =	ssyncset.done @!p0 $0x0  }
0x21: {  	s31 =	sadd.s32 $0x1, s10;
	s17 =	simm.s32 @!p0 $0x1;
	[sflag:s16] =	ssyncadd.s32 @!p0 $0xFFFFD800  }
0x22: {  	[spmem:s2] =	stream.indirect.scatter.add.f32 @!p0 [tilespmem:s18], [sflag:$0x1], $0x50, s14, s18, $0xb8;
	[tilespmem:$0x1AF20] =	vst v63  }
0x23: {  	s15 =	simm.s32 $0x2;
	p1 =	sgt.u32 s31, $0x4E1;
	_ =	swait.ge @!p0 [sflag:s17], $0x2800  }
0x24: {  	s16 =	sadd.s32 $0x10, s8;
	s14 =	sadd.s32 $0x500, s9;
	[sflag:s17] =	ssyncset.done @!p0 $0x0  }
.LBB2_2:
0x25: {  	s18 =	simm.s32 @!p1 $0x0;
	s19 =	simm.s32 @!p1 $0x2;
	[sflag:s17] =	ssyncadd.s32 @!p0 $0xFFFFD800  }
0x26: {  	[tilespmem:s18], [sflag:$0x2] =	stream.linear.gather @!p1 [hbm4b:s16+s18], $0x80, $0x38;
	[tilespmem:$0x1AF20] =	vst v63  }
0x27: {  	s20 =	smov.u32 s15;
	s15 =	sadd.s32 $0x1, s15;
	_ =	swait.ge @!p1 [sflag:s19], $0x80  }
0x28: {  	p0 =	por p1, p1;
	p2 =	sne.s32 s15, $0x28;
	[sflag:s19] =	ssyncset.done @!p1 $0x0  }
0x29: {  	s21 =	simm.s32 @!p0 $0x80;
	[sflag:s19] =	ssyncadd.s32 @!p0 $0xFFFFFF80  }
0x2a: {  	[tilespmem:s21], [sflag:$0x2] =	stream.linear.gather @!p0 [hbm4b:s14+s18], $0x2800, $0x38;
	[tilespmem:$0x1AF20] =	vst v63  }
0x2b: {  	_ =	swait.ge @!p0 [sflag:s19], $0x2800  }
.Ltmp0:
0x2c: {  	[sflag:s19] =	ssyncset.done @!p0 $0x0;
	(pc) =	sbr.rel @p2 .LBB2_2-.Ltmp0, $4  }
0x2d: {  	s17 =	simm.s32 @!p0 $0x1;
	[sflag:s19] =	ssyncadd.s32 @!p0 $0xFFFFD800  }
0x2e: {  	[spmem:s2] =	stream.indirect.scatter.add.f32 @!p0 [tilespmem:s21], [sflag:$0x1], $0x50, s18, s21, $0xb8;
	[tilespmem:$0x1AF20] =	vst v63  }
0x2f: {  	s14 =	sadd.s32 $0x500, s14;
	s18 =	sadd.s32 s20, s10;
	_ =	swait.ge @!p0 [sflag:s17], $0x2800  }
0x30: {  	s16 =	sadd.s32 $0x10, s16;
	p1 =	sgt.u32 s18, $0x4E1;
	[sflag:s17] =	ssyncset.done @!p0 $0x0  }
0x31: {  	s15 =	simm.s32 @!p1 $0x0;
	s18 =	simm.s32 @!p1 $0x2;
	[sflag:s17] =	ssyncadd.s32 @!p0 $0xFFFFD800  }
0x32: {  	[tilespmem:s15], [sflag:$0x2] =	stream.linear.gather @!p1 [hbm4b:s16+s15], $0x80, $0x38;
	[tilespmem:$0x1AF20] =	vst v63  }
0x33: {  	_ =	swait.ge @!p1 [sflag:s18], $0x80  }
0x34: {  	p0 =	por p1, p1;
	[sflag:s18] =	ssyncset.done @!p1 $0x0  }
0x35: {  	s16 =	simm.s32 @!p0 $0x80;
	[sflag:s18] =	ssyncadd.s32 @!p0 $0xFFFFFF80  }
0x36: {  	[tilespmem:s16], [sflag:$0x2] =	stream.linear.gather @!p0 [hbm4b:s14+s15], $0x2800, $0x38;
	[tilespmem:$0x1AF20] =	vst v63  }
0x37: {  	_ =	swait.ge @!p0 [sflag:s18], $0x2800  }
0x38: {  	[sflag:s18] =	ssyncset.done @!p0 $0x0  }
0x39: {  	s14 =	simm.s32 @!p0 $0x1;
	[sflag:s18] =	ssyncadd.s32 @!p0 $0xFFFFD800  }
0x3a: {  	[spmem:s2] =	stream.indirect.scatter.add.f32 @!p0 [tilespmem:s16], [sflag:$0x1], $0x50, s15, s16, $0xb8;
	[tilespmem:$0x1AF20] =	vst v63  }
0x3b: {  	_ =	swait.ge @!p0 [sflag:s14], $0x2800  }
0x3c: {  	[sflag:s14] =	ssyncset.done @!p0 $0x0  }
0x3d: {  	[sflag:s14] =	ssyncadd.s32 @!p0 $0xFFFFD800  }
0x3e: {  	[bflag:$0x0] =	sbarrier.arrive $0xFFFF  }
0x3f: {  	[tilespmem:s11], [sflag:$0x1] =	stream.linear.gather [spmem:s5], $0xC350, $0x38;
	[tilespmem:$0x1AF20] =	vst v63  }
0x40: {  	s13 =	sadd.s32 $0x1, s13;
	_ =	swait.ge [sflag:s12], $0xC350  }
0x41: {  	p0 =	sne.s32 s13, s7;
	[sflag:s12] =	ssyncset.done $0x0  }
.Ltmp1:
0x42: {  	[sflag:s12] =	ssyncadd.s32 $0xFFFF3CB0;
	(pc) =	sbr.rel @p0 .LBB2_1-.Ltmp1, $4  }
0x43: {  	[hbm4b:s6+s3] =	stream.linear.scatter [tilespmem:s11], [sflag:$0x1], $0xC350, $0x38;
	[tilespmem:$0x1AF20] =	vst v63  }
0x44: {  	_ =	swait.ge [sflag:s12], $0xC350  }
0x45: {  	[sflag:s12] =	ssyncset.done $0x0  }
0x46: {  	[sflag:s12] =	ssyncadd.s32 $0xFFFF3CB0  }
0x47: {  	_ =	sfence.sel $0x180000  }
0x48: {  	[bflag:$0x0] =	sbarrier.arrive $0xFFFF  }
0x49: {  	p0 =	sne.s32 s1, $0x0;
	_ =	strace $0x9000004A  }
0x4a: {  	s0 =	sadd.s32 @!p0 $0x100000, s0;
	[bflag:$0x2] =	sbarrier.arrive $0xFFFF  }
0x4b: {  	[sflag:s0] =	ssyncadd.tile.s32 @!p0 $0x1;
	_ =	shalt  }
.Lfunc_end2:
_tile_overlayer_lowered:
.L_overlay_start_2:
0x4c: {  	(tag) =	ssettag $0x2  }
0x4d: {  	s0 =	rddreg [dreg:$0x0];
	s2 =	stileid.u32  }
0x4e: {  	s1 =	rddreg [dreg:$0x1];
	p0 =	sne.s32 s2, $0x0  }
0x4f: {  	s3 =	rddreg [dreg:$0x2];
	[bflag:$0x3] =	sbarrier.arrive $0xFFFF;
	s2 =	simm.s32 @!p0 $0x1C01  }
0x50: {  	[timem:s3], [sflag:s2] =	dma.local @!p0 [hbm:s0], s1  }
0x51: {  	s0 =	simm.s32 @!p0 $0x1  }
0x52: {  	_ =	swait.ge @!p0 [sflag:s0], s1  }
0x53: {  	s1 =	ssub.s32 @!p0 $0x0, s1;
	[sflag:s0] =	ssyncset.done @!p0 $0x0  }
0x54: {  	[sflag:s0] =	ssyncadd.s32 @!p0 s1  }
0x55: {  	[bflag:$0x3] =	sbarrier.arrive $0xFFFF  }
0x56: {  	_ =	shalt  }

// kernel: kernel.17.cloned.1.call-start
scs
__scs_entry_jumppad:
0x0: {  	(pc) =	sbr.rel $0x88, $3  }
0x1: {  	(tag) =	ssettag $0x0;
	lr =	simm.s32 $0x1  }
0x2: {  	[smem:$0x3F86] =	sst lr;
	_ =	strace $0xD0000000  }
0x3: {  	_ = 	snop  }
0x4: {  	_ = 	snop  }
0x5: {  	_ = 	snop  }
0x6: {  	_ = 	snop  }
0x7: {  	_ = 	snop  }
__scs_overlays_trampoline_lowered:
0x8: {  	[smem:$0x3F95] =	sst s0  }
0x9: {  	[smem:$0x3F96] =	sst s1  }
0xa: {  	[smem:$0x3F97] =	sst s2  }
0xb: {  	[smem:$0x3F98] =	sst s3  }
0xc: {  	[smem:$0x3F99] =	sst s4  }
0xd: {  	[smem:$0x3F9A] =	sst s5  }
0xe: {  	[smem:$0x3F9B] =	sst s6  }
0xf: {  	[smem:$0x3F9C] =	sst s7  }
0x10: {  	[smem:$0x3F9D] =	sst s8  }
0x11: {  	[smem:$0x3F9E] =	sst s9;
	s0 =	simm.s32 @!p0 $0x0  }
0x12: {  	s1 =	sld [smem:$0x3F84];
	s0 =	simm.s32 @p0 $0x1  }
0x13: {  	[smem:$0x3F9F] =	sst s0;
	s0 =	simm.s32 @!p1 $0x0  }
0x14: {  	s2 =	sld [smem:$0x3F83];
	s0 =	simm.s32 @p1 $0x1  }
0x15: {  	[smem:$0x3FA0] =	sst s0;
	s0 =	simm.s32 @!p2 $0x0  }
0x16: {  	s3 =	sld [smem:$0x3FDB];
	s0 =	simm.s32 @p2 $0x1  }
0x17: {  	s4 =	simm.s32 $0x1BF5;
	[smem:$0x3FA2] =	sst s0  }
0x18: {  	s0 =	sld [smem:$0x3F85];
	_ =	swait.ge [sflag:s4], $0x0  }
0x19: {  	s7 =	sld [smem:$0x3F86]  }
0x1a: {  	s8 =	sadd.s32 $0xFFFFE003, lr  }
0x1b: {  	s9 =	sadd.s32 $0xFFFFFEF7, lr;
	s5 =	simm.s32 $0xFFFFFFFF;
	p2 =	slt.u32 s8, $0xFFFFF086  }
0x1c: {  	p1 =	slt.u32 s9, $0xF7A;
	s5 =	simm.s32 @!p2 $0x0  }
0x1d: {  	s5 =	simm.s32 @p1 $0x1;
	p0 =	seq.s32 s7, s2  }
0x1e: {  	s7 =	smul.u32 @!p0 $0xF7A, s2;
	p2 =	seq.s32 @!p0 s5, $0x0  }
0x1f: {  	s9 =	smul.u32 $0xF7A, s1;
	s8 =	simm.s32 @!p0 $0x1BF5;
	p2 =	por !p2, p0  }
0x20: {  	[sflag:s8] =	ssyncset.s32 @!p0 $0xFFFFF086;
	s6 =	sadd.s32 @!p0 s3, s7;
	s7 =	simm.s32 @!p0 $0x108  }
0x21: {  	s3 =	sadd.s32 s3, s9;
	s6 =	sadd.s32 @!p0 $0x88, s6;
	s7 =	simm.s32 @p2 $0x1082  }
0x22: {  	[simem:s7], [sflag:s8] =	dma.local @!p0 [hbm:s6], $0xF7A  }
0x23: {  	s9 =	sor.u32 $0xD0000000, s2;
	s6 =	simm.s32 $0x108;
	_ =	swait.ge @!p0 [sflag:s8], $0x0  }
0x24: {  	s3 =	sadd.s32 $0x88, s3;
	s6 =	simm.s32 @!p1 $0x1082;
	[sflag:s4] =	ssyncset.s32 $0xFFFFF086  }
0x25: {  	[simem:s6], [sflag:s4] =	dma.local [hbm:s3], $0xF7A  }
0x26: {  	[smem:$0x3F86] =	sst s1;
	(tag) =	ssettag s2;
	_ =	strace s9  }
0x27: {  	s1 =	sld [smem:$0x3F96]  }
0x28: {  	s2 =	sld [smem:$0x3F97]  }
0x29: {  	s4 =	sld [smem:$0x3F99]  }
0x2a: {  	p0 =	seq.s32 s5, $0x0;
	s5 =	sld [smem:$0x3F9A]  }
0x2b: {  	s6 =	sld [smem:$0x3F9B]  }
0x2c: {  	s7 =	sld [smem:$0x3F9C]  }
0x2d: {  	s3 =	simm.s32 $0x108;
	s8 =	sld [smem:$0x3F9D]  }
0x2e: {  	s3 =	simm.s32 @!p0 $0x1082;
	s9 =	sld [smem:$0x3F9E]  }
0x2f: {  	lr =	sadd.s32 s0, s3;
	s0 =	sld [smem:$0x3F95]  }
0x30: {  	s3 =	sld [smem:$0x3F98]  }
0x31: {  	[smem:$0x3FA1] =	sst s10  }
0x32: {  	s10 =	sld [smem:$0x3F9F];
	_ =	sdelay $0x3  }
0x33: {  	p0 =	seq.s32 s10, $0x1;
	s10 =	sld [smem:$0x3FA1];
	_ =	sdelay $0x3  }
0x34: {  	[smem:$0x3FA1] =	sst s10  }
0x35: {  	s10 =	sld [smem:$0x3FA0];
	_ =	sdelay $0x3  }
0x36: {  	p1 =	seq.s32 s10, $0x1;
	s10 =	sld [smem:$0x3FA1];
	_ =	sdelay $0x3  }
0x37: {  	[smem:$0x3FA1] =	sst s10  }
0x38: {  	s10 =	sld [smem:$0x3FA2]  }
0x39: {  	_ = 	snop;
	(pc) =	sbr.ind lr, $3  }
0x3a: {  	_ = 	snop  }
0x3b: {  	_ = 	snop  }
0x3c: {  	p2 =	seq.s32 s10, $0x1;
	s10 =	sld [smem:$0x3FA1]  }
0x3d: {  	_ =	shalt  }
0x3e: {  	_ =	shalt  }
0x3f: {  	_ =	shalt  }
0x40: {  	_ =	shalt  }
0x41: {  	_ =	shalt  }
0x42: {  	_ =	shalt  }
0x43: {  	_ =	shalt  }
0x44: {  	_ =	shalt  }
0x45: {  	_ =	shalt  }
0x46: {  	_ =	shalt  }
0x47: {  	_ =	shalt  }
0x48: {  	_ =	shalt  }
0x49: {  	_ =	shalt  }
0x4a: {  	_ =	shalt  }
0x4b: {  	_ =	shalt  }
0x4c: {  	_ =	shalt  }
0x4d: {  	_ =	shalt  }
0x4e: {  	_ =	shalt  }
0x4f: {  	_ =	shalt  }
0x50: {  	_ =	shalt  }
0x51: {  	_ =	shalt  }
0x52: {  	_ =	shalt  }
0x53: {  	_ =	shalt  }
0x54: {  	_ =	shalt  }
0x55: {  	_ =	shalt  }
0x56: {  	_ =	shalt  }
0x57: {  	_ =	shalt  }
0x58: {  	_ =	shalt  }
0x59: {  	_ =	shalt  }
0x5a: {  	_ =	shalt  }
0x5b: {  	_ =	shalt  }
0x5c: {  	_ =	shalt  }
0x5d: {  	_ =	shalt  }
0x5e: {  	_ =	shalt  }
0x5f: {  	_ =	shalt  }
0x60: {  	_ =	shalt  }
0x61: {  	_ =	shalt  }
0x62: {  	_ =	shalt  }
0x63: {  	_ =	shalt  }
0x64: {  	_ =	shalt  }
0x65: {  	_ =	shalt  }
0x66: {  	_ =	shalt  }
0x67: {  	_ =	shalt  }
0x68: {  	_ =	shalt  }
0x69: {  	_ =	shalt  }
0x6a: {  	_ =	shalt  }
0x6b: {  	_ =	shalt  }
0x6c: {  	_ =	shalt  }
0x6d: {  	_ =	shalt  }
0x6e: {  	_ =	shalt  }
0x6f: {  	_ =	shalt  }
0x70: {  	_ =	shalt  }
0x71: {  	_ =	shalt  }
0x72: {  	_ =	shalt  }
0x73: {  	_ =	shalt  }
0x74: {  	_ =	shalt  }
0x75: {  	_ =	shalt  }
0x76: {  	_ =	shalt  }
0x77: {  	_ =	shalt  }
0x78: {  	_ =	shalt  }
0x79: {  	_ =	shalt  }
0x7a: {  	_ =	shalt  }
0x7b: {  	_ =	shalt  }
0x7c: {  	_ =	shalt  }
0x7d: {  	_ =	shalt  }
0x7e: {  	_ =	shalt  }
0x7f: {  	_ =	shalt  }
0x80: {  	_ =	shalt  }
0x81: {  	_ =	shalt  }
0x82: {  	_ =	shalt  }
0x83: {  	_ =	shalt  }
0x84: {  	_ =	shalt  }
0x85: {  	_ =	shalt  }
0x86: {  	_ =	shalt  }
0x87: {  	_ =	shalt  }
.Lfunc_end0:
.L_simem_size_0:
called_computation.2_lowered:
.L_overlay_start_0:
0x88: {  	s2 =	sld [smem:$0x3FD9]  }
0x89: {  	s3 =	sld [smem:$0x3FFE];
	_ =	sdelay $0x1  }
0x8a: {  	s1 =	srdreg.scid  }
0x8b: {  	s0 =	sand.u32 $0x1, s1  }
0x8c: {  	s16 =	sshll.u32 s0, $0xA;
	s2 =	sadd.s32 s3, s2  }
0x8d: {  	s2 =	sadd.s32 s2, s16  }
0x8e: {  	[smem:$0x3FAD] =	sst s2  }
0x8f: {  	_ = 	snop  }
0x90: {  	(tm) =	ssettm $0x1  }
0x91: {  	s17 =	sld [smem:$0x3FFB];
	_ =	sdelay $0x3  }
0x92: {  	_ =	strace s17  }
0x93: {  	s2 =	sld [smem:$0x3FFC];
	_ =	sdelay $0x3  }
0x94: {  	_ =	strace s2  }
0x95: {  	s2 =	sld [smem:$0x3FFD];
	_ =	sdelay $0x3  }
0x96: {  	_ =	strace s2  }
0x97: {  	_ =	strace $0x8FFFFFFF  }
0x98: {  	s18 =	sld [smem:$0x3FDB];
	_ =	sdelay $0x1  }
0x99: {  	s19 =	simm.s32 $_scs_section_size  }
0x9a: {  	s4 =	simm.s32 $_size__tile_overlayer_lowered;
	s5 =	simm.s32 $_tile_overlayer_lowered  }
0x9b: {  	s22 =	simm.s32 $0x1BFF;
	s21 =	sshll.u32 s5, $0x1;
	s2 =	sadd.s32 s19, s18  }
0x9c: {  	s6 =	simm.s32 $0x0;
	s20 =	sshll.u32 s4, $0x1;
	s4 =	sadd.s32 s21, s2  }
0x9d: {  	[timem:s6], [sflag:s22] =	dma.local [hbm:s4], s20  }
0x9e: {  	_ =	swait.ge [sflag:s22], s20  }
0x9f: {  	s3 =	ssub.s32 $0x0, s20;
	[sflag:s22] =	ssyncset.done $0x0  }
0xa0: {  	[sflag:s22] =	ssyncadd.s32 s3;
	_ =	sdelay $0x1  }
0xa1: {  	s23 =	simm.s32 $0x1B8B  }
0xa2: {  	_ =	swait.ge [sflag:s23], $0x1  }
0xa3: {  	[sflag:s23] =	ssyncset.done $0x0  }
0xa4: {  	s25 =	simm.s32 $0x1B8E;
	s24 =	sld [smem:$0x3FFE];
	[sflag:s23] =	ssyncadd.s32 $0xFFFFFFFF  }
0xa5: {  	s26 =	simm.s32 $execute0_lowered;
	[smem:$0x3FD2] =	sst s25  }
0xa6: {  	s4 =	sshll.u32 s26, $0x1;
	_ =	strace $0x8000004C;
	[dreg:$0x1] =	wrdreg $0xFFFFFFFF  }
0xa7: {  	s28 =	simm.s32 $_size_execute0_lowered;
	s2 =	sadd.s32 s2, s4;
	[dreg:$0x0] =	wrdreg $0x0  }
0xa8: {  	s4 =	sshll.u32 s28, $0x1;
	[dreg:$0x2] =	wrdreg s2  }
0xa9: {  	[dreg:$0x3] =	wrdreg s4  }
0xaa: {  	[dreg:$0x4] =	wrdreg $0xC0  }
0xab: {  	_ =	task [dreg:s6], $0x5FFFF  }
0xac: {  	[dreg:$0x1] =	wrdreg $0xFFFFFFFF  }
0xad: {  	[dreg:$0x0] =	wrdreg $0x60  }
0xae: {  	[dreg:$0x2] =	wrdreg s24  }
0xaf: {  	[dreg:$0x3] =	wrdreg $0x9  }
0xb0: {  	_ =	task.clear_ibuf [dreg:s6], $0x4FFFF;
	_ =	strace $0x9000004C  }
0xb1: {  	s29 =	simm.s32 $0x9;
	_ =	strace $0x8000004E  }
0xb2: {  	_ =	swait.ge [sflag:s29], $0x1  }
0xb3: {  	[sflag:s29] =	ssyncadd.s32 $0xFFFFFFFF  }
0xb4: {  	_ =	strace $0x9000004E  }
0xb5: {  	_ =	sfence  }
0xb6: {  	s30 =	sld [smem:$0x0];
	_ =	sdelay $0x2  }
0xb7: {  	s31 =	sshll.u32 s1, $0xD;
	s1 =	sshrl.u32 s1, $0x2  }
0xb8: {  	s3 =	sand.u32 $0x4000, s31;
	s1 =	sadd.s32 s1, s30  }
0xb9: {  	s0 =	sor.u32 s3, s0;
	s1 =	sshll.u32 s1, $0x11  }
0xba: {  	s0 =	sor.u32 s1, s0  }
0xbb: {  	s0 =	sadd.s32 $0x8F2B, s0  }
0xbc: {  	[sflag:s0] =	ssyncadd.remote.s32 $0x1  }
0xbd: {  	_ =	sfence.sel $0xFFFF  }
0xbe: {  	[dreg:$0x0] =	wrdreg $0xFFFFFFFF;
	(pc) =	sbr.abs _section_cstart, $3  }
0xbf: {  	[dreg:$0x1] =	wrdreg $0xFFFFFFFF  }
0xc0: {  	_ =	task.clear_ibuf [dreg:s6], $0x2FFFF;
	_ =	strace $0x9FFFFFFF  }
0xc1: {  	(tm) =	ssettm $0x7FFFFFFF  }
tec
execute0_lowered:
.L_overlay_start_1:
0x0: {  	(tag) =	ssettag $0x1  }
0x1: {  	s1 =	stileid.u32  }
0x2: {  	s5 =	smul.u32 $0x500, s1  }
0x3: {  	s6 =	smul.u32 $0x19000, s1  }
0x4: {  	s3 =	srdreg.scid;
	s8 =	smul.u32 $0xA000, s1  }
0x5: {  	s7 =	sand.u32 $0x1, s3;
	s13 =	smul.u32 $0x50, s1  }
0x6: {  	s4 =	rddreg [dreg:$0x0];
	s11 =	smul.u32 $0x280, s7  }
0x7: {  	s0 =	rddreg [dreg:$0x1];
	s2 =	simm.s32 $0x0;
	s30 =	smul.u32 $0xC800, s7  }
0x8: {  	[smem:$0x7FF] =	sst s2;
	s3 =	sadd.s32 $0x6B000, s4;
	s12 =	smul.u32 $0x5000, s7  }
0x9: {  	_ =	strace $0x8000004D;
	s9 =	ssub.s32 $0x2, s7;
	s14 =	smul.u32 $0x28, s7  }
0xa: {  	s10 =	sshrl.u32 s9, $0x1;
	s5 =	sadd.s32 s5, s4;
	s6 =	sadd.s32 s6, s4  }
0xb: {  	s8 =	sadd.s32 s8, s4;
	s4 =	sadd.s32 $0x61200, s4;
	s9 =	ssub.s32 s9, s10  }
0xc: {  	s11 =	sadd.s32 s11, s5;
	s10 =	sadd.s32 s30, s6;
	s31 =	sadd.s32 s12, s8  }
0xd: {  	s5 =	smax.u32 s9, $0x1;
	s6 =	sadd.s32 $0xDE00, s11;
	s7 =	sadd.s32 $0x8E00, s11  }
0xe: {  	s8 =	sadd.s32 $0x11FC00, s10;
	s9 =	sadd.s32 $0x83800, s31;
	s10 =	sadd.s32 s14, s13  }
.LBB2_1:
0xf: {  	p0 =	sgt.u32 s10, $0x4E1  }
0x10: {  	s11 =	sadd.s32 @!p0 $0x0, s7;
	s13 =	simm.s32 @!p0 $0x0;
	s15 =	simm.s32 @!p0 $0x2  }
0x11: {  	[tilespmem:s13], [sflag:$0x2] =	stream.linear.gather @!p0 [hbm4b:s11+s13], $0x80, $0x38;
	[tilespmem:$0x3900] =	vst v63  }
0x12: {  	_ =	swait.ge @!p0 [sflag:s15], $0x80;
	p0 =	por p0, p0  }
0x13: {  	[sflag:s15] =	ssyncset.done @!p0 $0x0  }
0x14: {  	s11 =	simm.s32 @!p0 $0x80;
	[sflag:s15] =	ssyncadd.s32 @!p0 $0xFFFFFF80  }
0x15: {  	[tilespmem:s11], [sflag:$0x2] =	stream.indirect.gather @!p0 [hbm4b:s3+s11], $0x50, s13, s11, $0xb8;
	[tilespmem:$0x3900] =	vst v63  }
0x16: {  	_ =	swait.ge @!p0 [sflag:s15], $0x2800  }
0x17: {  	[sflag:s15] =	ssyncset.done @!p0 $0x0  }
0x18: {  	[sflag:s15] =	ssyncadd.s32 @!p0 $0xFFFFD800  }
0x19: {  	[hbm4b:s8+s13] =	stream.linear.scatter @!p0 [tilespmem:s11], [sflag:$0x2], $0x2800, $0x38;
	[tilespmem:$0x3900] =	vst v63  }
0x1a: {  	_ =	swait.ge @!p0 [sflag:s15], $0x2800  }
0x1b: {  	[sflag:s15] =	ssyncset.done @!p0 $0x0  }
0x1c: {  	s12 =	sadd.s32 @!p0 $0x0, s6;
	s14 =	simm.s32 @!p0 $0x2880;
	[sflag:s15] =	ssyncadd.s32 @!p0 $0xFFFFD800  }
0x1d: {  	[tilespmem:s14], [sflag:$0x2] =	stream.linear.gather @!p0 [hbm4b:s12+s13], $0x80, $0x38;
	[tilespmem:$0x3900] =	vst v63  }
0x1e: {  	_ =	swait.ge @!p0 [sflag:s15], $0x80  }
0x1f: {  	[sflag:s15] =	ssyncset.done @!p0 $0x0  }
0x20: {  	s16 =	simm.s32 @!p0 $0x2900;
	[sflag:s15] =	ssyncadd.s32 @!p0 $0xFFFFFF80  }
0x21: {  	[tilespmem:s16], [sflag:$0x2] =	stream.indirect.gather @!p0 [hbm4b:s4+s11], $0x20, s14, s11, $0xb8;
	[tilespmem:$0x3900] =	vst v63  }
0x22: {  	_ =	swait.ge @!p0 [sflag:s15], $0x1000  }
0x23: {  	[sflag:s15] =	ssyncset.done @!p0 $0x0  }
0x24: {  	s12 =	simm.s32 $0x10;
	s14 =	simm.s32 $0x20;
	[sflag:s15] =	ssyncadd.s32 @!p0 $0xFFFFF000  }
0x25: {  	[hbm4b:s9+s13] =	stream.linear.scatter @!p0 [tilespmem:s16], [sflag:$0x1], $0x1000, $0x38;
	[tilespmem:$0x3900] =	vst v63  }
0x26: {  	s11 =	sadd.s32 $0x200, s9;
	s15 =	sadd.s32 $0x1, s10;
	s16 =	simm.s32 @!p0 $0x1  }
0x27: {  	p2 =	sgt.u32 s15, $0x4E1;
	s13 =	sadd.s32 $0x500, s8;
	_ =	swait.ge @!p0 [sflag:s16], $0x1000  }
.LBB2_2:
0x28: {  	s17 =	sadd.s32 @!p2 s12, s7;
	s18 =	simm.s32 @!p2 $0x0  }
0x29: {  	[sflag:s16] =	ssyncset.done @!p0 $0x0;
	s19 =	smov.u32 s14;
	s20 =	smov.u32 s11  }
0x2a: {  	s14 =	sadd.s32 $0x10, s14;
	s21 =	simm.s32 @!p2 $0x2;
	[sflag:s16] =	ssyncadd.s32 @!p0 $0xFFFFF000  }
0x2b: {  	[tilespmem:s18], [sflag:$0x2] =	stream.linear.gather @!p2 [hbm4b:s17+s18], $0x80, $0x38;
	[tilespmem:$0x3900] =	vst v63  }
0x2c: {  	p1 =	sne.s32 s14, $0x280;
	p0 =	por p2, p2;
	_ =	swait.ge @!p2 [sflag:s21], $0x80  }
0x2d: {  	[sflag:s21] =	ssyncset.done @!p0 $0x0  }
0x2e: {  	s16 =	simm.s32 @!p0 $0x80;
	[sflag:s21] =	ssyncadd.s32 @!p0 $0xFFFFFF80  }
0x2f: {  	[tilespmem:s16], [sflag:$0x2] =	stream.indirect.gather @!p0 [hbm4b:s3+s16], $0x50, s18, s16, $0xb8;
	[tilespmem:$0x3900] =	vst v63  }
0x30: {  	_ =	swait.ge @!p0 [sflag:s21], $0x2800  }
0x31: {  	[sflag:s21] =	ssyncset.done @!p0 $0x0  }
0x32: {  	[sflag:s21] =	ssyncadd.s32 @!p0 $0xFFFFD800  }
0x33: {  	[hbm4b:s13+s18] =	stream.linear.scatter @!p0 [tilespmem:s16], [sflag:$0x2], $0x2800, $0x38;
	[tilespmem:$0x3900] =	vst v63  }
0x34: {  	_ =	swait.ge @!p0 [sflag:s21], $0x2800  }
0x35: {  	[sflag:s21] =	ssyncset.done @!p0 $0x0  }
0x36: {  	s12 =	sadd.s32 @!p0 s12, s6;
	s17 =	simm.s32 @!p0 $0x2880;
	[sflag:s21] =	ssyncadd.s32 @!p0 $0xFFFFD800  }
0x37: {  	[tilespmem:s17], [sflag:$0x2] =	stream.linear.gather @!p0 [hbm4b:s12+s18], $0x80, $0x38;
	[tilespmem:$0x3900] =	vst v63  }
0x38: {  	s12 =	smov.u32 s19;
	_ =	swait.ge @!p0 [sflag:s21], $0x80  }
0x39: {  	[sflag:s21] =	ssyncset.done @!p0 $0x0  }
0x3a: {  	s19 =	simm.s32 @!p0 $0x2900;
	[sflag:s21] =	ssyncadd.s32 @!p0 $0xFFFFFF80  }
0x3b: {  	[tilespmem:s19], [sflag:$0x2] =	stream.indirect.gather @!p0 [hbm4b:s4+s16], $0x20, s17, s16, $0xb8;
	[tilespmem:$0x3900] =	vst v63  }
.Ltmp0:
0x3c: {  	_ =	swait.ge @!p0 [sflag:s21], $0x1000;
	(pc) =	sbr.rel @p1 .LBB2_2-.Ltmp0, $4  }
0x3d: {  	s11 =	sadd.s32 $0x200, s11;
	[sflag:s21] =	ssyncset.done @!p0 $0x0  }
0x3e: {  	s15 =	sadd.s32 $0x1, s15;
	s16 =	simm.s32 @!p0 $0x1;
	[sflag:s21] =	ssyncadd.s32 @!p0 $0xFFFFF000  }
0x3f: {  	[hbm4b:s20+s18] =	stream.linear.scatter @!p0 [tilespmem:s19], [sflag:$0x1], $0x1000, $0x38;
	[tilespmem:$0x3900] =	vst v63  }
0x40: {  	p2 =	sgt.u32 s15, $0x4E1;
	s13 =	sadd.s32 $0x500, s13;
	_ =	swait.ge @!p0 [sflag:s16], $0x1000  }
0x41: {  	s14 =	sadd.s32 @!p2 s12, s7;
	[sflag:s16] =	ssyncset.done @!p0 $0x0  }
0x42: {  	s15 =	simm.s32 @!p2 $0x0;
	s17 =	simm.s32 @!p2 $0x2;
	[sflag:s16] =	ssyncadd.s32 @!p0 $0xFFFFF000  }
0x43: {  	[tilespmem:s15], [sflag:$0x2] =	stream.linear.gather @!p2 [hbm4b:s14+s15], $0x80, $0x38;
	[tilespmem:$0x3900] =	vst v63  }
0x44: {  	p0 =	por p2, p2;
	_ =	swait.ge @!p2 [sflag:s17], $0x80  }
0x45: {  	[sflag:s17] =	ssyncset.done @!p0 $0x0  }
0x46: {  	s14 =	simm.s32 @!p0 $0x80;
	[sflag:s17] =	ssyncadd.s32 @!p0 $0xFFFFFF80  }
0x47: {  	[tilespmem:s14], [sflag:$0x2] =	stream.indirect.gather @!p0 [hbm4b:s3+s14], $0x50, s15, s14, $0xb8;
	[tilespmem:$0x3900] =	vst v63  }
0x48: {  	_ =	swait.ge @!p0 [sflag:s17], $0x2800  }
0x49: {  	[sflag:s17] =	ssyncset.done @!p0 $0x0  }
0x4a: {  	[sflag:s17] =	ssyncadd.s32 @!p0 $0xFFFFD800  }
0x4b: {  	[hbm4b:s13+s15] =	stream.linear.scatter @!p0 [tilespmem:s14], [sflag:$0x2], $0x2800, $0x38;
	[tilespmem:$0x3900] =	vst v63  }
0x4c: {  	_ =	swait.ge @!p0 [sflag:s17], $0x2800  }
0x4d: {  	[sflag:s17] =	ssyncset.done @!p0 $0x0  }
0x4e: {  	s12 =	sadd.s32 @!p0 s12, s6;
	s13 =	simm.s32 @!p0 $0x2880;
	[sflag:s17] =	ssyncadd.s32 @!p0 $0xFFFFD800  }
0x4f: {  	[tilespmem:s13], [sflag:$0x2] =	stream.linear.gather @!p0 [hbm4b:s12+s15], $0x80, $0x38;
	[tilespmem:$0x3900] =	vst v63  }
0x50: {  	_ =	swait.ge @!p0 [sflag:s17], $0x80  }
0x51: {  	[sflag:s17] =	ssyncset.done @!p0 $0x0  }
0x52: {  	s12 =	simm.s32 @!p0 $0x2900;
	[sflag:s17] =	ssyncadd.s32 @!p0 $0xFFFFFF80  }
0x53: {  	[tilespmem:s12], [sflag:$0x2] =	stream.indirect.gather @!p0 [hbm4b:s4+s14], $0x20, s13, s14, $0xb8;
	[tilespmem:$0x3900] =	vst v63  }
0x54: {  	s2 =	sadd.s32 $0x1, s2;
	_ =	swait.ge @!p0 [sflag:s17], $0x1000  }
0x55: {  	p1 =	sne.s32 s2, s5;
	[sflag:s17] =	ssyncset.done @!p0 $0x0  }
.Ltmp1:
0x56: {  	s13 =	simm.s32 @!p0 $0x1;
	[sflag:s17] =	ssyncadd.s32 @!p0 $0xFFFFF000;
	(pc) =	sbr.rel @p1 .LBB2_1-.Ltmp1, $4  }
0x57: {  	[hbm4b:s11+s15] =	stream.linear.scatter @!p0 [tilespmem:s12], [sflag:$0x1], $0x1000, $0x38;
	[tilespmem:$0x3900] =	vst v63  }
0x58: {  	_ =	swait.ge @!p0 [sflag:s13], $0x1000  }
0x59: {  	[sflag:s13] =	ssyncset.done @!p0 $0x0  }
0x5a: {  	[sflag:s13] =	ssyncadd.s32 @!p0 $0xFFFFF000  }
0x5b: {  	_ =	sfence.sel $0x180000  }
0x5c: {  	[bflag:$0x0] =	sbarrier.arrive $0xFFFF  }
0x5d: {  	p0 =	sne.s32 s1, $0x0;
	_ =	strace $0x9000004D  }
0x5e: {  	s0 =	sadd.s32 @!p0 $0x100000, s0;
	[bflag:$0x2] =	sbarrier.arrive $0xFFFF  }
0x5f: {  	[sflag:s0] =	ssyncadd.tile.s32 @!p0 $0x1;
	_ =	shalt  }
.Lfunc_end2:
_tile_overlayer_lowered:
.L_overlay_start_2:
0x60: {  	(tag) =	ssettag $0x2  }
0x61: {  	s0 =	rddreg [dreg:$0x0];
	s2 =	stileid.u32  }
0x62: {  	s1 =	rddreg [dreg:$0x1];
	p0 =	sne.s32 s2, $0x0  }
0x63: {  	s3 =	rddreg [dreg:$0x2];
	[bflag:$0x3] =	sbarrier.arrive $0xFFFF;
	s2 =	simm.s32 @!p0 $0x1C01  }
0x64: {  	[timem:s3], [sflag:s2] =	dma.local @!p0 [hbm:s0], s1  }
0x65: {  	s0 =	simm.s32 @!p0 $0x1  }
0x66: {  	_ =	swait.ge @!p0 [sflag:s0], s1  }
0x67: {  	s1 =	ssub.s32 @!p0 $0x0, s1;
	[sflag:s0] =	ssyncset.done @!p0 $0x0  }
0x68: {  	[sflag:s0] =	ssyncadd.s32 @!p0 s1  }
0x69: {  	[bflag:$0x3] =	sbarrier.arrive $0xFFFF  }
0x6a: {  	_ =	shalt  }

// kernel: kernel.20.cloned.1.call-start
scs
__scs_entry_jumppad:
0x0: {  	(pc) =	sbr.rel $0x88, $3  }
0x1: {  	(tag) =	ssettag $0x0;
	lr =	simm.s32 $0x1  }
0x2: {  	[smem:$0x3F86] =	sst lr;
	_ =	strace $0xD0000000  }
0x3: {  	_ = 	snop  }
0x4: {  	_ = 	snop  }
0x5: {  	_ = 	snop  }
0x6: {  	_ = 	snop  }
0x7: {  	_ = 	snop  }
__scs_overlays_trampoline_lowered:
0x8: {  	[smem:$0x3F95] =	sst s0  }
0x9: {  	[smem:$0x3F96] =	sst s1  }
0xa: {  	[smem:$0x3F97] =	sst s2  }
0xb: {  	[smem:$0x3F98] =	sst s3  }
0xc: {  	[smem:$0x3F99] =	sst s4  }
0xd: {  	[smem:$0x3F9A] =	sst s5  }
0xe: {  	[smem:$0x3F9B] =	sst s6  }
0xf: {  	[smem:$0x3F9C] =	sst s7  }
0x10: {  	[smem:$0x3F9D] =	sst s8  }
0x11: {  	[smem:$0x3F9E] =	sst s9;
	s0 =	simm.s32 @!p0 $0x0  }
0x12: {  	s1 =	sld [smem:$0x3F84];
	s0 =	simm.s32 @p0 $0x1  }
0x13: {  	[smem:$0x3F9F] =	sst s0;
	s0 =	simm.s32 @!p1 $0x0  }
0x14: {  	s2 =	sld [smem:$0x3F83];
	s0 =	simm.s32 @p1 $0x1  }
0x15: {  	[smem:$0x3FA0] =	sst s0;
	s0 =	simm.s32 @!p2 $0x0  }
0x16: {  	s3 =	sld [smem:$0x3FDB];
	s0 =	simm.s32 @p2 $0x1  }
0x17: {  	s4 =	simm.s32 $0x1BF5;
	[smem:$0x3FA2] =	sst s0  }
0x18: {  	s0 =	sld [smem:$0x3F85];
	_ =	swait.ge [sflag:s4], $0x0  }
0x19: {  	s7 =	sld [smem:$0x3F86]  }
0x1a: {  	s8 =	sadd.s32 $0xFFFFE003, lr  }
0x1b: {  	s9 =	sadd.s32 $0xFFFFFEF7, lr;
	s5 =	simm.s32 $0xFFFFFFFF;
	p2 =	slt.u32 s8, $0xFFFFF086  }
0x1c: {  	p1 =	slt.u32 s9, $0xF7A;
	s5 =	simm.s32 @!p2 $0x0  }
0x1d: {  	s5 =	simm.s32 @p1 $0x1;
	p0 =	seq.s32 s7, s2  }
0x1e: {  	s7 =	smul.u32 @!p0 $0xF7A, s2;
	p2 =	seq.s32 @!p0 s5, $0x0  }
0x1f: {  	s9 =	smul.u32 $0xF7A, s1;
	s8 =	simm.s32 @!p0 $0x1BF5;
	p2 =	por !p2, p0  }
0x20: {  	[sflag:s8] =	ssyncset.s32 @!p0 $0xFFFFF086;
	s6 =	sadd.s32 @!p0 s3, s7;
	s7 =	simm.s32 @!p0 $0x108  }
0x21: {  	s3 =	sadd.s32 s3, s9;
	s6 =	sadd.s32 @!p0 $0x88, s6;
	s7 =	simm.s32 @p2 $0x1082  }
0x22: {  	[simem:s7], [sflag:s8] =	dma.local @!p0 [hbm:s6], $0xF7A  }
0x23: {  	s9 =	sor.u32 $0xD0000000, s2;
	s6 =	simm.s32 $0x108;
	_ =	swait.ge @!p0 [sflag:s8], $0x0  }
0x24: {  	s3 =	sadd.s32 $0x88, s3;
	s6 =	simm.s32 @!p1 $0x1082;
	[sflag:s4] =	ssyncset.s32 $0xFFFFF086  }
0x25: {  	[simem:s6], [sflag:s4] =	dma.local [hbm:s3], $0xF7A  }
0x26: {  	[smem:$0x3F86] =	sst s1;
	(tag) =	ssettag s2;
	_ =	strace s9  }
0x27: {  	s1 =	sld [smem:$0x3F96]  }
0x28: {  	s2 =	sld [smem:$0x3F97]  }
0x29: {  	s4 =	sld [smem:$0x3F99]  }
0x2a: {  	p0 =	seq.s32 s5, $0x0;
	s5 =	sld [smem:$0x3F9A]  }
0x2b: {  	s6 =	sld [smem:$0x3F9B]  }
0x2c: {  	s7 =	sld [smem:$0x3F9C]  }
0x2d: {  	s3 =	simm.s32 $0x108;
	s8 =	sld [smem:$0x3F9D]  }
0x2e: {  	s3 =	simm.s32 @!p0 $0x1082;
	s9 =	sld [smem:$0x3F9E]  }
0x2f: {  	lr =	sadd.s32 s0, s3;
	s0 =	sld [smem:$0x3F95]  }
0x30: {  	s3 =	sld [smem:$0x3F98]  }
0x31: {  	[smem:$0x3FA1] =	sst s10  }
0x32: {  	s10 =	sld [smem:$0x3F9F];
	_ =	sdelay $0x3  }
0x33: {  	p0 =	seq.s32 s10, $0x1;
	s10 =	sld [smem:$0x3FA1];
	_ =	sdelay $0x3  }
0x34: {  	[smem:$0x3FA1] =	sst s10  }
0x35: {  	s10 =	sld [smem:$0x3FA0];
	_ =	sdelay $0x3  }
0x36: {  	p1 =	seq.s32 s10, $0x1;
	s10 =	sld [smem:$0x3FA1];
	_ =	sdelay $0x3  }
0x37: {  	[smem:$0x3FA1] =	sst s10  }
0x38: {  	s10 =	sld [smem:$0x3FA2]  }
0x39: {  	_ = 	snop;
	(pc) =	sbr.ind lr, $3  }
0x3a: {  	_ = 	snop  }
0x3b: {  	_ = 	snop  }
0x3c: {  	p2 =	seq.s32 s10, $0x1;
	s10 =	sld [smem:$0x3FA1]  }
0x3d: {  	_ =	shalt  }
0x3e: {  	_ =	shalt  }
0x3f: {  	_ =	shalt  }
0x40: {  	_ =	shalt  }
0x41: {  	_ =	shalt  }
0x42: {  	_ =	shalt  }
0x43: {  	_ =	shalt  }
0x44: {  	_ =	shalt  }
0x45: {  	_ =	shalt  }
0x46: {  	_ =	shalt  }
0x47: {  	_ =	shalt  }
0x48: {  	_ =	shalt  }
0x49: {  	_ =	shalt  }
0x4a: {  	_ =	shalt  }
0x4b: {  	_ =	shalt  }
0x4c: {  	_ =	shalt  }
0x4d: {  	_ =	shalt  }
0x4e: {  	_ =	shalt  }
0x4f: {  	_ =	shalt  }
0x50: {  	_ =	shalt  }
0x51: {  	_ =	shalt  }
0x52: {  	_ =	shalt  }
0x53: {  	_ =	shalt  }
0x54: {  	_ =	shalt  }
0x55: {  	_ =	shalt  }
0x56: {  	_ =	shalt  }
0x57: {  	_ =	shalt  }
0x58: {  	_ =	shalt  }
0x59: {  	_ =	shalt  }
0x5a: {  	_ =	shalt  }
0x5b: {  	_ =	shalt  }
0x5c: {  	_ =	shalt  }
0x5d: {  	_ =	shalt  }
0x5e: {  	_ =	shalt  }
0x5f: {  	_ =	shalt  }
0x60: {  	_ =	shalt  }
0x61: {  	_ =	shalt  }
0x62: {  	_ =	shalt  }
0x63: {  	_ =	shalt  }
0x64: {  	_ =	shalt  }
0x65: {  	_ =	shalt  }
0x66: {  	_ =	shalt  }
0x67: {  	_ =	shalt  }
0x68: {  	_ =	shalt  }
0x69: {  	_ =	shalt  }
0x6a: {  	_ =	shalt  }
0x6b: {  	_ =	shalt  }
0x6c: {  	_ =	shalt  }
0x6d: {  	_ =	shalt  }
0x6e: {  	_ =	shalt  }
0x6f: {  	_ =	shalt  }
0x70: {  	_ =	shalt  }
0x71: {  	_ =	shalt  }
0x72: {  	_ =	shalt  }
0x73: {  	_ =	shalt  }
0x74: {  	_ =	shalt  }
0x75: {  	_ =	shalt  }
0x76: {  	_ =	shalt  }
0x77: {  	_ =	shalt  }
0x78: {  	_ =	shalt  }
0x79: {  	_ =	shalt  }
0x7a: {  	_ =	shalt  }
0x7b: {  	_ =	shalt  }
0x7c: {  	_ =	shalt  }
0x7d: {  	_ =	shalt  }
0x7e: {  	_ =	shalt  }
0x7f: {  	_ =	shalt  }
0x80: {  	_ =	shalt  }
0x81: {  	_ =	shalt  }
0x82: {  	_ =	shalt  }
0x83: {  	_ =	shalt  }
0x84: {  	_ =	shalt  }
0x85: {  	_ =	shalt  }
0x86: {  	_ =	shalt  }
0x87: {  	_ =	shalt  }
.Lfunc_end0:
.L_simem_size_0:
called_computation.3_lowered:
.L_overlay_start_0:
0x88: {  	s2 =	sld [smem:$0x3FD9]  }
0x89: {  	s3 =	sld [smem:$0x3FFE];
	_ =	sdelay $0x1  }
0x8a: {  	s1 =	srdreg.scid  }
0x8b: {  	s0 =	sand.u32 $0x1, s1  }
0x8c: {  	s16 =	sshll.u32 s0, $0xA;
	s2 =	sadd.s32 s3, s2  }
0x8d: {  	s2 =	sadd.s32 s2, s16  }
0x8e: {  	[smem:$0x3FAD] =	sst s2  }
0x8f: {  	_ = 	snop  }
0x90: {  	(tm) =	ssettm $0x1  }
0x91: {  	s17 =	sld [smem:$0x3FFB];
	_ =	sdelay $0x3  }
0x92: {  	_ =	strace s17  }
0x93: {  	s2 =	sld [smem:$0x3FFC];
	_ =	sdelay $0x3  }
0x94: {  	_ =	strace s2  }
0x95: {  	s2 =	sld [smem:$0x3FFD];
	_ =	sdelay $0x3  }
0x96: {  	_ =	strace s2  }
0x97: {  	_ =	strace $0x8FFFFFFF  }
0x98: {  	s18 =	sld [smem:$0x3FDB];
	_ =	sdelay $0x1  }
0x99: {  	s19 =	simm.s32 $_scs_section_size  }
0x9a: {  	s4 =	simm.s32 $_size__tile_overlayer_lowered;
	s5 =	simm.s32 $_tile_overlayer_lowered  }
0x9b: {  	s22 =	simm.s32 $0x1BFF;
	s21 =	sshll.u32 s5, $0x1;
	s2 =	sadd.s32 s19, s18  }
0x9c: {  	s6 =	simm.s32 $0x0;
	s20 =	sshll.u32 s4, $0x1;
	s4 =	sadd.s32 s21, s2  }
0x9d: {  	[timem:s6], [sflag:s22] =	dma.local [hbm:s4], s20  }
0x9e: {  	_ =	swait.ge [sflag:s22], s20  }
0x9f: {  	s3 =	ssub.s32 $0x0, s20;
	[sflag:s22] =	ssyncset.done $0x0  }
0xa0: {  	[sflag:s22] =	ssyncadd.s32 s3;
	_ =	sdelay $0x1  }
0xa1: {  	s23 =	simm.s32 $0x1B8B  }
0xa2: {  	_ =	swait.ge [sflag:s23], $0x1  }
0xa3: {  	[sflag:s23] =	ssyncset.done $0x0  }
0xa4: {  	s25 =	simm.s32 $0x1B8E;
	s24 =	sld [smem:$0x3FFE];
	[sflag:s23] =	ssyncadd.s32 $0xFFFFFFFF  }
0xa5: {  	s26 =	simm.s32 $execute0_lowered;
	[smem:$0x3FD2] =	sst s25  }
0xa6: {  	s4 =	sshll.u32 s26, $0x1;
	_ =	strace $0x8000004F;
	[dreg:$0x1] =	wrdreg $0xFFFFFFFF  }
0xa7: {  	s28 =	simm.s32 $_size_execute0_lowered;
	s2 =	sadd.s32 s2, s4;
	[dreg:$0x0] =	wrdreg $0x0  }
0xa8: {  	s4 =	sshll.u32 s28, $0x1;
	[dreg:$0x2] =	wrdreg s2  }
0xa9: {  	[dreg:$0x3] =	wrdreg s4  }
0xaa: {  	[dreg:$0x4] =	wrdreg $0xC0  }
0xab: {  	_ =	task [dreg:s6], $0x5FFFF  }
0xac: {  	[dreg:$0x1] =	wrdreg $0xFFFFFFFF  }
0xad: {  	[dreg:$0x0] =	wrdreg $0x60  }
0xae: {  	[dreg:$0x2] =	wrdreg s24  }
0xaf: {  	[dreg:$0x3] =	wrdreg $0x2F900  }
0xb0: {  	[dreg:$0x4] =	wrdreg $0x9  }
0xb1: {  	_ =	task.clear_ibuf [dreg:s6], $0x5FFFF;
	_ =	strace $0x9000004F  }
0xb2: {  	s29 =	simm.s32 $0x9;
	_ =	strace $0x80000051  }
0xb3: {  	_ =	swait.ge [sflag:s29], $0x1  }
0xb4: {  	[sflag:s29] =	ssyncadd.s32 $0xFFFFFFFF  }
0xb5: {  	_ =	strace $0x90000051  }
0xb6: {  	_ =	sfence  }
0xb7: {  	s30 =	sld [smem:$0x0];
	_ =	sdelay $0x2  }
0xb8: {  	s31 =	sshll.u32 s1, $0xD;
	s1 =	sshrl.u32 s1, $0x2  }
0xb9: {  	s3 =	sand.u32 $0x4000, s31;
	s1 =	sadd.s32 s1, s30  }
0xba: {  	s0 =	sor.u32 s3, s0;
	s1 =	sshll.u32 s1, $0x11  }
0xbb: {  	s0 =	sor.u32 s1, s0  }
0xbc: {  	s0 =	sadd.s32 $0x8F2B, s0  }
0xbd: {  	[sflag:s0] =	ssyncadd.remote.s32 $0x1  }
0xbe: {  	_ =	sfence.sel $0xFFFF  }
0xbf: {  	[dreg:$0x0] =	wrdreg $0xFFFFFFFF;
	(pc) =	sbr.abs _section_cstart, $3  }
0xc0: {  	[dreg:$0x1] =	wrdreg $0xFFFFFFFF  }
0xc1: {  	_ =	task.clear_ibuf [dreg:s6], $0x2FFFF;
	_ =	strace $0x9FFFFFFF  }
0xc2: {  	(tm) =	ssettm $0x7FFFFFFF  }
0xc3: {  	_ =	shalt  }
tec
execute0_lowered:
.L_overlay_start_1:
0x0: {  	(tag) =	ssettag $0x1  }
0x1: {  	s1 =	stileid.u32  }
0x2: {  	s4 =	smul.u32 $0x5000, s1  }
0x3: {  	s6 =	smul.u32 $0x500, s1  }
0x4: {  	s8 =	smul.u32 $0x4E2, s1  }
0x5: {  	s7 =	srdreg.scid;
	s26 =	smul.u32 $0x9C40, s1  }
0x6: {  	s5 =	rddreg [dreg:$0x0];
	s7 =	sand.u32 $0x1, s7;
	s14 =	smul.u32 $0x50, s1  }
0x7: {  	s2 =	rddreg [dreg:$0x1];
	s3 =	simm.s32 $0x0;
	s10 =	smul.u32 $0x4E20, s7  }
0x8: {  	[smem:$0x7FF] =	sst s3;
	s12 =	smul.u32 $0x280, s7  }
0x9: {  	s0 =	rddreg [dreg:$0x2];
	_ =	strace $0x80000050;
	s13 =	smul.u32 $0x2800, s7  }
0xa: {  	s28 =	ssub.s32 $0x2, s7;
	s15 =	smul.u32 $0x28, s7;
	s9 =	sadd.s32 s4, s5  }
0xb: {  	s11 =	sadd.s32 s6, s5;
	s4 =	sadd.s32 $0x8E00, s5;
	s29 =	sshrl.u32 s28, $0x1  }
0xc: {  	s30 =	sshrl.u32 s26, $0x2;
	s8 =	sadd.s32 s8, s10;
	s10 =	ssub.s32 s28, s29  }
0xd: {  	s31 =	sadd.s32 s12, s11;
	s9 =	sadd.s32 s13, s9;
	s11 =	simm.s32 $0x880  }
0xe: {  	s12 =	simm.s32 $0x1;
	s13 =	simm.s32 $0x0;
	s8 =	sadd.s32 s8, s5  }
0xf: {  	s5 =	sadd.s32 s30, s2;
	s7 =	smax.u32 s10, $0x1;
	s9 =	sadd.s32 $0x61200, s9  }
0x10: {  	s10 =	sadd.s32 s15, s14;
	s6 =	sadd.s32 $0xAF400, s8;
	s8 =	sadd.s32 $0xDE00, s31  }
.LBB2_1:
0x11: {  	[tilespmem:s11], [sflag:$0x1] =	stream.linear.gather [hbm4b:s4+s3], $0x2710, $0x38;
	[tilespmem:$0x56A0] =	vst v63  }
0x12: {  	_ =	swait.ge [sflag:s12], $0x2710  }
0x13: {  	[sflag:s12] =	ssyncset.done $0x0  }
0x14: {  	[sflag:s12] =	ssyncadd.s32 $0xFFFFD8F0  }
0x15: {  	[spmem:s5] =	stream.linear.scatter [tilespmem:s11], [sflag:$0x1], $0x2710, $0x38;
	[tilespmem:$0x56A0] =	vst v63  }
0x16: {  	_ =	swait.ge [sflag:s12], $0x2710  }
0x17: {  	s14 =	sadd.s32 $0x0, s10;
	[sflag:s12] =	ssyncset.done $0x0  }
0x18: {  	p0 =	sgt.u32 s14, $0x4E1;
	[sflag:s12] =	ssyncadd.s32 $0xFFFFD8F0  }
0x19: {  	s14 =	simm.s32 @!p0 $0x0;
	s16 =	simm.s32 @!p0 $0x2;
	[bflag:$0x0] =	sbarrier.arrive $0xFFFF  }
0x1a: {  	[tilespmem:s14], [sflag:$0x2] =	stream.linear.gather @!p0 [hbm4b:s8+s14], $0x80, $0x38;
	[tilespmem:$0x56A0] =	vst v63  }
0x1b: {  	_ =	swait.ge @!p0 [sflag:s16], $0x80  }
0x1c: {  	[sflag:s16] =	ssyncset.done @!p0 $0x0;
	p0 =	por p0, p0  }
0x1d: {  	[sflag:s16] =	ssyncadd.s32 @!p0 $0xFFFFFF80;
	s18 =	simm.s32 @!p0 $0x80  }
0x1e: {  	[tilespmem:s18], [sflag:$0x2] =	stream.linear.gather @!p0 [hbm4b:s9+s14], $0x800, $0x38;
	[tilespmem:$0x56A0] =	vst v63  }
0x1f: {  	_ =	swait.ge @!p0 [sflag:s16], $0x800  }
0x20: {  	[sflag:s16] =	ssyncset.done @!p0 $0x0  }
0x21: {  	s31 =	sadd.s32 $0x1, s10;
	s17 =	simm.s32 @!p0 $0x1;
	[sflag:s16] =	ssyncadd.s32 @!p0 $0xFFFFF800  }
0x22: {  	[spmem:s2] =	stream.indirect.scatter.add.f32 @!p0 [tilespmem:s18], [sflag:$0x1], $0x10, s14, s18, $0xb8;
	[tilespmem:$0x56A0] =	vst v63  }
0x23: {  	s15 =	simm.s32 $0x2;
	p1 =	sgt.u32 s31, $0x4E1;
	_ =	swait.ge @!p0 [sflag:s17], $0x800  }
0x24: {  	s16 =	sadd.s32 $0x10, s8;
	s14 =	sadd.s32 $0x100, s9;
	[sflag:s17] =	ssyncset.done @!p0 $0x0  }
.LBB2_2:
0x25: {  	s18 =	simm.s32 @!p1 $0x0;
	s19 =	simm.s32 @!p1 $0x2;
	[sflag:s17] =	ssyncadd.s32 @!p0 $0xFFFFF800  }
0x26: {  	[tilespmem:s18], [sflag:$0x2] =	stream.linear.gather @!p1 [hbm4b:s16+s18], $0x80, $0x38;
	[tilespmem:$0x56A0] =	vst v63  }
0x27: {  	s20 =	smov.u32 s15;
	s15 =	sadd.s32 $0x1, s15;
	_ =	swait.ge @!p1 [sflag:s19], $0x80  }
0x28: {  	p0 =	por p1, p1;
	p2 =	sne.s32 s15, $0x28;
	[sflag:s19] =	ssyncset.done @!p1 $0x0  }
0x29: {  	s21 =	simm.s32 @!p0 $0x80;
	[sflag:s19] =	ssyncadd.s32 @!p0 $0xFFFFFF80  }
0x2a: {  	[tilespmem:s21], [sflag:$0x2] =	stream.linear.gather @!p0 [hbm4b:s14+s18], $0x800, $0x38;
	[tilespmem:$0x56A0] =	vst v63  }
0x2b: {  	_ =	swait.ge @!p0 [sflag:s19], $0x800  }
.Ltmp0:
0x2c: {  	[sflag:s19] =	ssyncset.done @!p0 $0x0;
	(pc) =	sbr.rel @p2 .LBB2_2-.Ltmp0, $4  }
0x2d: {  	s17 =	simm.s32 @!p0 $0x1;
	[sflag:s19] =	ssyncadd.s32 @!p0 $0xFFFFF800  }
0x2e: {  	[spmem:s2] =	stream.indirect.scatter.add.f32 @!p0 [tilespmem:s21], [sflag:$0x1], $0x10, s18, s21, $0xb8;
	[tilespmem:$0x56A0] =	vst v63  }
0x2f: {  	s14 =	sadd.s32 $0x100, s14;
	s18 =	sadd.s32 s20, s10;
	_ =	swait.ge @!p0 [sflag:s17], $0x800  }
0x30: {  	s16 =	sadd.s32 $0x10, s16;
	p1 =	sgt.u32 s18, $0x4E1;
	[sflag:s17] =	ssyncset.done @!p0 $0x0  }
0x31: {  	s15 =	simm.s32 @!p1 $0x0;
	s18 =	simm.s32 @!p1 $0x2;
	[sflag:s17] =	ssyncadd.s32 @!p0 $0xFFFFF800  }
0x32: {  	[tilespmem:s15], [sflag:$0x2] =	stream.linear.gather @!p1 [hbm4b:s16+s15], $0x80, $0x38;
	[tilespmem:$0x56A0] =	vst v63  }
0x33: {  	_ =	swait.ge @!p1 [sflag:s18], $0x80  }
0x34: {  	p0 =	por p1, p1;
	[sflag:s18] =	ssyncset.done @!p1 $0x0  }
0x35: {  	s16 =	simm.s32 @!p0 $0x80;
	[sflag:s18] =	ssyncadd.s32 @!p0 $0xFFFFFF80  }
0x36: {  	[tilespmem:s16], [sflag:$0x2] =	stream.linear.gather @!p0 [hbm4b:s14+s15], $0x800, $0x38;
	[tilespmem:$0x56A0] =	vst v63  }
0x37: {  	_ =	swait.ge @!p0 [sflag:s18], $0x800  }
0x38: {  	[sflag:s18] =	ssyncset.done @!p0 $0x0  }
0x39: {  	s14 =	simm.s32 @!p0 $0x1;
	[sflag:s18] =	ssyncadd.s32 @!p0 $0xFFFFF800  }
0x3a: {  	[spmem:s2] =	stream.indirect.scatter.add.f32 @!p0 [tilespmem:s16], [sflag:$0x1], $0x10, s15, s16, $0xb8;
	[tilespmem:$0x56A0] =	vst v63  }
0x3b: {  	_ =	swait.ge @!p0 [sflag:s14], $0x800  }
0x3c: {  	[sflag:s14] =	ssyncset.done @!p0 $0x0  }
0x3d: {  	[sflag:s14] =	ssyncadd.s32 @!p0 $0xFFFFF800  }
0x3e: {  	[bflag:$0x0] =	sbarrier.arrive $0xFFFF  }
0x3f: {  	[tilespmem:s11], [sflag:$0x1] =	stream.linear.gather [spmem:s5], $0x2710, $0x38;
	[tilespmem:$0x56A0] =	vst v63  }
0x40: {  	s13 =	sadd.s32 $0x1, s13;
	_ =	swait.ge [sflag:s12], $0x2710  }
0x41: {  	p0 =	sne.s32 s13, s7;
	[sflag:s12] =	ssyncset.done $0x0  }
.Ltmp1:
0x42: {  	[sflag:s12] =	ssyncadd.s32 $0xFFFFD8F0;
	(pc) =	sbr.rel @p0 .LBB2_1-.Ltmp1, $4  }
0x43: {  	[hbm4b:s6+s3] =	stream.linear.scatter [tilespmem:s11], [sflag:$0x1], $0x2710, $0x38;
	[tilespmem:$0x56A0] =	vst v63  }
0x44: {  	_ =	swait.ge [sflag:s12], $0x2710  }
0x45: {  	[sflag:s12] =	ssyncset.done $0x0  }
0x46: {  	[sflag:s12] =	ssyncadd.s32 $0xFFFFD8F0  }
0x47: {  	_ =	sfence.sel $0x180000  }
0x48: {  	[bflag:$0x0] =	sbarrier.arrive $0xFFFF  }
0x49: {  	p0 =	sne.s32 s1, $0x0;
	_ =	strace $0x90000050  }
0x4a: {  	s0 =	sadd.s32 @!p0 $0x100000, s0;
	[bflag:$0x2] =	sbarrier.arrive $0xFFFF  }
0x4b: {  	[sflag:s0] =	ssyncadd.tile.s32 @!p0 $0x1;
	_ =	shalt  }
.Lfunc_end2:
_tile_overlayer_lowered:
.L_overlay_start_2:
0x4c: {  	(tag) =	ssettag $0x2  }
0x4d: {  	s0 =	rddreg [dreg:$0x0];
	s2 =	stileid.u32  }
0x4e: {  	s1 =	rddreg [dreg:$0x1];
	p0 =	sne.s32 s2, $0x0  }
0x4f: {  	s3 =	rddreg [dreg:$0x2];
	[bflag:$0x3] =	sbarrier.arrive $0xFFFF;
	s2 =	simm.s32 @!p0 $0x1C01  }
0x50: {  	[timem:s3], [sflag:s2] =	dma.local @!p0 [hbm:s0], s1  }
0x51: {  	s0 =	simm.s32 @!p0 $0x1  }
0x52: {  	_ =	swait.ge @!p0 [sflag:s0], s1  }
0x53: {  	s1 =	ssub.s32 @!p0 $0x0, s1;
	[sflag:s0] =	ssyncset.done @!p0 $0x0  }
0x54: {  	[sflag:s0] =	ssyncadd.s32 @!p0 s1  }
0x55: {  	[bflag:$0x3] =	sbarrier.arrive $0xFFFF  }
0x56: {  	_ =	shalt  }

</sc_bundles>
